<compile_context>
chip_gen: v7x
topology: tpu7x:2x2x1
jax: 0.10.2.dev20260603
libtpu: 0.0.44.dev20260713+nightly
codegen_flags: <defaults>
</compile_context>

<pallas_src>
import functools
import math

import jax
import jax.numpy as jnp
from jax import lax
from jax.experimental import pallas as pl
from jax.experimental.pallas import tpu as pltpu
from jax.experimental.pallas import tpu_sc as plsc

D_MODEL = 64
SCALE = math.sqrt(D_MODEL)

SEQ = 200
BATCH = 4096
VOCAB = 1000000
N_TOKENS = BATCH * SEQ
NUM_WORKERS = 32

B = 128
BLK_PER_J = BATCH // B
NBLK = N_TOKENS // B
PER_W = NBLK // NUM_WORKERS
NS = 4
GROUPS = PER_W // (2 * NS)


V_BLK = 8192
N_VBLK = -(-VOCAB // V_BLK)


def _pad_body(wt_ref, out_ref):
    t = jnp.transpose(wt_ref[...]) * SCALE
    out_ref[...] = jnp.concatenate(
        [t, jnp.zeros((V_BLK, 128 - D_MODEL), jnp.float32)], axis=1
    )


_pad_table = pl.pallas_call(
    _pad_body,
    grid=(N_VBLK,),
    in_specs=[pl.BlockSpec((D_MODEL, V_BLK), lambda i: (0, i))],
    out_specs=pl.BlockSpec((V_BLK, 128), lambda i: (i, 0)),
    out_shape=jax.ShapeDtypeStruct((VOCAB, 128), jnp.float32),
)


_MESH = plsc.VectorSubcoreMesh(core_axis_name="c", subcore_axis_name="s")


@functools.partial(
    pl.kernel,
    out_type=jax.ShapeDtypeStruct((SEQ, D_MODEL, BATCH), jnp.float32),
    mesh=_MESH,
    scratch_types=[
        [pltpu.VMEM((B,), jnp.int32) for _ in range(2 * NS)],
        [pltpu.VMEM((B, 128), jnp.float32) for _ in range(NS)],
        [pltpu.VMEM((D_MODEL, B), jnp.float32) for _ in range(NS)],
        [pltpu.SemaphoreType.DMA for _ in range(2 * NS)],
        [pltpu.SemaphoreType.DMA for _ in range(NS)],
        [pltpu.SemaphoreType.DMA for _ in range(NS)],
    ],
    compiler_params=pltpu.CompilerParams(needs_layout_passes=False),
)
def _gather(x_hbm, w_hbm, out_hbm, idxs, gs, ts, sem_i, sem_g, sem_st):
    wid = lax.axis_index("s") * 2 + lax.axis_index("c")
    bid0 = wid * PER_W
    bid_end = bid0 + PER_W

    def block_coords(bid):
        return bid // BLK_PER_J, (bid % BLK_PER_J) * B

    def issue_idx(bid, s):
        j, i0 = block_coords(bid)
        pltpu.async_copy(x_hbm.at[j, pl.ds(i0, B)], idxs[s], sem_i[s])

    def wait_idx(s):
        pltpu.make_async_copy(
            x_hbm.at[0, pl.ds(0, B)], idxs[s], sem_i[s]
        ).wait()

    def issue_gather(si, s):
        pltpu.async_copy(w_hbm.at[idxs[si]], gs[s], sem_g[s])

    def wait_gather(s):
        pltpu.make_async_copy(w_hbm.at[idxs[0]], gs[s], sem_g[s]).wait()

    def issue_store(bid, s):
        j, i0 = block_coords(bid)
        pltpu.async_copy(ts[s], out_hbm.at[j, :, pl.ds(i0, B)], sem_st[s])

    def wait_store(s):
        pltpu.make_async_copy(
            ts[s], out_hbm.at[0, :, pl.ds(0, B)], sem_st[s]
        ).wait()

    lanes = lax.iota(jnp.int32, 16)
    diag_rows = [(lanes + k) & 15 for k in range(16)]
    d_cols = [lanes + 16 * d16 for d16 in range(D_MODEL // 16)]

    def transform(s):
        src = gs[s]
        dst = ts[s]

        @plsc.parallel_loop(0, B // 16, 1)
        def _(ii):
            i0 = ii * 16
            srow = src.at[pl.ds(i0, 16), :]

            def kbody(k, c):
                rows = (lanes + k) & 15
                r = rows + i0
                for d16 in range(D_MODEL // 16):
                    v = plsc.load_gather(srow, [rows, d_cols[d16]])
                    plsc.store_scatter(dst, [d_cols[d16], r], v)
                return c

            lax.fori_loop(0, 16, kbody, 0)

    K = 3
    for s in range(2 * NS):
        issue_idx(bid0 + s, s)
    for s in range(K):
        wait_idx(s)
        issue_gather(s, s)

    def group_body(g, carry):
        for b in range(2 * NS):
            bid = bid0 + g * 2 * NS + b
            sg = b % NS
            gi_ahead = (b + K) % (2 * NS)
            sg_ahead = (b + K) % NS

            @pl.when(bid + K < bid_end)
            def _():
                wait_idx(gi_ahead)
                issue_gather(gi_ahead, sg_ahead)

            wait_gather(sg)

            @pl.when(bid + 2 * NS < bid_end)
            def _():
                issue_idx(bid + 2 * NS, b)

            if b >= NS:
                wait_store(sg)
            else:
                @pl.when(g > 0)
                def _():
                    wait_store(sg)

            transform(sg)
            issue_store(bid, sg)

        return carry

    lax.fori_loop(0, GROUPS, group_body, 0)

    for b in range(NS):
        wait_store(b)


def kernel(x, weight):
    w_pad = _pad_table(weight.T)
    out_t = _gather(x.T, w_pad)
    return jnp.transpose(out_t, (2, 0, 1))

# --- scband reference (transcript-rebuilt; emitter-appended) ---
"""Pipeline reference for scband-input-embedding-13365938225159 (READ-ONLY COPY).

The authoritative reference and input builder live on the scoring server;
editing this copy changes nothing except your own understanding.
"""

import math
import jax, jax.numpy as jnp
import numpy as np

VOCAB_SIZE = 1000000
D_MODEL = 64

def setup_inputs(seed: int = 0) -> dict:
    key = jax.random.key(seed)
    k1, k2 = jax.random.split(key)
    x = jax.random.randint(k1, (4096, 200), 0, VOCAB_SIZE, dtype=jnp.int64 if jax.config.read('jax_enable_x64') else jnp.int32)
    weight = jax.random.uniform(k2, (VOCAB_SIZE, D_MODEL), dtype=jnp.float32)
    return {"x": x, "weight": weight}

def reference(x, weight):
    # InputEmbedding.forward: embedding lookup scaled by sqrt(d_model)
    emb = jnp.take(weight, x, axis=0)
    return emb * math.sqrt(D_MODEL)

if __name__ == "__main__":
    import jax
    _d = setup_inputs()
    print(jax.jit(kernel)(*tuple(_d.values())))

</pallas_src>

<mosaic_0001>
#map = affine_map<(d0, d1) -> (0, 0)>
#map1 = affine_map<(d0, d1) -> (0, 0, 0)>
module attributes {stable_mosaic.version = 14 : i64} {
  func.func @_gather(%arg0: i32, %arg1: i32, %arg2: memref<200x4096xi32, #tpu.memory_space<hbm>>, %arg3: memref<1000000x128xf32, #tpu.memory_space<hbm>>, %arg4: memref<200x64x4096xf32, #tpu.memory_space<hbm>>, %arg5: memref<128xi32, #tpu.memory_space<vmem>>, %arg6: memref<128xi32, #tpu.memory_space<vmem>>, %arg7: memref<128xi32, #tpu.memory_space<vmem>>, %arg8: memref<128xi32, #tpu.memory_space<vmem>>, %arg9: memref<128xi32, #tpu.memory_space<vmem>>, %arg10: memref<128xi32, #tpu.memory_space<vmem>>, %arg11: memref<128xi32, #tpu.memory_space<vmem>>, %arg12: memref<128xi32, #tpu.memory_space<vmem>>, %arg13: memref<128x128xf32, #tpu.memory_space<vmem>>, %arg14: memref<128x128xf32, #tpu.memory_space<vmem>>, %arg15: memref<128x128xf32, #tpu.memory_space<vmem>>, %arg16: memref<128x128xf32, #tpu.memory_space<vmem>>, %arg17: memref<64x128xf32, #tpu.memory_space<vmem>>, %arg18: memref<64x128xf32, #tpu.memory_space<vmem>>, %arg19: memref<64x128xf32, #tpu.memory_space<vmem>>, %arg20: memref<64x128xf32, #tpu.memory_space<vmem>>, %arg21: memref<!tpu.dma_semaphore, #tpu.memory_space<semaphore_mem>>, %arg22: memref<!tpu.dma_semaphore, #tpu.memory_space<semaphore_mem>>, %arg23: memref<!tpu.dma_semaphore, #tpu.memory_space<semaphore_mem>>, %arg24: memref<!tpu.dma_semaphore, #tpu.memory_space<semaphore_mem>>, %arg25: memref<!tpu.dma_semaphore, #tpu.memory_space<semaphore_mem>>, %arg26: memref<!tpu.dma_semaphore, #tpu.memory_space<semaphore_mem>>, %arg27: memref<!tpu.dma_semaphore, #tpu.memory_space<semaphore_mem>>, %arg28: memref<!tpu.dma_semaphore, #tpu.memory_space<semaphore_mem>>, %arg29: memref<!tpu.dma_semaphore, #tpu.memory_space<semaphore_mem>>, %arg30: memref<!tpu.dma_semaphore, #tpu.memory_space<semaphore_mem>>, %arg31: memref<!tpu.dma_semaphore, #tpu.memory_space<semaphore_mem>>, %arg32: memref<!tpu.dma_semaphore, #tpu.memory_space<semaphore_mem>>, %arg33: memref<!tpu.dma_semaphore, #tpu.memory_space<semaphore_mem>>, %arg34: memref<!tpu.dma_semaphore, #tpu.memory_space<semaphore_mem>>, %arg35: memref<!tpu.dma_semaphore, #tpu.memory_space<semaphore_mem>>, %arg36: memref<!tpu.dma_semaphore, #tpu.memory_space<semaphore_mem>>) attributes {dimension_semantics = [#tpu.dimension_semantics<core_parallel>, #tpu.dimension_semantics<subcore_parallel>], iteration_bounds = array<i64: 2, 16>, scalar_prefetch = 0 : i64, scratch_operands = 32 : i64, tpu.core_type = #tpu.core_type<sc_vector_subcore>, window_params = [{transform_indices = #map}, {transform_indices = #map}, {transform_indices = #map1}]} {
    %mul3A = arith.constant 2 : i32
    %mul3A_0 = arith.muli %arg1, %mul3A : i32
    %add3A = arith.addi %mul3A_0, %arg0 : i32
    %mul3A_1 = arith.constant 200 : i32
    %mul3A_2 = arith.muli %add3A, %mul3A_1 : i32
    %add3A_3 = arith.constant 200 : i32
    %add3A_4 = arith.addi %mul3A_2, %add3A_3 : i32
    %iota3A = tpu.iota {dimensions = array<i32: 0>} : vector<16xi32>
    %add3A_5 = arith.constant 0 : i32
    %add3A_6 = vector.broadcast %add3A_5 : i32 to vector<16xi32>
    %add3A_7 = arith.addi %iota3A, %add3A_6 : vector<16xi32>
    %and3A = arith.constant 15 : i32
    %and3A_8 = vector.broadcast %and3A : i32 to vector<16xi32>
    %and3A_9 = arith.andi %add3A_7, %and3A_8 : vector<16xi32>
    %add3A_10 = arith.constant 1 : i32
    %add3A_11 = vector.broadcast %add3A_10 : i32 to vector<16xi32>
    %add3A_12 = arith.addi %iota3A, %add3A_11 : vector<16xi32>
    %and3A_13 = arith.constant 15 : i32
    %and3A_14 = vector.broadcast %and3A_13 : i32 to vector<16xi32>
    %and3A_15 = arith.andi %add3A_12, %and3A_14 : vector<16xi32>
    %add3A_16 = arith.constant 2 : i32
    %add3A_17 = vector.broadcast %add3A_16 : i32 to vector<16xi32>
    %add3A_18 = arith.addi %iota3A, %add3A_17 : vector<16xi32>
    %and3A_19 = arith.constant 15 : i32
    %and3A_20 = vector.broadcast %and3A_19 : i32 to vector<16xi32>
    %and3A_21 = arith.andi %add3A_18, %and3A_20 : vector<16xi32>
    %add3A_22 = arith.constant 3 : i32
    %add3A_23 = vector.broadcast %add3A_22 : i32 to vector<16xi32>
    %add3A_24 = arith.addi %iota3A, %add3A_23 : vector<16xi32>
    %and3A_25 = arith.constant 15 : i32
    %and3A_26 = vector.broadcast %and3A_25 : i32 to vector<16xi32>
    %and3A_27 = arith.andi %add3A_24, %and3A_26 : vector<16xi32>
    %add3A_28 = arith.constant 4 : i32
    %add3A_29 = vector.broadcast %add3A_28 : i32 to vector<16xi32>
    %add3A_30 = arith.addi %iota3A, %add3A_29 : vector<16xi32>
    %and3A_31 = arith.constant 15 : i32
    %and3A_32 = vector.broadcast %and3A_31 : i32 to vector<16xi32>
    %and3A_33 = arith.andi %add3A_30, %and3A_32 : vector<16xi32>
    %add3A_34 = arith.constant 5 : i32
    %add3A_35 = vector.broadcast %add3A_34 : i32 to vector<16xi32>
    %add3A_36 = arith.addi %iota3A, %add3A_35 : vector<16xi32>
    %and3A_37 = arith.constant 15 : i32
    %and3A_38 = vector.broadcast %and3A_37 : i32 to vector<16xi32>
    %and3A_39 = arith.andi %add3A_36, %and3A_38 : vector<16xi32>
    %add3A_40 = arith.constant 6 : i32
    %add3A_41 = vector.broadcast %add3A_40 : i32 to vector<16xi32>
    %add3A_42 = arith.addi %iota3A, %add3A_41 : vector<16xi32>
    %and3A_43 = arith.constant 15 : i32
    %and3A_44 = vector.broadcast %and3A_43 : i32 to vector<16xi32>
    %and3A_45 = arith.andi %add3A_42, %and3A_44 : vector<16xi32>
    %add3A_46 = arith.constant 7 : i32
    %add3A_47 = vector.broadcast %add3A_46 : i32 to vector<16xi32>
    %add3A_48 = arith.addi %iota3A, %add3A_47 : vector<16xi32>
    %and3A_49 = arith.constant 15 : i32
    %and3A_50 = vector.broadcast %and3A_49 : i32 to vector<16xi32>
    %and3A_51 = arith.andi %add3A_48, %and3A_50 : vector<16xi32>
    %add3A_52 = arith.constant 8 : i32
    %add3A_53 = vector.broadcast %add3A_52 : i32 to vector<16xi32>
    %add3A_54 = arith.addi %iota3A, %add3A_53 : vector<16xi32>
    %and3A_55 = arith.constant 15 : i32
    %and3A_56 = vector.broadcast %and3A_55 : i32 to vector<16xi32>
    %and3A_57 = arith.andi %add3A_54, %and3A_56 : vector<16xi32>
    %add3A_58 = arith.constant 9 : i32
    %add3A_59 = vector.broadcast %add3A_58 : i32 to vector<16xi32>
    %add3A_60 = arith.addi %iota3A, %add3A_59 : vector<16xi32>
    %and3A_61 = arith.constant 15 : i32
    %and3A_62 = vector.broadcast %and3A_61 : i32 to vector<16xi32>
    %and3A_63 = arith.andi %add3A_60, %and3A_62 : vector<16xi32>
    %add3A_64 = arith.constant 10 : i32
    %add3A_65 = vector.broadcast %add3A_64 : i32 to vector<16xi32>
    %add3A_66 = arith.addi %iota3A, %add3A_65 : vector<16xi32>
    %and3A_67 = arith.constant 15 : i32
    %and3A_68 = vector.broadcast %and3A_67 : i32 to vector<16xi32>
    %and3A_69 = arith.andi %add3A_66, %and3A_68 : vector<16xi32>
    %add3A_70 = arith.constant 11 : i32
    %add3A_71 = vector.broadcast %add3A_70 : i32 to vector<16xi32>
    %add3A_72 = arith.addi %iota3A, %add3A_71 : vector<16xi32>
    %and3A_73 = arith.constant 15 : i32
    %and3A_74 = vector.broadcast %and3A_73 : i32 to vector<16xi32>
    %and3A_75 = arith.andi %add3A_72, %and3A_74 : vector<16xi32>
    %add3A_76 = arith.constant 12 : i32
    %add3A_77 = vector.broadcast %add3A_76 : i32 to vector<16xi32>
    %add3A_78 = arith.addi %iota3A, %add3A_77 : vector<16xi32>
    %and3A_79 = arith.constant 15 : i32
    %and3A_80 = vector.broadcast %and3A_79 : i32 to vector<16xi32>
    %and3A_81 = arith.andi %add3A_78, %and3A_80 : vector<16xi32>
    %add3A_82 = arith.constant 13 : i32
    %add3A_83 = vector.broadcast %add3A_82 : i32 to vector<16xi32>
    %add3A_84 = arith.addi %iota3A, %add3A_83 : vector<16xi32>
    %and3A_85 = arith.constant 15 : i32
    %and3A_86 = vector.broadcast %and3A_85 : i32 to vector<16xi32>
    %and3A_87 = arith.andi %add3A_84, %and3A_86 : vector<16xi32>
    %add3A_88 = arith.constant 14 : i32
    %add3A_89 = vector.broadcast %add3A_88 : i32 to vector<16xi32>
    %add3A_90 = arith.addi %iota3A, %add3A_89 : vector<16xi32>
    %and3A_91 = arith.constant 15 : i32
    %and3A_92 = vector.broadcast %and3A_91 : i32 to vector<16xi32>
    %and3A_93 = arith.andi %add3A_90, %and3A_92 : vector<16xi32>
    %add3A_94 = arith.constant 15 : i32
    %add3A_95 = vector.broadcast %add3A_94 : i32 to vector<16xi32>
    %add3A_96 = arith.addi %iota3A, %add3A_95 : vector<16xi32>
    %and3A_97 = arith.constant 15 : i32
    %and3A_98 = vector.broadcast %and3A_97 : i32 to vector<16xi32>
    %and3A_99 = arith.andi %add3A_96, %and3A_98 : vector<16xi32>
    %add3A_100 = arith.constant 0 : i32
    %add3A_101 = vector.broadcast %add3A_100 : i32 to vector<16xi32>
    %add3A_102 = arith.addi %iota3A, %add3A_101 : vector<16xi32>
    %add3A_103 = arith.constant 16 : i32
    %add3A_104 = vector.broadcast %add3A_103 : i32 to vector<16xi32>
    %add3A_105 = arith.addi %iota3A, %add3A_104 : vector<16xi32>
    %add3A_106 = arith.constant 32 : i32
    %add3A_107 = vector.broadcast %add3A_106 : i32 to vector<16xi32>
    %add3A_108 = arith.addi %iota3A, %add3A_107 : vector<16xi32>
    %add3A_109 = arith.constant 48 : i32
    %add3A_110 = vector.broadcast %add3A_109 : i32 to vector<16xi32>
    %add3A_111 = arith.addi %iota3A, %add3A_110 : vector<16xi32>
    %add3A_112 = arith.constant 0 : i32
    %add3A_113 = arith.addi %mul3A_2, %add3A_112 : i32
    %jit3A = arith.constant 32 : i32
    %div3A = arith.divsi %add3A_113, %jit3A : i32
    %sign3A = arith.constant 0 : i32
    %sign3A_114 = arith.cmpi sgt, %add3A_113, %sign3A : i32
    %sign3A_115 = arith.extui %sign3A_114 : i1 to i32
    %sign3A_116 = arith.constant 0 : i32
    %sign3A_117 = arith.cmpi slt, %add3A_113, %sign3A_116 : i32
    %sign3A_118 = arith.extui %sign3A_117 : i1 to i32
    %sign3A_119 = arith.subi %sign3A_115, %sign3A_118 : i32
    %sign3A_120 = arith.constant 0 : i32
    %sign3A_121 = arith.cmpi sgt, %jit3A, %sign3A_120 : i32
    %sign3A_122 = arith.extui %sign3A_121 : i1 to i32
    %sign3A_123 = arith.constant 0 : i32
    %sign3A_124 = arith.cmpi slt, %jit3A, %sign3A_123 : i32
    %sign3A_125 = arith.extui %sign3A_124 : i1 to i32
    %sign3A_126 = arith.subi %sign3A_122, %sign3A_125 : i32
    %ne3A = arith.cmpi ne, %sign3A_119, %sign3A_126 : i32
    %rem3A = arith.remsi %add3A_113, %jit3A : i32
    %ne3A_127 = arith.constant 0 : i32
    %ne3A_128 = arith.cmpi ne, %rem3A, %ne3A_127 : i32
    %and3A_129 = arith.andi %ne3A, %ne3A_128 : i1
    %sub3A = arith.constant 1 : i32
    %sub3A_130 = arith.subi %div3A, %sub3A : i32
    %select_n3A = arith.select %and3A_129, %sub3A_130, %div3A : i32
    %jit3A_131 = arith.constant 32 : i32
    %eq3A = arith.constant 0 : i32
    %eq3A_132 = arith.cmpi eq, %jit3A_131, %eq3A : i32
    %jit3A_133 = arith.constant 1 : i32
    %select_n3A_134 = arith.select %eq3A_132, %jit3A_133, %jit3A_131 : i32
    %rem3A_135 = arith.remsi %add3A_113, %select_n3A_134 : i32
    %ne3A_136 = arith.constant 0 : i32
    %ne3A_137 = arith.cmpi ne, %rem3A_135, %ne3A_136 : i32
    %lt3A = arith.constant 0 : i32
    %lt3A_138 = arith.cmpi slt, %rem3A_135, %lt3A : i32
    %lt3A_139 = arith.constant 0 : i32
    %lt3A_140 = arith.cmpi slt, %select_n3A_134, %lt3A_139 : i32
    %ne3A_141 = arith.xori %lt3A_138, %lt3A_140 : i1
    %and3A_142 = arith.andi %ne3A_141, %ne3A_137 : i1
    %add3A_143 = arith.addi %rem3A_135, %select_n3A_134 : i32
    %select_n3A_144 = arith.select %and3A_142, %add3A_143, %rem3A_135 : i32
    %mul3A_145 = arith.constant 128 : i32
    %mul3A_146 = arith.muli %select_n3A_144, %mul3A_145 : i32
    %dma_start3A = tpu.memref_slice %arg2[%select_n3A, %mul3A_146] : memref<200x4096xi32, #tpu.memory_space<hbm>> -> memref<1x128xi32, #tpu.memory_space<hbm>>
    %dma_start3A_147 = tpu.memref_squeeze %dma_start3A : memref<1x128xi32, #tpu.memory_space<hbm>> -> memref<128xi32, #tpu.memory_space<hbm>>
    %dma_start3A_148 = tpu.memref_slice %arg2[%select_n3A, %mul3A_146] : memref<200x4096xi32, #tpu.memory_space<hbm>> -> memref<1x128xi32, #tpu.memory_space<hbm>>
    %dma_start3A_149 = tpu.memref_squeeze %dma_start3A_148 : memref<1x128xi32, #tpu.memory_space<hbm>> -> memref<128xi32, #tpu.memory_space<hbm>>
    tpu.enqueue_dma source(%dma_start3A_149 : memref<128xi32, #tpu.memory_space<hbm>>) target(%arg5 : memref<128xi32, #tpu.memory_space<vmem>>) target_semaphore(%arg21 : memref<!tpu.dma_semaphore, #tpu.memory_space<semaphore_mem>>)
    %add3A_150 = arith.constant 1 : i32
    %add3A_151 = arith.addi %mul3A_2, %add3A_150 : i32
    %jit3A_152 = arith.constant 32 : i32
    %div3A_153 = arith.divsi %add3A_151, %jit3A_152 : i32
    %sign3A_154 = arith.constant 0 : i32
    %sign3A_155 = arith.cmpi sgt, %add3A_151, %sign3A_154 : i32
    %sign3A_156 = arith.extui %sign3A_155 : i1 to i32
    %sign3A_157 = arith.constant 0 : i32
    %sign3A_158 = arith.cmpi slt, %add3A_151, %sign3A_157 : i32
    %sign3A_159 = arith.extui %sign3A_158 : i1 to i32
    %sign3A_160 = arith.subi %sign3A_156, %sign3A_159 : i32
    %sign3A_161 = arith.constant 0 : i32
    %sign3A_162 = arith.cmpi sgt, %jit3A_152, %sign3A_161 : i32
    %sign3A_163 = arith.extui %sign3A_162 : i1 to i32
    %sign3A_164 = arith.constant 0 : i32
    %sign3A_165 = arith.cmpi slt, %jit3A_152, %sign3A_164 : i32
    %sign3A_166 = arith.extui %sign3A_165 : i1 to i32
    %sign3A_167 = arith.subi %sign3A_163, %sign3A_166 : i32
    %ne3A_168 = arith.cmpi ne, %sign3A_160, %sign3A_167 : i32
    %rem3A_169 = arith.remsi %add3A_151, %jit3A_152 : i32
    %ne3A_170 = arith.constant 0 : i32
    %ne3A_171 = arith.cmpi ne, %rem3A_169, %ne3A_170 : i32
    %and3A_172 = arith.andi %ne3A_168, %ne3A_171 : i1
    %sub3A_173 = arith.constant 1 : i32
    %sub3A_174 = arith.subi %div3A_153, %sub3A_173 : i32
    %select_n3A_175 = arith.select %and3A_172, %sub3A_174, %div3A_153 : i32
    %jit3A_176 = arith.constant 32 : i32
    %eq3A_177 = arith.constant 0 : i32
    %eq3A_178 = arith.cmpi eq, %jit3A_176, %eq3A_177 : i32
    %jit3A_179 = arith.constant 1 : i32
    %select_n3A_180 = arith.select %eq3A_178, %jit3A_179, %jit3A_176 : i32
    %rem3A_181 = arith.remsi %add3A_151, %select_n3A_180 : i32
    %ne3A_182 = arith.constant 0 : i32
    %ne3A_183 = arith.cmpi ne, %rem3A_181, %ne3A_182 : i32
    %lt3A_184 = arith.constant 0 : i32
    %lt3A_185 = arith.cmpi slt, %rem3A_181, %lt3A_184 : i32
    %lt3A_186 = arith.constant 0 : i32
    %lt3A_187 = arith.cmpi slt, %select_n3A_180, %lt3A_186 : i32
    %ne3A_188 = arith.xori %lt3A_185, %lt3A_187 : i1
    %and3A_189 = arith.andi %ne3A_188, %ne3A_183 : i1
    %add3A_190 = arith.addi %rem3A_181, %select_n3A_180 : i32
    %select_n3A_191 = arith.select %and3A_189, %add3A_190, %rem3A_181 : i32
    %mul3A_192 = arith.constant 128 : i32
    %mul3A_193 = arith.muli %select_n3A_191, %mul3A_192 : i32
    %dma_start3A_194 = tpu.memref_slice %arg2[%select_n3A_175, %mul3A_193] : memref<200x4096xi32, #tpu.memory_space<hbm>> -> memref<1x128xi32, #tpu.memory_space<hbm>>
    %dma_start3A_195 = tpu.memref_squeeze %dma_start3A_194 : memref<1x128xi32, #tpu.memory_space<hbm>> -> memref<128xi32, #tpu.memory_space<hbm>>
    %dma_start3A_196 = tpu.memref_slice %arg2[%select_n3A_175, %mul3A_193] : memref<200x4096xi32, #tpu.memory_space<hbm>> -> memref<1x128xi32, #tpu.memory_space<hbm>>
    %dma_start3A_197 = tpu.memref_squeeze %dma_start3A_196 : memref<1x128xi32, #tpu.memory_space<hbm>> -> memref<128xi32, #tpu.memory_space<hbm>>
    tpu.enqueue_dma source(%dma_start3A_197 : memref<128xi32, #tpu.memory_space<hbm>>) target(%arg6 : memref<128xi32, #tpu.memory_space<vmem>>) target_semaphore(%arg22 : memref<!tpu.dma_semaphore, #tpu.memory_space<semaphore_mem>>)
    %add3A_198 = arith.constant 2 : i32
    %add3A_199 = arith.addi %mul3A_2, %add3A_198 : i32
    %jit3A_200 = arith.constant 32 : i32
    %div3A_201 = arith.divsi %add3A_199, %jit3A_200 : i32
    %sign3A_202 = arith.constant 0 : i32
    %sign3A_203 = arith.cmpi sgt, %add3A_199, %sign3A_202 : i32
    %sign3A_204 = arith.extui %sign3A_203 : i1 to i32
    %sign3A_205 = arith.constant 0 : i32
    %sign3A_206 = arith.cmpi slt, %add3A_199, %sign3A_205 : i32
    %sign3A_207 = arith.extui %sign3A_206 : i1 to i32
    %sign3A_208 = arith.subi %sign3A_204, %sign3A_207 : i32
    %sign3A_209 = arith.constant 0 : i32
    %sign3A_210 = arith.cmpi sgt, %jit3A_200, %sign3A_209 : i32
    %sign3A_211 = arith.extui %sign3A_210 : i1 to i32
    %sign3A_212 = arith.constant 0 : i32
    %sign3A_213 = arith.cmpi slt, %jit3A_200, %sign3A_212 : i32
    %sign3A_214 = arith.extui %sign3A_213 : i1 to i32
    %sign3A_215 = arith.subi %sign3A_211, %sign3A_214 : i32
    %ne3A_216 = arith.cmpi ne, %sign3A_208, %sign3A_215 : i32
    %rem3A_217 = arith.remsi %add3A_199, %jit3A_200 : i32
    %ne3A_218 = arith.constant 0 : i32
    %ne3A_219 = arith.cmpi ne, %rem3A_217, %ne3A_218 : i32
    %and3A_220 = arith.andi %ne3A_216, %ne3A_219 : i1
    %sub3A_221 = arith.constant 1 : i32
    %sub3A_222 = arith.subi %div3A_201, %sub3A_221 : i32
    %select_n3A_223 = arith.select %and3A_220, %sub3A_222, %div3A_201 : i32
    %jit3A_224 = arith.constant 32 : i32
    %eq3A_225 = arith.constant 0 : i32
    %eq3A_226 = arith.cmpi eq, %jit3A_224, %eq3A_225 : i32
    %jit3A_227 = arith.constant 1 : i32
    %select_n3A_228 = arith.select %eq3A_226, %jit3A_227, %jit3A_224 : i32
    %rem3A_229 = arith.remsi %add3A_199, %select_n3A_228 : i32
    %ne3A_230 = arith.constant 0 : i32
    %ne3A_231 = arith.cmpi ne, %rem3A_229, %ne3A_230 : i32
    %lt3A_232 = arith.constant 0 : i32
    %lt3A_233 = arith.cmpi slt, %rem3A_229, %lt3A_232 : i32
    %lt3A_234 = arith.constant 0 : i32
    %lt3A_235 = arith.cmpi slt, %select_n3A_228, %lt3A_234 : i32
    %ne3A_236 = arith.xori %lt3A_233, %lt3A_235 : i1
    %and3A_237 = arith.andi %ne3A_236, %ne3A_231 : i1
    %add3A_238 = arith.addi %rem3A_229, %select_n3A_228 : i32
    %select_n3A_239 = arith.select %and3A_237, %add3A_238, %rem3A_229 : i32
    %mul3A_240 = arith.constant 128 : i32
    %mul3A_241 = arith.muli %select_n3A_239, %mul3A_240 : i32
    %dma_start3A_242 = tpu.memref_slice %arg2[%select_n3A_223, %mul3A_241] : memref<200x4096xi32, #tpu.memory_space<hbm>> -> memref<1x128xi32, #tpu.memory_space<hbm>>
    %dma_start3A_243 = tpu.memref_squeeze %dma_start3A_242 : memref<1x128xi32, #tpu.memory_space<hbm>> -> memref<128xi32, #tpu.memory_space<hbm>>
    %dma_start3A_244 = tpu.memref_slice %arg2[%select_n3A_223, %mul3A_241] : memref<200x4096xi32, #tpu.memory_space<hbm>> -> memref<1x128xi32, #tpu.memory_space<hbm>>
    %dma_start3A_245 = tpu.memref_squeeze %dma_start3A_244 : memref<1x128xi32, #tpu.memory_space<hbm>> -> memref<128xi32, #tpu.memory_space<hbm>>
    tpu.enqueue_dma source(%dma_start3A_245 : memref<128xi32, #tpu.memory_space<hbm>>) target(%arg7 : memref<128xi32, #tpu.memory_space<vmem>>) target_semaphore(%arg23 : memref<!tpu.dma_semaphore, #tpu.memory_space<semaphore_mem>>)
    %add3A_246 = arith.constant 3 : i32
    %add3A_247 = arith.addi %mul3A_2, %add3A_246 : i32
    %jit3A_248 = arith.constant 32 : i32
    %div3A_249 = arith.divsi %add3A_247, %jit3A_248 : i32
    %sign3A_250 = arith.constant 0 : i32
    %sign3A_251 = arith.cmpi sgt, %add3A_247, %sign3A_250 : i32
    %sign3A_252 = arith.extui %sign3A_251 : i1 to i32
    %sign3A_253 = arith.constant 0 : i32
    %sign3A_254 = arith.cmpi slt, %add3A_247, %sign3A_253 : i32
    %sign3A_255 = arith.extui %sign3A_254 : i1 to i32
    %sign3A_256 = arith.subi %sign3A_252, %sign3A_255 : i32
    %sign3A_257 = arith.constant 0 : i32
    %sign3A_258 = arith.cmpi sgt, %jit3A_248, %sign3A_257 : i32
    %sign3A_259 = arith.extui %sign3A_258 : i1 to i32
    %sign3A_260 = arith.constant 0 : i32
    %sign3A_261 = arith.cmpi slt, %jit3A_248, %sign3A_260 : i32
    %sign3A_262 = arith.extui %sign3A_261 : i1 to i32
    %sign3A_263 = arith.subi %sign3A_259, %sign3A_262 : i32
    %ne3A_264 = arith.cmpi ne, %sign3A_256, %sign3A_263 : i32
    %rem3A_265 = arith.remsi %add3A_247, %jit3A_248 : i32
    %ne3A_266 = arith.constant 0 : i32
    %ne3A_267 = arith.cmpi ne, %rem3A_265, %ne3A_266 : i32
    %and3A_268 = arith.andi %ne3A_264, %ne3A_267 : i1
    %sub3A_269 = arith.constant 1 : i32
    %sub3A_270 = arith.subi %div3A_249, %sub3A_269 : i32
    %select_n3A_271 = arith.select %and3A_268, %sub3A_270, %div3A_249 : i32
    %jit3A_272 = arith.constant 32 : i32
    %eq3A_273 = arith.constant 0 : i32
    %eq3A_274 = arith.cmpi eq, %jit3A_272, %eq3A_273 : i32
    %jit3A_275 = arith.constant 1 : i32
    %select_n3A_276 = arith.select %eq3A_274, %jit3A_275, %jit3A_272 : i32
    %rem3A_277 = arith.remsi %add3A_247, %select_n3A_276 : i32
    %ne3A_278 = arith.constant 0 : i32
    %ne3A_279 = arith.cmpi ne, %rem3A_277, %ne3A_278 : i32
    %lt3A_280 = arith.constant 0 : i32
    %lt3A_281 = arith.cmpi slt, %rem3A_277, %lt3A_280 : i32
    %lt3A_282 = arith.constant 0 : i32
    %lt3A_283 = arith.cmpi slt, %select_n3A_276, %lt3A_282 : i32
    %ne3A_284 = arith.xori %lt3A_281, %lt3A_283 : i1
    %and3A_285 = arith.andi %ne3A_284, %ne3A_279 : i1
    %add3A_286 = arith.addi %rem3A_277, %select_n3A_276 : i32
    %select_n3A_287 = arith.select %and3A_285, %add3A_286, %rem3A_277 : i32
    %mul3A_288 = arith.constant 128 : i32
    %mul3A_289 = arith.muli %select_n3A_287, %mul3A_288 : i32
    %dma_start3A_290 = tpu.memref_slice %arg2[%select_n3A_271, %mul3A_289] : memref<200x4096xi32, #tpu.memory_space<hbm>> -> memref<1x128xi32, #tpu.memory_space<hbm>>
    %dma_start3A_291 = tpu.memref_squeeze %dma_start3A_290 : memref<1x128xi32, #tpu.memory_space<hbm>> -> memref<128xi32, #tpu.memory_space<hbm>>
    %dma_start3A_292 = tpu.memref_slice %arg2[%select_n3A_271, %mul3A_289] : memref<200x4096xi32, #tpu.memory_space<hbm>> -> memref<1x128xi32, #tpu.memory_space<hbm>>
    %dma_start3A_293 = tpu.memref_squeeze %dma_start3A_292 : memref<1x128xi32, #tpu.memory_space<hbm>> -> memref<128xi32, #tpu.memory_space<hbm>>
    tpu.enqueue_dma source(%dma_start3A_293 : memref<128xi32, #tpu.memory_space<hbm>>) target(%arg8 : memref<128xi32, #tpu.memory_space<vmem>>) target_semaphore(%arg24 : memref<!tpu.dma_semaphore, #tpu.memory_space<semaphore_mem>>)
    %add3A_294 = arith.constant 4 : i32
    %add3A_295 = arith.addi %mul3A_2, %add3A_294 : i32
    %jit3A_296 = arith.constant 32 : i32
    %div3A_297 = arith.divsi %add3A_295, %jit3A_296 : i32
    %sign3A_298 = arith.constant 0 : i32
    %sign3A_299 = arith.cmpi sgt, %add3A_295, %sign3A_298 : i32
    %sign3A_300 = arith.extui %sign3A_299 : i1 to i32
    %sign3A_301 = arith.constant 0 : i32
    %sign3A_302 = arith.cmpi slt, %add3A_295, %sign3A_301 : i32
    %sign3A_303 = arith.extui %sign3A_302 : i1 to i32
    %sign3A_304 = arith.subi %sign3A_300, %sign3A_303 : i32
    %sign3A_305 = arith.constant 0 : i32
    %sign3A_306 = arith.cmpi sgt, %jit3A_296, %sign3A_305 : i32
    %sign3A_307 = arith.extui %sign3A_306 : i1 to i32
    %sign3A_308 = arith.constant 0 : i32
    %sign3A_309 = arith.cmpi slt, %jit3A_296, %sign3A_308 : i32
    %sign3A_310 = arith.extui %sign3A_309 : i1 to i32
    %sign3A_311 = arith.subi %sign3A_307, %sign3A_310 : i32
    %ne3A_312 = arith.cmpi ne, %sign3A_304, %sign3A_311 : i32
    %rem3A_313 = arith.remsi %add3A_295, %jit3A_296 : i32
    %ne3A_314 = arith.constant 0 : i32
    %ne3A_315 = arith.cmpi ne, %rem3A_313, %ne3A_314 : i32
    %and3A_316 = arith.andi %ne3A_312, %ne3A_315 : i1
    %sub3A_317 = arith.constant 1 : i32
    %sub3A_318 = arith.subi %div3A_297, %sub3A_317 : i32
    %select_n3A_319 = arith.select %and3A_316, %sub3A_318, %div3A_297 : i32
    %jit3A_320 = arith.constant 32 : i32
    %eq3A_321 = arith.constant 0 : i32
    %eq3A_322 = arith.cmpi eq, %jit3A_320, %eq3A_321 : i32
    %jit3A_323 = arith.constant 1 : i32
    %select_n3A_324 = arith.select %eq3A_322, %jit3A_323, %jit3A_320 : i32
    %rem3A_325 = arith.remsi %add3A_295, %select_n3A_324 : i32
    %ne3A_326 = arith.constant 0 : i32
    %ne3A_327 = arith.cmpi ne, %rem3A_325, %ne3A_326 : i32
    %lt3A_328 = arith.constant 0 : i32
    %lt3A_329 = arith.cmpi slt, %rem3A_325, %lt3A_328 : i32
    %lt3A_330 = arith.constant 0 : i32
    %lt3A_331 = arith.cmpi slt, %select_n3A_324, %lt3A_330 : i32
    %ne3A_332 = arith.xori %lt3A_329, %lt3A_331 : i1
    %and3A_333 = arith.andi %ne3A_332, %ne3A_327 : i1
    %add3A_334 = arith.addi %rem3A_325, %select_n3A_324 : i32
    %select_n3A_335 = arith.select %and3A_333, %add3A_334, %rem3A_325 : i32
    %mul3A_336 = arith.constant 128 : i32
    %mul3A_337 = arith.muli %select_n3A_335, %mul3A_336 : i32
    %dma_start3A_338 = tpu.memref_slice %arg2[%select_n3A_319, %mul3A_337] : memref<200x4096xi32, #tpu.memory_space<hbm>> -> memref<1x128xi32, #tpu.memory_space<hbm>>
    %dma_start3A_339 = tpu.memref_squeeze %dma_start3A_338 : memref<1x128xi32, #tpu.memory_space<hbm>> -> memref<128xi32, #tpu.memory_space<hbm>>
    %dma_start3A_340 = tpu.memref_slice %arg2[%select_n3A_319, %mul3A_337] : memref<200x4096xi32, #tpu.memory_space<hbm>> -> memref<1x128xi32, #tpu.memory_space<hbm>>
    %dma_start3A_341 = tpu.memref_squeeze %dma_start3A_340 : memref<1x128xi32, #tpu.memory_space<hbm>> -> memref<128xi32, #tpu.memory_space<hbm>>
    tpu.enqueue_dma source(%dma_start3A_341 : memref<128xi32, #tpu.memory_space<hbm>>) target(%arg9 : memref<128xi32, #tpu.memory_space<vmem>>) target_semaphore(%arg25 : memref<!tpu.dma_semaphore, #tpu.memory_space<semaphore_mem>>)
    %add3A_342 = arith.constant 5 : i32
    %add3A_343 = arith.addi %mul3A_2, %add3A_342 : i32
    %jit3A_344 = arith.constant 32 : i32
    %div3A_345 = arith.divsi %add3A_343, %jit3A_344 : i32
    %sign3A_346 = arith.constant 0 : i32
    %sign3A_347 = arith.cmpi sgt, %add3A_343, %sign3A_346 : i32
    %sign3A_348 = arith.extui %sign3A_347 : i1 to i32
    %sign3A_349 = arith.constant 0 : i32
    %sign3A_350 = arith.cmpi slt, %add3A_343, %sign3A_349 : i32
    %sign3A_351 = arith.extui %sign3A_350 : i1 to i32
    %sign3A_352 = arith.subi %sign3A_348, %sign3A_351 : i32
    %sign3A_353 = arith.constant 0 : i32
    %sign3A_354 = arith.cmpi sgt, %jit3A_344, %sign3A_353 : i32
    %sign3A_355 = arith.extui %sign3A_354 : i1 to i32
    %sign3A_356 = arith.constant 0 : i32
    %sign3A_357 = arith.cmpi slt, %jit3A_344, %sign3A_356 : i32
    %sign3A_358 = arith.extui %sign3A_357 : i1 to i32
    %sign3A_359 = arith.subi %sign3A_355, %sign3A_358 : i32
    %ne3A_360 = arith.cmpi ne, %sign3A_352, %sign3A_359 : i32
    %rem3A_361 = arith.remsi %add3A_343, %jit3A_344 : i32
    %ne3A_362 = arith.constant 0 : i32
    %ne3A_363 = arith.cmpi ne, %rem3A_361, %ne3A_362 : i32
    %and3A_364 = arith.andi %ne3A_360, %ne3A_363 : i1
    %sub3A_365 = arith.constant 1 : i32
    %sub3A_366 = arith.subi %div3A_345, %sub3A_365 : i32
    %select_n3A_367 = arith.select %and3A_364, %sub3A_366, %div3A_345 : i32
    %jit3A_368 = arith.constant 32 : i32
    %eq3A_369 = arith.constant 0 : i32
    %eq3A_370 = arith.cmpi eq, %jit3A_368, %eq3A_369 : i32
    %jit3A_371 = arith.constant 1 : i32
    %select_n3A_372 = arith.select %eq3A_370, %jit3A_371, %jit3A_368 : i32
    %rem3A_373 = arith.remsi %add3A_343, %select_n3A_372 : i32
    %ne3A_374 = arith.constant 0 : i32
    %ne3A_375 = arith.cmpi ne, %rem3A_373, %ne3A_374 : i32
    %lt3A_376 = arith.constant 0 : i32
    %lt3A_377 = arith.cmpi slt, %rem3A_373, %lt3A_376 : i32
    %lt3A_378 = arith.constant 0 : i32
    %lt3A_379 = arith.cmpi slt, %select_n3A_372, %lt3A_378 : i32
    %ne3A_380 = arith.xori %lt3A_377, %lt3A_379 : i1
    %and3A_381 = arith.andi %ne3A_380, %ne3A_375 : i1
    %add3A_382 = arith.addi %rem3A_373, %select_n3A_372 : i32
    %select_n3A_383 = arith.select %and3A_381, %add3A_382, %rem3A_373 : i32
    %mul3A_384 = arith.constant 128 : i32
    %mul3A_385 = arith.muli %select_n3A_383, %mul3A_384 : i32
    %dma_start3A_386 = tpu.memref_slice %arg2[%select_n3A_367, %mul3A_385] : memref<200x4096xi32, #tpu.memory_space<hbm>> -> memref<1x128xi32, #tpu.memory_space<hbm>>
    %dma_start3A_387 = tpu.memref_squeeze %dma_start3A_386 : memref<1x128xi32, #tpu.memory_space<hbm>> -> memref<128xi32, #tpu.memory_space<hbm>>
    %dma_start3A_388 = tpu.memref_slice %arg2[%select_n3A_367, %mul3A_385] : memref<200x4096xi32, #tpu.memory_space<hbm>> -> memref<1x128xi32, #tpu.memory_space<hbm>>
    %dma_start3A_389 = tpu.memref_squeeze %dma_start3A_388 : memref<1x128xi32, #tpu.memory_space<hbm>> -> memref<128xi32, #tpu.memory_space<hbm>>
    tpu.enqueue_dma source(%dma_start3A_389 : memref<128xi32, #tpu.memory_space<hbm>>) target(%arg10 : memref<128xi32, #tpu.memory_space<vmem>>) target_semaphore(%arg26 : memref<!tpu.dma_semaphore, #tpu.memory_space<semaphore_mem>>)
    %add3A_390 = arith.constant 6 : i32
    %add3A_391 = arith.addi %mul3A_2, %add3A_390 : i32
    %jit3A_392 = arith.constant 32 : i32
    %div3A_393 = arith.divsi %add3A_391, %jit3A_392 : i32
    %sign3A_394 = arith.constant 0 : i32
    %sign3A_395 = arith.cmpi sgt, %add3A_391, %sign3A_394 : i32
    %sign3A_396 = arith.extui %sign3A_395 : i1 to i32
    %sign3A_397 = arith.constant 0 : i32
    %sign3A_398 = arith.cmpi slt, %add3A_391, %sign3A_397 : i32
    %sign3A_399 = arith.extui %sign3A_398 : i1 to i32
    %sign3A_400 = arith.subi %sign3A_396, %sign3A_399 : i32
    %sign3A_401 = arith.constant 0 : i32
    %sign3A_402 = arith.cmpi sgt, %jit3A_392, %sign3A_401 : i32
    %sign3A_403 = arith.extui %sign3A_402 : i1 to i32
    %sign3A_404 = arith.constant 0 : i32
    %sign3A_405 = arith.cmpi slt, %jit3A_392, %sign3A_404 : i32
    %sign3A_406 = arith.extui %sign3A_405 : i1 to i32
    %sign3A_407 = arith.subi %sign3A_403, %sign3A_406 : i32
    %ne3A_408 = arith.cmpi ne, %sign3A_400, %sign3A_407 : i32
    %rem3A_409 = arith.remsi %add3A_391, %jit3A_392 : i32
    %ne3A_410 = arith.constant 0 : i32
    %ne3A_411 = arith.cmpi ne, %rem3A_409, %ne3A_410 : i32
    %and3A_412 = arith.andi %ne3A_408, %ne3A_411 : i1
    %sub3A_413 = arith.constant 1 : i32
    %sub3A_414 = arith.subi %div3A_393, %sub3A_413 : i32
    %select_n3A_415 = arith.select %and3A_412, %sub3A_414, %div3A_393 : i32
    %jit3A_416 = arith.constant 32 : i32
    %eq3A_417 = arith.constant 0 : i32
    %eq3A_418 = arith.cmpi eq, %jit3A_416, %eq3A_417 : i32
    %jit3A_419 = arith.constant 1 : i32
    %select_n3A_420 = arith.select %eq3A_418, %jit3A_419, %jit3A_416 : i32
    %rem3A_421 = arith.remsi %add3A_391, %select_n3A_420 : i32
    %ne3A_422 = arith.constant 0 : i32
    %ne3A_423 = arith.cmpi ne, %rem3A_421, %ne3A_422 : i32
    %lt3A_424 = arith.constant 0 : i32
    %lt3A_425 = arith.cmpi slt, %rem3A_421, %lt3A_424 : i32
    %lt3A_426 = arith.constant 0 : i32
    %lt3A_427 = arith.cmpi slt, %select_n3A_420, %lt3A_426 : i32
    %ne3A_428 = arith.xori %lt3A_425, %lt3A_427 : i1
    %and3A_429 = arith.andi %ne3A_428, %ne3A_423 : i1
    %add3A_430 = arith.addi %rem3A_421, %select_n3A_420 : i32
    %select_n3A_431 = arith.select %and3A_429, %add3A_430, %rem3A_421 : i32
    %mul3A_432 = arith.constant 128 : i32
    %mul3A_433 = arith.muli %select_n3A_431, %mul3A_432 : i32
    %dma_start3A_434 = tpu.memref_slice %arg2[%select_n3A_415, %mul3A_433] : memref<200x4096xi32, #tpu.memory_space<hbm>> -> memref<1x128xi32, #tpu.memory_space<hbm>>
    %dma_start3A_435 = tpu.memref_squeeze %dma_start3A_434 : memref<1x128xi32, #tpu.memory_space<hbm>> -> memref<128xi32, #tpu.memory_space<hbm>>
    %dma_start3A_436 = tpu.memref_slice %arg2[%select_n3A_415, %mul3A_433] : memref<200x4096xi32, #tpu.memory_space<hbm>> -> memref<1x128xi32, #tpu.memory_space<hbm>>
    %dma_start3A_437 = tpu.memref_squeeze %dma_start3A_436 : memref<1x128xi32, #tpu.memory_space<hbm>> -> memref<128xi32, #tpu.memory_space<hbm>>
    tpu.enqueue_dma source(%dma_start3A_437 : memref<128xi32, #tpu.memory_space<hbm>>) target(%arg11 : memref<128xi32, #tpu.memory_space<vmem>>) target_semaphore(%arg27 : memref<!tpu.dma_semaphore, #tpu.memory_space<semaphore_mem>>)
    %add3A_438 = arith.constant 7 : i32
    %add3A_439 = arith.addi %mul3A_2, %add3A_438 : i32
    %jit3A_440 = arith.constant 32 : i32
    %div3A_441 = arith.divsi %add3A_439, %jit3A_440 : i32
    %sign3A_442 = arith.constant 0 : i32
    %sign3A_443 = arith.cmpi sgt, %add3A_439, %sign3A_442 : i32
    %sign3A_444 = arith.extui %sign3A_443 : i1 to i32
    %sign3A_445 = arith.constant 0 : i32
    %sign3A_446 = arith.cmpi slt, %add3A_439, %sign3A_445 : i32
    %sign3A_447 = arith.extui %sign3A_446 : i1 to i32
    %sign3A_448 = arith.subi %sign3A_444, %sign3A_447 : i32
    %sign3A_449 = arith.constant 0 : i32
    %sign3A_450 = arith.cmpi sgt, %jit3A_440, %sign3A_449 : i32
    %sign3A_451 = arith.extui %sign3A_450 : i1 to i32
    %sign3A_452 = arith.constant 0 : i32
    %sign3A_453 = arith.cmpi slt, %jit3A_440, %sign3A_452 : i32
    %sign3A_454 = arith.extui %sign3A_453 : i1 to i32
    %sign3A_455 = arith.subi %sign3A_451, %sign3A_454 : i32
    %ne3A_456 = arith.cmpi ne, %sign3A_448, %sign3A_455 : i32
    %rem3A_457 = arith.remsi %add3A_439, %jit3A_440 : i32
    %ne3A_458 = arith.constant 0 : i32
    %ne3A_459 = arith.cmpi ne, %rem3A_457, %ne3A_458 : i32
    %and3A_460 = arith.andi %ne3A_456, %ne3A_459 : i1
    %sub3A_461 = arith.constant 1 : i32
    %sub3A_462 = arith.subi %div3A_441, %sub3A_461 : i32
    %select_n3A_463 = arith.select %and3A_460, %sub3A_462, %div3A_441 : i32
    %jit3A_464 = arith.constant 32 : i32
    %eq3A_465 = arith.constant 0 : i32
    %eq3A_466 = arith.cmpi eq, %jit3A_464, %eq3A_465 : i32
    %jit3A_467 = arith.constant 1 : i32
    %select_n3A_468 = arith.select %eq3A_466, %jit3A_467, %jit3A_464 : i32
    %rem3A_469 = arith.remsi %add3A_439, %select_n3A_468 : i32
    %ne3A_470 = arith.constant 0 : i32
    %ne3A_471 = arith.cmpi ne, %rem3A_469, %ne3A_470 : i32
    %lt3A_472 = arith.constant 0 : i32
    %lt3A_473 = arith.cmpi slt, %rem3A_469, %lt3A_472 : i32
    %lt3A_474 = arith.constant 0 : i32
    %lt3A_475 = arith.cmpi slt, %select_n3A_468, %lt3A_474 : i32
    %ne3A_476 = arith.xori %lt3A_473, %lt3A_475 : i1
    %and3A_477 = arith.andi %ne3A_476, %ne3A_471 : i1
    %add3A_478 = arith.addi %rem3A_469, %select_n3A_468 : i32
    %select_n3A_479 = arith.select %and3A_477, %add3A_478, %rem3A_469 : i32
    %mul3A_480 = arith.constant 128 : i32
    %mul3A_481 = arith.muli %select_n3A_479, %mul3A_480 : i32
    %dma_start3A_482 = tpu.memref_slice %arg2[%select_n3A_463, %mul3A_481] : memref<200x4096xi32, #tpu.memory_space<hbm>> -> memref<1x128xi32, #tpu.memory_space<hbm>>
    %dma_start3A_483 = tpu.memref_squeeze %dma_start3A_482 : memref<1x128xi32, #tpu.memory_space<hbm>> -> memref<128xi32, #tpu.memory_space<hbm>>
    %dma_start3A_484 = tpu.memref_slice %arg2[%select_n3A_463, %mul3A_481] : memref<200x4096xi32, #tpu.memory_space<hbm>> -> memref<1x128xi32, #tpu.memory_space<hbm>>
    %dma_start3A_485 = tpu.memref_squeeze %dma_start3A_484 : memref<1x128xi32, #tpu.memory_space<hbm>> -> memref<128xi32, #tpu.memory_space<hbm>>
    tpu.enqueue_dma source(%dma_start3A_485 : memref<128xi32, #tpu.memory_space<hbm>>) target(%arg12 : memref<128xi32, #tpu.memory_space<vmem>>) target_semaphore(%arg28 : memref<!tpu.dma_semaphore, #tpu.memory_space<semaphore_mem>>)
    %dma_wait3A = arith.constant 0 : i32
    %dma_wait3A_486 = arith.constant 0 : i32
    %dma_wait3A_487 = tpu.memref_slice %arg2[%dma_wait3A, %dma_wait3A_486] : memref<200x4096xi32, #tpu.memory_space<hbm>> -> memref<1x128xi32, #tpu.memory_space<hbm>>
    %dma_wait3A_488 = tpu.memref_squeeze %dma_wait3A_487 : memref<1x128xi32, #tpu.memory_space<hbm>> -> memref<128xi32, #tpu.memory_space<hbm>>
    %dma_wait3A_489 = arith.constant 0 : i32
    %dma_wait3A_490 = tpu.memref_slice %arg2[%dma_wait3A, %dma_wait3A_489] : memref<200x4096xi32, #tpu.memory_space<hbm>> -> memref<1x128xi32, #tpu.memory_space<hbm>>
    %dma_wait3A_491 = tpu.memref_squeeze %dma_wait3A_490 : memref<1x128xi32, #tpu.memory_space<hbm>> -> memref<128xi32, #tpu.memory_space<hbm>>
    tpu.wait_dma2 semaphore(%arg21 : memref<!tpu.dma_semaphore, #tpu.memory_space<semaphore_mem>>) src(%dma_wait3A_491 : memref<128xi32, #tpu.memory_space<hbm>>) dst(%arg5 : memref<128xi32, #tpu.memory_space<vmem>>)
    %dma_start3A_492 = arith.constant 0 : i32
    %dma_start3A_493 = arith.constant 0 : i32
    %dma_start3A_494 = tpu.memref_slice %arg3[%dma_start3A_492, %dma_start3A_493] : memref<1000000x128xf32, #tpu.memory_space<hbm>> -> memref<1000000x128xf32, #tpu.memory_space<hbm>>
    tpu.enqueue_indirect_dma source(%dma_start3A_494 : memref<1000000x128xf32, #tpu.memory_space<hbm>>) target(%arg13 : memref<128x128xf32, #tpu.memory_space<vmem>>) offsets(%arg5 : memref<128xi32, #tpu.memory_space<vmem>>) semaphore(%arg29 : memref<!tpu.dma_semaphore, #tpu.memory_space<semaphore_mem>>)
    %dma_wait3A_495 = arith.constant 0 : i32
    %dma_wait3A_496 = arith.constant 0 : i32
    %dma_wait3A_497 = tpu.memref_slice %arg2[%dma_wait3A_495, %dma_wait3A_496] : memref<200x4096xi32, #tpu.memory_space<hbm>> -> memref<1x128xi32, #tpu.memory_space<hbm>>
    %dma_wait3A_498 = tpu.memref_squeeze %dma_wait3A_497 : memref<1x128xi32, #tpu.memory_space<hbm>> -> memref<128xi32, #tpu.memory_space<hbm>>
    %dma_wait3A_499 = arith.constant 0 : i32
    %dma_wait3A_500 = tpu.memref_slice %arg2[%dma_wait3A_495, %dma_wait3A_499] : memref<200x4096xi32, #tpu.memory_space<hbm>> -> memref<1x128xi32, #tpu.memory_space<hbm>>
    %dma_wait3A_501 = tpu.memref_squeeze %dma_wait3A_500 : memref<1x128xi32, #tpu.memory_space<hbm>> -> memref<128xi32, #tpu.memory_space<hbm>>
    tpu.wait_dma2 semaphore(%arg22 : memref<!tpu.dma_semaphore, #tpu.memory_space<semaphore_mem>>) src(%dma_wait3A_501 : memref<128xi32, #tpu.memory_space<hbm>>) dst(%arg6 : memref<128xi32, #tpu.memory_space<vmem>>)
    %dma_start3A_502 = arith.constant 0 : i32
    %dma_start3A_503 = arith.constant 0 : i32
    %dma_start3A_504 = tpu.memref_slice %arg3[%dma_start3A_502, %dma_start3A_503] : memref<1000000x128xf32, #tpu.memory_space<hbm>> -> memref<1000000x128xf32, #tpu.memory_space<hbm>>
    tpu.enqueue_indirect_dma source(%dma_start3A_504 : memref<1000000x128xf32, #tpu.memory_space<hbm>>) target(%arg14 : memref<128x128xf32, #tpu.memory_space<vmem>>) offsets(%arg6 : memref<128xi32, #tpu.memory_space<vmem>>) semaphore(%arg30 : memref<!tpu.dma_semaphore, #tpu.memory_space<semaphore_mem>>)
    %dma_wait3A_505 = arith.constant 0 : i32
    %dma_wait3A_506 = arith.constant 0 : i32
    %dma_wait3A_507 = tpu.memref_slice %arg2[%dma_wait3A_505, %dma_wait3A_506] : memref<200x4096xi32, #tpu.memory_space<hbm>> -> memref<1x128xi32, #tpu.memory_space<hbm>>
    %dma_wait3A_508 = tpu.memref_squeeze %dma_wait3A_507 : memref<1x128xi32, #tpu.memory_space<hbm>> -> memref<128xi32, #tpu.memory_space<hbm>>
    %dma_wait3A_509 = arith.constant 0 : i32
    %dma_wait3A_510 = tpu.memref_slice %arg2[%dma_wait3A_505, %dma_wait3A_509] : memref<200x4096xi32, #tpu.memory_space<hbm>> -> memref<1x128xi32, #tpu.memory_space<hbm>>
    %dma_wait3A_511 = tpu.memref_squeeze %dma_wait3A_510 : memref<1x128xi32, #tpu.memory_space<hbm>> -> memref<128xi32, #tpu.memory_space<hbm>>
    tpu.wait_dma2 semaphore(%arg23 : memref<!tpu.dma_semaphore, #tpu.memory_space<semaphore_mem>>) src(%dma_wait3A_511 : memref<128xi32, #tpu.memory_space<hbm>>) dst(%arg7 : memref<128xi32, #tpu.memory_space<vmem>>)
    %dma_start3A_512 = arith.constant 0 : i32
    %dma_start3A_513 = arith.constant 0 : i32
    %dma_start3A_514 = tpu.memref_slice %arg3[%dma_start3A_512, %dma_start3A_513] : memref<1000000x128xf32, #tpu.memory_space<hbm>> -> memref<1000000x128xf32, #tpu.memory_space<hbm>>
    tpu.enqueue_indirect_dma source(%dma_start3A_514 : memref<1000000x128xf32, #tpu.memory_space<hbm>>) target(%arg15 : memref<128x128xf32, #tpu.memory_space<vmem>>) offsets(%arg7 : memref<128xi32, #tpu.memory_space<vmem>>) semaphore(%arg31 : memref<!tpu.dma_semaphore, #tpu.memory_space<semaphore_mem>>)
    %scan3A = arith.constant 0 : i32
    %scan3A_515 = arith.constant 0 : i32
    %scan3A_516 = arith.constant 25 : i32
    %scan3A_517 = arith.addi %scan3A_515, %scan3A_516 : i32
    %scan3A_518 = arith.constant 1 : i32
    scf.for %scan3A_556 = %scan3A_515 to %scan3A_517 step %scan3A_518  : i32 {
      %mul3A_557 = arith.constant 2 : i32
      %mul3A_558 = arith.muli %scan3A_556, %mul3A_557 : i32
      %mul3A_559 = arith.constant 4 : i32
      %mul3A_560 = arith.muli %mul3A_558, %mul3A_559 : i32
      %add3A_561 = arith.addi %mul3A_2, %mul3A_560 : i32
      %add3A_562 = arith.constant 0 : i32
      %add3A_563 = arith.addi %add3A_561, %add3A_562 : i32
      %add3A_564 = arith.constant 3 : i32
      %add3A_565 = arith.addi %add3A_563, %add3A_564 : i32
      %lt3A_566 = arith.cmpi slt, %add3A_565, %add3A_4 : i32
      %convert_element_type3A = arith.extui %lt3A_566 : i1 to i32
      %cond3A = arith.constant 0 : i32
      %cond3A_567 = arith.cmpi ne, %convert_element_type3A, %cond3A : i32
      scf.if %cond3A_567 {
        %dma_wait3A_1193 = arith.constant 0 : i32
        %dma_wait3A_1194 = arith.constant 0 : i32
        %dma_wait3A_1195 = tpu.memref_slice %arg2[%dma_wait3A_1193, %dma_wait3A_1194] : memref<200x4096xi32, #tpu.memory_space<hbm>> -> memref<1x128xi32, #tpu.memory_space<hbm>>
        %dma_wait3A_1196 = tpu.memref_squeeze %dma_wait3A_1195 : memref<1x128xi32, #tpu.memory_space<hbm>> -> memref<128xi32, #tpu.memory_space<hbm>>
        %dma_wait3A_1197 = arith.constant 0 : i32
        %dma_wait3A_1198 = tpu.memref_slice %arg2[%dma_wait3A_1193, %dma_wait3A_1197] : memref<200x4096xi32, #tpu.memory_space<hbm>> -> memref<1x128xi32, #tpu.memory_space<hbm>>
        %dma_wait3A_1199 = tpu.memref_squeeze %dma_wait3A_1198 : memref<1x128xi32, #tpu.memory_space<hbm>> -> memref<128xi32, #tpu.memory_space<hbm>>
        tpu.wait_dma2 semaphore(%arg24 : memref<!tpu.dma_semaphore, #tpu.memory_space<semaphore_mem>>) src(%dma_wait3A_1199 : memref<128xi32, #tpu.memory_space<hbm>>) dst(%arg8 : memref<128xi32, #tpu.memory_space<vmem>>)
        %dma_start3A_1200 = arith.constant 0 : i32
        %dma_start3A_1201 = arith.constant 0 : i32
        %dma_start3A_1202 = tpu.memref_slice %arg3[%dma_start3A_1200, %dma_start3A_1201] : memref<1000000x128xf32, #tpu.memory_space<hbm>> -> memref<1000000x128xf32, #tpu.memory_space<hbm>>
        tpu.enqueue_indirect_dma source(%dma_start3A_1202 : memref<1000000x128xf32, #tpu.memory_space<hbm>>) target(%arg16 : memref<128x128xf32, #tpu.memory_space<vmem>>) offsets(%arg8 : memref<128xi32, #tpu.memory_space<vmem>>) semaphore(%arg32 : memref<!tpu.dma_semaphore, #tpu.memory_space<semaphore_mem>>)
      } else {
      }
      %dma_wait3A_568 = arith.constant 0 : i32
      %dma_wait3A_569 = arith.constant 0 : i32
      %dma_wait3A_570 = tpu.memref_slice %arg3[%dma_wait3A_568, %dma_wait3A_569] : memref<1000000x128xf32, #tpu.memory_space<hbm>> -> memref<1000000x128xf32, #tpu.memory_space<hbm>>
      tpu.wait_indirect_dma semaphore(%arg29 : memref<!tpu.dma_semaphore, #tpu.memory_space<semaphore_mem>>) src(%dma_wait3A_570 : memref<1000000x128xf32, #tpu.memory_space<hbm>>) dst(%arg13 : memref<128x128xf32, #tpu.memory_space<vmem>>)
      %add3A_571 = arith.constant 8 : i32
      %add3A_572 = arith.addi %add3A_563, %add3A_571 : i32
      %lt3A_573 = arith.cmpi slt, %add3A_572, %add3A_4 : i32
      %convert_element_type3A_574 = arith.extui %lt3A_573 : i1 to i32
      %cond3A_575 = arith.constant 0 : i32
      %cond3A_576 = arith.cmpi ne, %convert_element_type3A_574, %cond3A_575 : i32
      scf.if %cond3A_576 {
        %add3A_1193 = arith.constant 8 : i32
        %add3A_1194 = arith.addi %add3A_563, %add3A_1193 : i32
        %jit3A_1195 = arith.constant 32 : i32
        %div3A_1196 = arith.divsi %add3A_1194, %jit3A_1195 : i32
        %sign3A_1197 = arith.constant 0 : i32
        %sign3A_1198 = arith.cmpi sgt, %add3A_1194, %sign3A_1197 : i32
        %sign3A_1199 = arith.extui %sign3A_1198 : i1 to i32
        %sign3A_1200 = arith.constant 0 : i32
        %sign3A_1201 = arith.cmpi slt, %add3A_1194, %sign3A_1200 : i32
        %sign3A_1202 = arith.extui %sign3A_1201 : i1 to i32
        %sign3A_1203 = arith.subi %sign3A_1199, %sign3A_1202 : i32
        %sign3A_1204 = arith.constant 0 : i32
        %sign3A_1205 = arith.cmpi sgt, %jit3A_1195, %sign3A_1204 : i32
        %sign3A_1206 = arith.extui %sign3A_1205 : i1 to i32
        %sign3A_1207 = arith.constant 0 : i32
        %sign3A_1208 = arith.cmpi slt, %jit3A_1195, %sign3A_1207 : i32
        %sign3A_1209 = arith.extui %sign3A_1208 : i1 to i32
        %sign3A_1210 = arith.subi %sign3A_1206, %sign3A_1209 : i32
        %ne3A_1211 = arith.cmpi ne, %sign3A_1203, %sign3A_1210 : i32
        %rem3A_1212 = arith.remsi %add3A_1194, %jit3A_1195 : i32
        %ne3A_1213 = arith.constant 0 : i32
        %ne3A_1214 = arith.cmpi ne, %rem3A_1212, %ne3A_1213 : i32
        %and3A_1215 = arith.andi %ne3A_1211, %ne3A_1214 : i1
        %sub3A_1216 = arith.constant 1 : i32
        %sub3A_1217 = arith.subi %div3A_1196, %sub3A_1216 : i32
        %select_n3A_1218 = arith.select %and3A_1215, %sub3A_1217, %div3A_1196 : i32
        %jit3A_1219 = arith.constant 32 : i32
        %eq3A_1220 = arith.constant 0 : i32
        %eq3A_1221 = arith.cmpi eq, %jit3A_1219, %eq3A_1220 : i32
        %jit3A_1222 = arith.constant 1 : i32
        %select_n3A_1223 = arith.select %eq3A_1221, %jit3A_1222, %jit3A_1219 : i32
        %rem3A_1224 = arith.remsi %add3A_1194, %select_n3A_1223 : i32
        %ne3A_1225 = arith.constant 0 : i32
        %ne3A_1226 = arith.cmpi ne, %rem3A_1224, %ne3A_1225 : i32
        %lt3A_1227 = arith.constant 0 : i32
        %lt3A_1228 = arith.cmpi slt, %rem3A_1224, %lt3A_1227 : i32
        %lt3A_1229 = arith.constant 0 : i32
        %lt3A_1230 = arith.cmpi slt, %select_n3A_1223, %lt3A_1229 : i32
        %ne3A_1231 = arith.xori %lt3A_1228, %lt3A_1230 : i1
        %and3A_1232 = arith.andi %ne3A_1231, %ne3A_1226 : i1
        %add3A_1233 = arith.addi %rem3A_1224, %select_n3A_1223 : i32
        %select_n3A_1234 = arith.select %and3A_1232, %add3A_1233, %rem3A_1224 : i32
        %mul3A_1235 = arith.constant 128 : i32
        %mul3A_1236 = arith.muli %select_n3A_1234, %mul3A_1235 : i32
        %dma_start3A_1237 = tpu.memref_slice %arg2[%select_n3A_1218, %mul3A_1236] : memref<200x4096xi32, #tpu.memory_space<hbm>> -> memref<1x128xi32, #tpu.memory_space<hbm>>
        %dma_start3A_1238 = tpu.memref_squeeze %dma_start3A_1237 : memref<1x128xi32, #tpu.memory_space<hbm>> -> memref<128xi32, #tpu.memory_space<hbm>>
        %dma_start3A_1239 = tpu.memref_slice %arg2[%select_n3A_1218, %mul3A_1236] : memref<200x4096xi32, #tpu.memory_space<hbm>> -> memref<1x128xi32, #tpu.memory_space<hbm>>
        %dma_start3A_1240 = tpu.memref_squeeze %dma_start3A_1239 : memref<1x128xi32, #tpu.memory_space<hbm>> -> memref<128xi32, #tpu.memory_space<hbm>>
        tpu.enqueue_dma source(%dma_start3A_1240 : memref<128xi32, #tpu.memory_space<hbm>>) target(%arg5 : memref<128xi32, #tpu.memory_space<vmem>>) target_semaphore(%arg21 : memref<!tpu.dma_semaphore, #tpu.memory_space<semaphore_mem>>)
      } else {
      }
      %gt3A = arith.constant 0 : i32
      %gt3A_577 = arith.cmpi sgt, %scan3A_556, %gt3A : i32
      %convert_element_type3A_578 = arith.extui %gt3A_577 : i1 to i32
      %cond3A_579 = arith.constant 0 : i32
      %cond3A_580 = arith.cmpi ne, %convert_element_type3A_578, %cond3A_579 : i32
      scf.if %cond3A_580 {
        %dma_wait3A_1193 = arith.constant 0 : i32
        %dma_wait3A_1194 = arith.constant 0 : i32
        %dma_wait3A_1195 = arith.constant 0 : i32
        %dma_wait3A_1196 = tpu.memref_slice %arg4[%dma_wait3A_1193, %dma_wait3A_1194, %dma_wait3A_1195] : memref<200x64x4096xf32, #tpu.memory_space<hbm>> -> memref<1x64x128xf32, #tpu.memory_space<hbm>>
        %dma_wait3A_1197 = tpu.memref_squeeze %dma_wait3A_1196 : memref<1x64x128xf32, #tpu.memory_space<hbm>> -> memref<64x128xf32, #tpu.memory_space<hbm>>
        %dma_wait3A_1198 = arith.constant 0 : i32
        %dma_wait3A_1199 = arith.constant 0 : i32
        %dma_wait3A_1200 = tpu.memref_slice %arg4[%dma_wait3A_1193, %dma_wait3A_1198, %dma_wait3A_1199] : memref<200x64x4096xf32, #tpu.memory_space<hbm>> -> memref<1x64x128xf32, #tpu.memory_space<hbm>>
        %dma_wait3A_1201 = tpu.memref_squeeze %dma_wait3A_1200 : memref<1x64x128xf32, #tpu.memory_space<hbm>> -> memref<64x128xf32, #tpu.memory_space<hbm>>
        tpu.wait_dma2 semaphore(%arg33 : memref<!tpu.dma_semaphore, #tpu.memory_space<semaphore_mem>>) src(%arg17 : memref<64x128xf32, #tpu.memory_space<vmem>>) dst(%dma_wait3A_1201 : memref<64x128xf32, #tpu.memory_space<hbm>>)
      } else {
      }
      %parallel_loop3A = arith.constant 0 : i32
      %parallel_loop3A_581 = arith.constant 8 : i32
      %parallel_loop3A_582 = arith.constant 1 : i32
      scf.for %parallel_loop3A_1193 = %parallel_loop3A to %parallel_loop3A_581 step %parallel_loop3A_582  : i32 {
        %parallel_loop3A_1194 = arith.constant 16 : i32
        %parallel_loop3A_1195 = arith.muli %parallel_loop3A_1193, %parallel_loop3A_1194 : i32
        %parallel_loop3A_1196 = arith.constant 0 : i32
        %parallel_loop3A_1197 = arith.constant 0 : i32
        %parallel_loop3A_1198 = arith.constant 16 : i32
        %parallel_loop3A_1199 = arith.addi %parallel_loop3A_1197, %parallel_loop3A_1198 : i32
        %parallel_loop3A_1200 = arith.constant 1 : i32
        scf.for %scan3A_1202 = %parallel_loop3A_1197 to %parallel_loop3A_1199 step %parallel_loop3A_1200  : i32 {
          %parallel_loop3A_1203 = vector.broadcast %scan3A_1202 : i32 to vector<16xi32>
          %parallel_loop3A_1204 = arith.addi %iota3A, %parallel_loop3A_1203 : vector<16xi32>
          %parallel_loop3A_1205 = arith.constant 15 : i32
          %parallel_loop3A_1206 = vector.broadcast %parallel_loop3A_1205 : i32 to vector<16xi32>
          %parallel_loop3A_1207 = arith.andi %parallel_loop3A_1204, %parallel_loop3A_1206 : vector<16xi32>
          %parallel_loop3A_1208 = vector.broadcast %parallel_loop3A_1195 : i32 to vector<16xi32>
          %parallel_loop3A_1209 = arith.addi %parallel_loop3A_1207, %parallel_loop3A_1208 : vector<16xi32>
          %parallel_loop3A_1210 = arith.constant 0 : i32
          %parallel_loop3A_1211 = tpu.memref_slice %arg13[%parallel_loop3A_1195, %parallel_loop3A_1210] : memref<128x128xf32, #tpu.memory_space<vmem>> -> memref<16x128xf32, #tpu.memory_space<vmem>>
          %parallel_loop3A_1212 = tpu.vector_load_idx %parallel_loop3A_1211[%parallel_loop3A_1207, %add3A_102] : memref<16x128xf32, #tpu.memory_space<vmem>>[vector<16xi32>, vector<16xi32>], vector<16xf32>,
          tpu.vector_store_idx %arg17[%add3A_102, %parallel_loop3A_1209], %parallel_loop3A_1212 : memref<64x128xf32, #tpu.memory_space<vmem>>[vector<16xi32>, vector<16xi32>], vector<16xf32>,
          %parallel_loop3A_1213 = arith.constant 0 : i32
          %parallel_loop3A_1214 = tpu.memref_slice %arg13[%parallel_loop3A_1195, %parallel_loop3A_1213] : memref<128x128xf32, #tpu.memory_space<vmem>> -> memref<16x128xf32, #tpu.memory_space<vmem>>
          %parallel_loop3A_1215 = tpu.vector_load_idx %parallel_loop3A_1214[%parallel_loop3A_1207, %add3A_105] : memref<16x128xf32, #tpu.memory_space<vmem>>[vector<16xi32>, vector<16xi32>], vector<16xf32>,
          tpu.vector_store_idx %arg17[%add3A_105, %parallel_loop3A_1209], %parallel_loop3A_1215 : memref<64x128xf32, #tpu.memory_space<vmem>>[vector<16xi32>, vector<16xi32>], vector<16xf32>,
          %parallel_loop3A_1216 = arith.constant 0 : i32
          %parallel_loop3A_1217 = tpu.memref_slice %arg13[%parallel_loop3A_1195, %parallel_loop3A_1216] : memref<128x128xf32, #tpu.memory_space<vmem>> -> memref<16x128xf32, #tpu.memory_space<vmem>>
          %parallel_loop3A_1218 = tpu.vector_load_idx %parallel_loop3A_1217[%parallel_loop3A_1207, %add3A_108] : memref<16x128xf32, #tpu.memory_space<vmem>>[vector<16xi32>, vector<16xi32>], vector<16xf32>,
          tpu.vector_store_idx %arg17[%add3A_108, %parallel_loop3A_1209], %parallel_loop3A_1218 : memref<64x128xf32, #tpu.memory_space<vmem>>[vector<16xi32>, vector<16xi32>], vector<16xf32>,
          %parallel_loop3A_1219 = arith.constant 0 : i32
          %parallel_loop3A_1220 = tpu.memref_slice %arg13[%parallel_loop3A_1195, %parallel_loop3A_1219] : memref<128x128xf32, #tpu.memory_space<vmem>> -> memref<16x128xf32, #tpu.memory_space<vmem>>
          %parallel_loop3A_1221 = tpu.vector_load_idx %parallel_loop3A_1220[%parallel_loop3A_1207, %add3A_111] : memref<16x128xf32, #tpu.memory_space<vmem>>[vector<16xi32>, vector<16xi32>], vector<16xf32>,
          tpu.vector_store_idx %arg17[%add3A_111, %parallel_loop3A_1209], %parallel_loop3A_1221 : memref<64x128xf32, #tpu.memory_space<vmem>>[vector<16xi32>, vector<16xi32>], vector<16xf32>,
        }
        %parallel_loop3A_1201 = arith.constant 16 : i32
      } {sc.loop_unroll_factor = 1 : i64, sc.parallel_access}
      %jit3A_583 = arith.constant 32 : i32
      %div3A_584 = arith.divsi %add3A_563, %jit3A_583 : i32
      %sign3A_585 = arith.constant 0 : i32
      %sign3A_586 = arith.cmpi sgt, %add3A_563, %sign3A_585 : i32
      %sign3A_587 = arith.extui %sign3A_586 : i1 to i32
      %sign3A_588 = arith.constant 0 : i32
      %sign3A_589 = arith.cmpi slt, %add3A_563, %sign3A_588 : i32
      %sign3A_590 = arith.extui %sign3A_589 : i1 to i32
      %sign3A_591 = arith.subi %sign3A_587, %sign3A_590 : i32
      %sign3A_592 = arith.constant 0 : i32
      %sign3A_593 = arith.cmpi sgt, %jit3A_583, %sign3A_592 : i32
      %sign3A_594 = arith.extui %sign3A_593 : i1 to i32
      %sign3A_595 = arith.constant 0 : i32
      %sign3A_596 = arith.cmpi slt, %jit3A_583, %sign3A_595 : i32
      %sign3A_597 = arith.extui %sign3A_596 : i1 to i32
      %sign3A_598 = arith.subi %sign3A_594, %sign3A_597 : i32
      %ne3A_599 = arith.cmpi ne, %sign3A_591, %sign3A_598 : i32
      %rem3A_600 = arith.remsi %add3A_563, %jit3A_583 : i32
      %ne3A_601 = arith.constant 0 : i32
      %ne3A_602 = arith.cmpi ne, %rem3A_600, %ne3A_601 : i32
      %and3A_603 = arith.andi %ne3A_599, %ne3A_602 : i1
      %sub3A_604 = arith.constant 1 : i32
      %sub3A_605 = arith.subi %div3A_584, %sub3A_604 : i32
      %select_n3A_606 = arith.select %and3A_603, %sub3A_605, %div3A_584 : i32
      %jit3A_607 = arith.constant 32 : i32
      %eq3A_608 = arith.constant 0 : i32
      %eq3A_609 = arith.cmpi eq, %jit3A_607, %eq3A_608 : i32
      %jit3A_610 = arith.constant 1 : i32
      %select_n3A_611 = arith.select %eq3A_609, %jit3A_610, %jit3A_607 : i32
      %rem3A_612 = arith.remsi %add3A_563, %select_n3A_611 : i32
      %ne3A_613 = arith.constant 0 : i32
      %ne3A_614 = arith.cmpi ne, %rem3A_612, %ne3A_613 : i32
      %lt3A_615 = arith.constant 0 : i32
      %lt3A_616 = arith.cmpi slt, %rem3A_612, %lt3A_615 : i32
      %lt3A_617 = arith.constant 0 : i32
      %lt3A_618 = arith.cmpi slt, %select_n3A_611, %lt3A_617 : i32
      %ne3A_619 = arith.xori %lt3A_616, %lt3A_618 : i1
      %and3A_620 = arith.andi %ne3A_619, %ne3A_614 : i1
      %add3A_621 = arith.addi %rem3A_612, %select_n3A_611 : i32
      %select_n3A_622 = arith.select %and3A_620, %add3A_621, %rem3A_612 : i32
      %mul3A_623 = arith.constant 128 : i32
      %mul3A_624 = arith.muli %select_n3A_622, %mul3A_623 : i32
      %dma_start3A_625 = arith.constant 0 : i32
      %dma_start3A_626 = tpu.memref_slice %arg4[%select_n3A_606, %dma_start3A_625, %mul3A_624] : memref<200x64x4096xf32, #tpu.memory_space<hbm>> -> memref<1x64x128xf32, #tpu.memory_space<hbm>>
      %dma_start3A_627 = tpu.memref_squeeze %dma_start3A_626 : memref<1x64x128xf32, #tpu.memory_space<hbm>> -> memref<64x128xf32, #tpu.memory_space<hbm>>
      %dma_start3A_628 = arith.constant 0 : i32
      %dma_start3A_629 = tpu.memref_slice %arg4[%select_n3A_606, %dma_start3A_628, %mul3A_624] : memref<200x64x4096xf32, #tpu.memory_space<hbm>> -> memref<1x64x128xf32, #tpu.memory_space<hbm>>
      %dma_start3A_630 = tpu.memref_squeeze %dma_start3A_629 : memref<1x64x128xf32, #tpu.memory_space<hbm>> -> memref<64x128xf32, #tpu.memory_space<hbm>>
      tpu.enqueue_dma source(%arg17 : memref<64x128xf32, #tpu.memory_space<vmem>>) target(%dma_start3A_630 : memref<64x128xf32, #tpu.memory_space<hbm>>) target_semaphore(%arg33 : memref<!tpu.dma_semaphore, #tpu.memory_space<semaphore_mem>>)
      %mul3A_631 = arith.constant 2 : i32
      %mul3A_632 = arith.muli %scan3A_556, %mul3A_631 : i32
      %mul3A_633 = arith.constant 4 : i32
      %mul3A_634 = arith.muli %mul3A_632, %mul3A_633 : i32
      %add3A_635 = arith.addi %mul3A_2, %mul3A_634 : i32
      %add3A_636 = arith.constant 1 : i32
      %add3A_637 = arith.addi %add3A_635, %add3A_636 : i32
      %add3A_638 = arith.constant 3 : i32
      %add3A_639 = arith.addi %add3A_637, %add3A_638 : i32
      %lt3A_640 = arith.cmpi slt, %add3A_639, %add3A_4 : i32
      %convert_element_type3A_641 = arith.extui %lt3A_640 : i1 to i32
      %cond3A_642 = arith.constant 0 : i32
      %cond3A_643 = arith.cmpi ne, %convert_element_type3A_641, %cond3A_642 : i32
      scf.if %cond3A_643 {
        %dma_wait3A_1193 = arith.constant 0 : i32
        %dma_wait3A_1194 = arith.constant 0 : i32
        %dma_wait3A_1195 = tpu.memref_slice %arg2[%dma_wait3A_1193, %dma_wait3A_1194] : memref<200x4096xi32, #tpu.memory_space<hbm>> -> memref<1x128xi32, #tpu.memory_space<hbm>>
        %dma_wait3A_1196 = tpu.memref_squeeze %dma_wait3A_1195 : memref<1x128xi32, #tpu.memory_space<hbm>> -> memref<128xi32, #tpu.memory_space<hbm>>
        %dma_wait3A_1197 = arith.constant 0 : i32
        %dma_wait3A_1198 = tpu.memref_slice %arg2[%dma_wait3A_1193, %dma_wait3A_1197] : memref<200x4096xi32, #tpu.memory_space<hbm>> -> memref<1x128xi32, #tpu.memory_space<hbm>>
        %dma_wait3A_1199 = tpu.memref_squeeze %dma_wait3A_1198 : memref<1x128xi32, #tpu.memory_space<hbm>> -> memref<128xi32, #tpu.memory_space<hbm>>
        tpu.wait_dma2 semaphore(%arg25 : memref<!tpu.dma_semaphore, #tpu.memory_space<semaphore_mem>>) src(%dma_wait3A_1199 : memref<128xi32, #tpu.memory_space<hbm>>) dst(%arg9 : memref<128xi32, #tpu.memory_space<vmem>>)
        %dma_start3A_1200 = arith.constant 0 : i32
        %dma_start3A_1201 = arith.constant 0 : i32
        %dma_start3A_1202 = tpu.memref_slice %arg3[%dma_start3A_1200, %dma_start3A_1201] : memref<1000000x128xf32, #tpu.memory_space<hbm>> -> memref<1000000x128xf32, #tpu.memory_space<hbm>>
        tpu.enqueue_indirect_dma source(%dma_start3A_1202 : memref<1000000x128xf32, #tpu.memory_space<hbm>>) target(%arg13 : memref<128x128xf32, #tpu.memory_space<vmem>>) offsets(%arg9 : memref<128xi32, #tpu.memory_space<vmem>>) semaphore(%arg29 : memref<!tpu.dma_semaphore, #tpu.memory_space<semaphore_mem>>)
      } else {
      }
      %dma_wait3A_644 = arith.constant 0 : i32
      %dma_wait3A_645 = arith.constant 0 : i32
      %dma_wait3A_646 = tpu.memref_slice %arg3[%dma_wait3A_644, %dma_wait3A_645] : memref<1000000x128xf32, #tpu.memory_space<hbm>> -> memref<1000000x128xf32, #tpu.memory_space<hbm>>
      tpu.wait_indirect_dma semaphore(%arg30 : memref<!tpu.dma_semaphore, #tpu.memory_space<semaphore_mem>>) src(%dma_wait3A_646 : memref<1000000x128xf32, #tpu.memory_space<hbm>>) dst(%arg14 : memref<128x128xf32, #tpu.memory_space<vmem>>)
      %add3A_647 = arith.constant 8 : i32
      %add3A_648 = arith.addi %add3A_637, %add3A_647 : i32
      %lt3A_649 = arith.cmpi slt, %add3A_648, %add3A_4 : i32
      %convert_element_type3A_650 = arith.extui %lt3A_649 : i1 to i32
      %cond3A_651 = arith.constant 0 : i32
      %cond3A_652 = arith.cmpi ne, %convert_element_type3A_650, %cond3A_651 : i32
      scf.if %cond3A_652 {
        %add3A_1193 = arith.constant 8 : i32
        %add3A_1194 = arith.addi %add3A_637, %add3A_1193 : i32
        %jit3A_1195 = arith.constant 32 : i32
        %div3A_1196 = arith.divsi %add3A_1194, %jit3A_1195 : i32
        %sign3A_1197 = arith.constant 0 : i32
        %sign3A_1198 = arith.cmpi sgt, %add3A_1194, %sign3A_1197 : i32
        %sign3A_1199 = arith.extui %sign3A_1198 : i1 to i32
        %sign3A_1200 = arith.constant 0 : i32
        %sign3A_1201 = arith.cmpi slt, %add3A_1194, %sign3A_1200 : i32
        %sign3A_1202 = arith.extui %sign3A_1201 : i1 to i32
        %sign3A_1203 = arith.subi %sign3A_1199, %sign3A_1202 : i32
        %sign3A_1204 = arith.constant 0 : i32
        %sign3A_1205 = arith.cmpi sgt, %jit3A_1195, %sign3A_1204 : i32
        %sign3A_1206 = arith.extui %sign3A_1205 : i1 to i32
        %sign3A_1207 = arith.constant 0 : i32
        %sign3A_1208 = arith.cmpi slt, %jit3A_1195, %sign3A_1207 : i32
        %sign3A_1209 = arith.extui %sign3A_1208 : i1 to i32
        %sign3A_1210 = arith.subi %sign3A_1206, %sign3A_1209 : i32
        %ne3A_1211 = arith.cmpi ne, %sign3A_1203, %sign3A_1210 : i32
        %rem3A_1212 = arith.remsi %add3A_1194, %jit3A_1195 : i32
        %ne3A_1213 = arith.constant 0 : i32
        %ne3A_1214 = arith.cmpi ne, %rem3A_1212, %ne3A_1213 : i32
        %and3A_1215 = arith.andi %ne3A_1211, %ne3A_1214 : i1
        %sub3A_1216 = arith.constant 1 : i32
        %sub3A_1217 = arith.subi %div3A_1196, %sub3A_1216 : i32
        %select_n3A_1218 = arith.select %and3A_1215, %sub3A_1217, %div3A_1196 : i32
        %jit3A_1219 = arith.constant 32 : i32
        %eq3A_1220 = arith.constant 0 : i32
        %eq3A_1221 = arith.cmpi eq, %jit3A_1219, %eq3A_1220 : i32
        %jit3A_1222 = arith.constant 1 : i32
        %select_n3A_1223 = arith.select %eq3A_1221, %jit3A_1222, %jit3A_1219 : i32
        %rem3A_1224 = arith.remsi %add3A_1194, %select_n3A_1223 : i32
        %ne3A_1225 = arith.constant 0 : i32
        %ne3A_1226 = arith.cmpi ne, %rem3A_1224, %ne3A_1225 : i32
        %lt3A_1227 = arith.constant 0 : i32
        %lt3A_1228 = arith.cmpi slt, %rem3A_1224, %lt3A_1227 : i32
        %lt3A_1229 = arith.constant 0 : i32
        %lt3A_1230 = arith.cmpi slt, %select_n3A_1223, %lt3A_1229 : i32
        %ne3A_1231 = arith.xori %lt3A_1228, %lt3A_1230 : i1
        %and3A_1232 = arith.andi %ne3A_1231, %ne3A_1226 : i1
        %add3A_1233 = arith.addi %rem3A_1224, %select_n3A_1223 : i32
        %select_n3A_1234 = arith.select %and3A_1232, %add3A_1233, %rem3A_1224 : i32
        %mul3A_1235 = arith.constant 128 : i32
        %mul3A_1236 = arith.muli %select_n3A_1234, %mul3A_1235 : i32
        %dma_start3A_1237 = tpu.memref_slice %arg2[%select_n3A_1218, %mul3A_1236] : memref<200x4096xi32, #tpu.memory_space<hbm>> -> memref<1x128xi32, #tpu.memory_space<hbm>>
        %dma_start3A_1238 = tpu.memref_squeeze %dma_start3A_1237 : memref<1x128xi32, #tpu.memory_space<hbm>> -> memref<128xi32, #tpu.memory_space<hbm>>
        %dma_start3A_1239 = tpu.memref_slice %arg2[%select_n3A_1218, %mul3A_1236] : memref<200x4096xi32, #tpu.memory_space<hbm>> -> memref<1x128xi32, #tpu.memory_space<hbm>>
        %dma_start3A_1240 = tpu.memref_squeeze %dma_start3A_1239 : memref<1x128xi32, #tpu.memory_space<hbm>> -> memref<128xi32, #tpu.memory_space<hbm>>
        tpu.enqueue_dma source(%dma_start3A_1240 : memref<128xi32, #tpu.memory_space<hbm>>) target(%arg6 : memref<128xi32, #tpu.memory_space<vmem>>) target_semaphore(%arg22 : memref<!tpu.dma_semaphore, #tpu.memory_space<semaphore_mem>>)
      } else {
      }
      %gt3A_653 = arith.constant 0 : i32
      %gt3A_654 = arith.cmpi sgt, %scan3A_556, %gt3A_653 : i32
      %convert_element_type3A_655 = arith.extui %gt3A_654 : i1 to i32
      %cond3A_656 = arith.constant 0 : i32
      %cond3A_657 = arith.cmpi ne, %convert_element_type3A_655, %cond3A_656 : i32
      scf.if %cond3A_657 {
        %dma_wait3A_1193 = arith.constant 0 : i32
        %dma_wait3A_1194 = arith.constant 0 : i32
        %dma_wait3A_1195 = arith.constant 0 : i32
        %dma_wait3A_1196 = tpu.memref_slice %arg4[%dma_wait3A_1193, %dma_wait3A_1194, %dma_wait3A_1195] : memref<200x64x4096xf32, #tpu.memory_space<hbm>> -> memref<1x64x128xf32, #tpu.memory_space<hbm>>
        %dma_wait3A_1197 = tpu.memref_squeeze %dma_wait3A_1196 : memref<1x64x128xf32, #tpu.memory_space<hbm>> -> memref<64x128xf32, #tpu.memory_space<hbm>>
        %dma_wait3A_1198 = arith.constant 0 : i32
        %dma_wait3A_1199 = arith.constant 0 : i32
        %dma_wait3A_1200 = tpu.memref_slice %arg4[%dma_wait3A_1193, %dma_wait3A_1198, %dma_wait3A_1199] : memref<200x64x4096xf32, #tpu.memory_space<hbm>> -> memref<1x64x128xf32, #tpu.memory_space<hbm>>
        %dma_wait3A_1201 = tpu.memref_squeeze %dma_wait3A_1200 : memref<1x64x128xf32, #tpu.memory_space<hbm>> -> memref<64x128xf32, #tpu.memory_space<hbm>>
        tpu.wait_dma2 semaphore(%arg34 : memref<!tpu.dma_semaphore, #tpu.memory_space<semaphore_mem>>) src(%arg18 : memref<64x128xf32, #tpu.memory_space<vmem>>) dst(%dma_wait3A_1201 : memref<64x128xf32, #tpu.memory_space<hbm>>)
      } else {
      }
      %parallel_loop3A_658 = arith.constant 0 : i32
      %parallel_loop3A_659 = arith.constant 8 : i32
      %parallel_loop3A_660 = arith.constant 1 : i32
      scf.for %parallel_loop3A_1193 = %parallel_loop3A_658 to %parallel_loop3A_659 step %parallel_loop3A_660  : i32 {
        %parallel_loop3A_1194 = arith.constant 16 : i32
        %parallel_loop3A_1195 = arith.muli %parallel_loop3A_1193, %parallel_loop3A_1194 : i32
        %parallel_loop3A_1196 = arith.constant 0 : i32
        %parallel_loop3A_1197 = arith.constant 0 : i32
        %parallel_loop3A_1198 = arith.constant 16 : i32
        %parallel_loop3A_1199 = arith.addi %parallel_loop3A_1197, %parallel_loop3A_1198 : i32
        %parallel_loop3A_1200 = arith.constant 1 : i32
        scf.for %scan3A_1202 = %parallel_loop3A_1197 to %parallel_loop3A_1199 step %parallel_loop3A_1200  : i32 {
          %parallel_loop3A_1203 = vector.broadcast %scan3A_1202 : i32 to vector<16xi32>
          %parallel_loop3A_1204 = arith.addi %iota3A, %parallel_loop3A_1203 : vector<16xi32>
          %parallel_loop3A_1205 = arith.constant 15 : i32
          %parallel_loop3A_1206 = vector.broadcast %parallel_loop3A_1205 : i32 to vector<16xi32>
          %parallel_loop3A_1207 = arith.andi %parallel_loop3A_1204, %parallel_loop3A_1206 : vector<16xi32>
          %parallel_loop3A_1208 = vector.broadcast %parallel_loop3A_1195 : i32 to vector<16xi32>
          %parallel_loop3A_1209 = arith.addi %parallel_loop3A_1207, %parallel_loop3A_1208 : vector<16xi32>
          %parallel_loop3A_1210 = arith.constant 0 : i32
          %parallel_loop3A_1211 = tpu.memref_slice %arg14[%parallel_loop3A_1195, %parallel_loop3A_1210] : memref<128x128xf32, #tpu.memory_space<vmem>> -> memref<16x128xf32, #tpu.memory_space<vmem>>
          %parallel_loop3A_1212 = tpu.vector_load_idx %parallel_loop3A_1211[%parallel_loop3A_1207, %add3A_102] : memref<16x128xf32, #tpu.memory_space<vmem>>[vector<16xi32>, vector<16xi32>], vector<16xf32>,
          tpu.vector_store_idx %arg18[%add3A_102, %parallel_loop3A_1209], %parallel_loop3A_1212 : memref<64x128xf32, #tpu.memory_space<vmem>>[vector<16xi32>, vector<16xi32>], vector<16xf32>,
          %parallel_loop3A_1213 = arith.constant 0 : i32
          %parallel_loop3A_1214 = tpu.memref_slice %arg14[%parallel_loop3A_1195, %parallel_loop3A_1213] : memref<128x128xf32, #tpu.memory_space<vmem>> -> memref<16x128xf32, #tpu.memory_space<vmem>>
          %parallel_loop3A_1215 = tpu.vector_load_idx %parallel_loop3A_1214[%parallel_loop3A_1207, %add3A_105] : memref<16x128xf32, #tpu.memory_space<vmem>>[vector<16xi32>, vector<16xi32>], vector<16xf32>,
          tpu.vector_store_idx %arg18[%add3A_105, %parallel_loop3A_1209], %parallel_loop3A_1215 : memref<64x128xf32, #tpu.memory_space<vmem>>[vector<16xi32>, vector<16xi32>], vector<16xf32>,
          %parallel_loop3A_1216 = arith.constant 0 : i32
          %parallel_loop3A_1217 = tpu.memref_slice %arg14[%parallel_loop3A_1195, %parallel_loop3A_1216] : memref<128x128xf32, #tpu.memory_space<vmem>> -> memref<16x128xf32, #tpu.memory_space<vmem>>
          %parallel_loop3A_1218 = tpu.vector_load_idx %parallel_loop3A_1217[%parallel_loop3A_1207, %add3A_108] : memref<16x128xf32, #tpu.memory_space<vmem>>[vector<16xi32>, vector<16xi32>], vector<16xf32>,
          tpu.vector_store_idx %arg18[%add3A_108, %parallel_loop3A_1209], %parallel_loop3A_1218 : memref<64x128xf32, #tpu.memory_space<vmem>>[vector<16xi32>, vector<16xi32>], vector<16xf32>,
          %parallel_loop3A_1219 = arith.constant 0 : i32
          %parallel_loop3A_1220 = tpu.memref_slice %arg14[%parallel_loop3A_1195, %parallel_loop3A_1219] : memref<128x128xf32, #tpu.memory_space<vmem>> -> memref<16x128xf32, #tpu.memory_space<vmem>>
          %parallel_loop3A_1221 = tpu.vector_load_idx %parallel_loop3A_1220[%parallel_loop3A_1207, %add3A_111] : memref<16x128xf32, #tpu.memory_space<vmem>>[vector<16xi32>, vector<16xi32>], vector<16xf32>,
          tpu.vector_store_idx %arg18[%add3A_111, %parallel_loop3A_1209], %parallel_loop3A_1221 : memref<64x128xf32, #tpu.memory_space<vmem>>[vector<16xi32>, vector<16xi32>], vector<16xf32>,
        }
        %parallel_loop3A_1201 = arith.constant 16 : i32
      } {sc.loop_unroll_factor = 1 : i64, sc.parallel_access}
      %jit3A_661 = arith.constant 32 : i32
      %div3A_662 = arith.divsi %add3A_637, %jit3A_661 : i32
      %sign3A_663 = arith.constant 0 : i32
      %sign3A_664 = arith.cmpi sgt, %add3A_637, %sign3A_663 : i32
      %sign3A_665 = arith.extui %sign3A_664 : i1 to i32
      %sign3A_666 = arith.constant 0 : i32
      %sign3A_667 = arith.cmpi slt, %add3A_637, %sign3A_666 : i32
      %sign3A_668 = arith.extui %sign3A_667 : i1 to i32
      %sign3A_669 = arith.subi %sign3A_665, %sign3A_668 : i32
      %sign3A_670 = arith.constant 0 : i32
      %sign3A_671 = arith.cmpi sgt, %jit3A_661, %sign3A_670 : i32
      %sign3A_672 = arith.extui %sign3A_671 : i1 to i32
      %sign3A_673 = arith.constant 0 : i32
      %sign3A_674 = arith.cmpi slt, %jit3A_661, %sign3A_673 : i32
      %sign3A_675 = arith.extui %sign3A_674 : i1 to i32
      %sign3A_676 = arith.subi %sign3A_672, %sign3A_675 : i32
      %ne3A_677 = arith.cmpi ne, %sign3A_669, %sign3A_676 : i32
      %rem3A_678 = arith.remsi %add3A_637, %jit3A_661 : i32
      %ne3A_679 = arith.constant 0 : i32
      %ne3A_680 = arith.cmpi ne, %rem3A_678, %ne3A_679 : i32
      %and3A_681 = arith.andi %ne3A_677, %ne3A_680 : i1
      %sub3A_682 = arith.constant 1 : i32
      %sub3A_683 = arith.subi %div3A_662, %sub3A_682 : i32
      %select_n3A_684 = arith.select %and3A_681, %sub3A_683, %div3A_662 : i32
      %jit3A_685 = arith.constant 32 : i32
      %eq3A_686 = arith.constant 0 : i32
      %eq3A_687 = arith.cmpi eq, %jit3A_685, %eq3A_686 : i32
      %jit3A_688 = arith.constant 1 : i32
      %select_n3A_689 = arith.select %eq3A_687, %jit3A_688, %jit3A_685 : i32
      %rem3A_690 = arith.remsi %add3A_637, %select_n3A_689 : i32
      %ne3A_691 = arith.constant 0 : i32
      %ne3A_692 = arith.cmpi ne, %rem3A_690, %ne3A_691 : i32
      %lt3A_693 = arith.constant 0 : i32
      %lt3A_694 = arith.cmpi slt, %rem3A_690, %lt3A_693 : i32
      %lt3A_695 = arith.constant 0 : i32
      %lt3A_696 = arith.cmpi slt, %select_n3A_689, %lt3A_695 : i32
      %ne3A_697 = arith.xori %lt3A_694, %lt3A_696 : i1
      %and3A_698 = arith.andi %ne3A_697, %ne3A_692 : i1
      %add3A_699 = arith.addi %rem3A_690, %select_n3A_689 : i32
      %select_n3A_700 = arith.select %and3A_698, %add3A_699, %rem3A_690 : i32
      %mul3A_701 = arith.constant 128 : i32
      %mul3A_702 = arith.muli %select_n3A_700, %mul3A_701 : i32
      %dma_start3A_703 = arith.constant 0 : i32
      %dma_start3A_704 = tpu.memref_slice %arg4[%select_n3A_684, %dma_start3A_703, %mul3A_702] : memref<200x64x4096xf32, #tpu.memory_space<hbm>> -> memref<1x64x128xf32, #tpu.memory_space<hbm>>
      %dma_start3A_705 = tpu.memref_squeeze %dma_start3A_704 : memref<1x64x128xf32, #tpu.memory_space<hbm>> -> memref<64x128xf32, #tpu.memory_space<hbm>>
      %dma_start3A_706 = arith.constant 0 : i32
      %dma_start3A_707 = tpu.memref_slice %arg4[%select_n3A_684, %dma_start3A_706, %mul3A_702] : memref<200x64x4096xf32, #tpu.memory_space<hbm>> -> memref<1x64x128xf32, #tpu.memory_space<hbm>>
      %dma_start3A_708 = tpu.memref_squeeze %dma_start3A_707 : memref<1x64x128xf32, #tpu.memory_space<hbm>> -> memref<64x128xf32, #tpu.memory_space<hbm>>
      tpu.enqueue_dma source(%arg18 : memref<64x128xf32, #tpu.memory_space<vmem>>) target(%dma_start3A_708 : memref<64x128xf32, #tpu.memory_space<hbm>>) target_semaphore(%arg34 : memref<!tpu.dma_semaphore, #tpu.memory_space<semaphore_mem>>)
      %mul3A_709 = arith.constant 2 : i32
      %mul3A_710 = arith.muli %scan3A_556, %mul3A_709 : i32
      %mul3A_711 = arith.constant 4 : i32
      %mul3A_712 = arith.muli %mul3A_710, %mul3A_711 : i32
      %add3A_713 = arith.addi %mul3A_2, %mul3A_712 : i32
      %add3A_714 = arith.constant 2 : i32
      %add3A_715 = arith.addi %add3A_713, %add3A_714 : i32
      %add3A_716 = arith.constant 3 : i32
      %add3A_717 = arith.addi %add3A_715, %add3A_716 : i32
      %lt3A_718 = arith.cmpi slt, %add3A_717, %add3A_4 : i32
      %convert_element_type3A_719 = arith.extui %lt3A_718 : i1 to i32
      %cond3A_720 = arith.constant 0 : i32
      %cond3A_721 = arith.cmpi ne, %convert_element_type3A_719, %cond3A_720 : i32
      scf.if %cond3A_721 {
        %dma_wait3A_1193 = arith.constant 0 : i32
        %dma_wait3A_1194 = arith.constant 0 : i32
        %dma_wait3A_1195 = tpu.memref_slice %arg2[%dma_wait3A_1193, %dma_wait3A_1194] : memref<200x4096xi32, #tpu.memory_space<hbm>> -> memref<1x128xi32, #tpu.memory_space<hbm>>
        %dma_wait3A_1196 = tpu.memref_squeeze %dma_wait3A_1195 : memref<1x128xi32, #tpu.memory_space<hbm>> -> memref<128xi32, #tpu.memory_space<hbm>>
        %dma_wait3A_1197 = arith.constant 0 : i32
        %dma_wait3A_1198 = tpu.memref_slice %arg2[%dma_wait3A_1193, %dma_wait3A_1197] : memref<200x4096xi32, #tpu.memory_space<hbm>> -> memref<1x128xi32, #tpu.memory_space<hbm>>
        %dma_wait3A_1199 = tpu.memref_squeeze %dma_wait3A_1198 : memref<1x128xi32, #tpu.memory_space<hbm>> -> memref<128xi32, #tpu.memory_space<hbm>>
        tpu.wait_dma2 semaphore(%arg26 : memref<!tpu.dma_semaphore, #tpu.memory_space<semaphore_mem>>) src(%dma_wait3A_1199 : memref<128xi32, #tpu.memory_space<hbm>>) dst(%arg10 : memref<128xi32, #tpu.memory_space<vmem>>)
        %dma_start3A_1200 = arith.constant 0 : i32
        %dma_start3A_1201 = arith.constant 0 : i32
        %dma_start3A_1202 = tpu.memref_slice %arg3[%dma_start3A_1200, %dma_start3A_1201] : memref<1000000x128xf32, #tpu.memory_space<hbm>> -> memref<1000000x128xf32, #tpu.memory_space<hbm>>
        tpu.enqueue_indirect_dma source(%dma_start3A_1202 : memref<1000000x128xf32, #tpu.memory_space<hbm>>) target(%arg14 : memref<128x128xf32, #tpu.memory_space<vmem>>) offsets(%arg10 : memref<128xi32, #tpu.memory_space<vmem>>) semaphore(%arg30 : memref<!tpu.dma_semaphore, #tpu.memory_space<semaphore_mem>>)
      } else {
      }
      %dma_wait3A_722 = arith.constant 0 : i32
      %dma_wait3A_723 = arith.constant 0 : i32
      %dma_wait3A_724 = tpu.memref_slice %arg3[%dma_wait3A_722, %dma_wait3A_723] : memref<1000000x128xf32, #tpu.memory_space<hbm>> -> memref<1000000x128xf32, #tpu.memory_space<hbm>>
      tpu.wait_indirect_dma semaphore(%arg31 : memref<!tpu.dma_semaphore, #tpu.memory_space<semaphore_mem>>) src(%dma_wait3A_724 : memref<1000000x128xf32, #tpu.memory_space<hbm>>) dst(%arg15 : memref<128x128xf32, #tpu.memory_space<vmem>>)
      %add3A_725 = arith.constant 8 : i32
      %add3A_726 = arith.addi %add3A_715, %add3A_725 : i32
      %lt3A_727 = arith.cmpi slt, %add3A_726, %add3A_4 : i32
      %convert_element_type3A_728 = arith.extui %lt3A_727 : i1 to i32
      %cond3A_729 = arith.constant 0 : i32
      %cond3A_730 = arith.cmpi ne, %convert_element_type3A_728, %cond3A_729 : i32
      scf.if %cond3A_730 {
        %add3A_1193 = arith.constant 8 : i32
        %add3A_1194 = arith.addi %add3A_715, %add3A_1193 : i32
        %jit3A_1195 = arith.constant 32 : i32
        %div3A_1196 = arith.divsi %add3A_1194, %jit3A_1195 : i32
        %sign3A_1197 = arith.constant 0 : i32
        %sign3A_1198 = arith.cmpi sgt, %add3A_1194, %sign3A_1197 : i32
        %sign3A_1199 = arith.extui %sign3A_1198 : i1 to i32
        %sign3A_1200 = arith.constant 0 : i32
        %sign3A_1201 = arith.cmpi slt, %add3A_1194, %sign3A_1200 : i32
        %sign3A_1202 = arith.extui %sign3A_1201 : i1 to i32
        %sign3A_1203 = arith.subi %sign3A_1199, %sign3A_1202 : i32
        %sign3A_1204 = arith.constant 0 : i32
        %sign3A_1205 = arith.cmpi sgt, %jit3A_1195, %sign3A_1204 : i32
        %sign3A_1206 = arith.extui %sign3A_1205 : i1 to i32
        %sign3A_1207 = arith.constant 0 : i32
        %sign3A_1208 = arith.cmpi slt, %jit3A_1195, %sign3A_1207 : i32
        %sign3A_1209 = arith.extui %sign3A_1208 : i1 to i32
        %sign3A_1210 = arith.subi %sign3A_1206, %sign3A_1209 : i32
        %ne3A_1211 = arith.cmpi ne, %sign3A_1203, %sign3A_1210 : i32
        %rem3A_1212 = arith.remsi %add3A_1194, %jit3A_1195 : i32
        %ne3A_1213 = arith.constant 0 : i32
        %ne3A_1214 = arith.cmpi ne, %rem3A_1212, %ne3A_1213 : i32
        %and3A_1215 = arith.andi %ne3A_1211, %ne3A_1214 : i1
        %sub3A_1216 = arith.constant 1 : i32
        %sub3A_1217 = arith.subi %div3A_1196, %sub3A_1216 : i32
        %select_n3A_1218 = arith.select %and3A_1215, %sub3A_1217, %div3A_1196 : i32
        %jit3A_1219 = arith.constant 32 : i32
        %eq3A_1220 = arith.constant 0 : i32
        %eq3A_1221 = arith.cmpi eq, %jit3A_1219, %eq3A_1220 : i32
        %jit3A_1222 = arith.constant 1 : i32
        %select_n3A_1223 = arith.select %eq3A_1221, %jit3A_1222, %jit3A_1219 : i32
        %rem3A_1224 = arith.remsi %add3A_1194, %select_n3A_1223 : i32
        %ne3A_1225 = arith.constant 0 : i32
        %ne3A_1226 = arith.cmpi ne, %rem3A_1224, %ne3A_1225 : i32
        %lt3A_1227 = arith.constant 0 : i32
        %lt3A_1228 = arith.cmpi slt, %rem3A_1224, %lt3A_1227 : i32
        %lt3A_1229 = arith.constant 0 : i32
        %lt3A_1230 = arith.cmpi slt, %select_n3A_1223, %lt3A_1229 : i32
        %ne3A_1231 = arith.xori %lt3A_1228, %lt3A_1230 : i1
        %and3A_1232 = arith.andi %ne3A_1231, %ne3A_1226 : i1
        %add3A_1233 = arith.addi %rem3A_1224, %select_n3A_1223 : i32
        %select_n3A_1234 = arith.select %and3A_1232, %add3A_1233, %rem3A_1224 : i32
        %mul3A_1235 = arith.constant 128 : i32
        %mul3A_1236 = arith.muli %select_n3A_1234, %mul3A_1235 : i32
        %dma_start3A_1237 = tpu.memref_slice %arg2[%select_n3A_1218, %mul3A_1236] : memref<200x4096xi32, #tpu.memory_space<hbm>> -> memref<1x128xi32, #tpu.memory_space<hbm>>
        %dma_start3A_1238 = tpu.memref_squeeze %dma_start3A_1237 : memref<1x128xi32, #tpu.memory_space<hbm>> -> memref<128xi32, #tpu.memory_space<hbm>>
        %dma_start3A_1239 = tpu.memref_slice %arg2[%select_n3A_1218, %mul3A_1236] : memref<200x4096xi32, #tpu.memory_space<hbm>> -> memref<1x128xi32, #tpu.memory_space<hbm>>
        %dma_start3A_1240 = tpu.memref_squeeze %dma_start3A_1239 : memref<1x128xi32, #tpu.memory_space<hbm>> -> memref<128xi32, #tpu.memory_space<hbm>>
        tpu.enqueue_dma source(%dma_start3A_1240 : memref<128xi32, #tpu.memory_space<hbm>>) target(%arg7 : memref<128xi32, #tpu.memory_space<vmem>>) target_semaphore(%arg23 : memref<!tpu.dma_semaphore, #tpu.memory_space<semaphore_mem>>)
      } else {
      }
      %gt3A_731 = arith.constant 0 : i32
      %gt3A_732 = arith.cmpi sgt, %scan3A_556, %gt3A_731 : i32
      %convert_element_type3A_733 = arith.extui %gt3A_732 : i1 to i32
      %cond3A_734 = arith.constant 0 : i32
      %cond3A_735 = arith.cmpi ne, %convert_element_type3A_733, %cond3A_734 : i32
      scf.if %cond3A_735 {
        %dma_wait3A_1193 = arith.constant 0 : i32
        %dma_wait3A_1194 = arith.constant 0 : i32
        %dma_wait3A_1195 = arith.constant 0 : i32
        %dma_wait3A_1196 = tpu.memref_slice %arg4[%dma_wait3A_1193, %dma_wait3A_1194, %dma_wait3A_1195] : memref<200x64x4096xf32, #tpu.memory_space<hbm>> -> memref<1x64x128xf32, #tpu.memory_space<hbm>>
        %dma_wait3A_1197 = tpu.memref_squeeze %dma_wait3A_1196 : memref<1x64x128xf32, #tpu.memory_space<hbm>> -> memref<64x128xf32, #tpu.memory_space<hbm>>
        %dma_wait3A_1198 = arith.constant 0 : i32
        %dma_wait3A_1199 = arith.constant 0 : i32
        %dma_wait3A_1200 = tpu.memref_slice %arg4[%dma_wait3A_1193, %dma_wait3A_1198, %dma_wait3A_1199] : memref<200x64x4096xf32, #tpu.memory_space<hbm>> -> memref<1x64x128xf32, #tpu.memory_space<hbm>>
        %dma_wait3A_1201 = tpu.memref_squeeze %dma_wait3A_1200 : memref<1x64x128xf32, #tpu.memory_space<hbm>> -> memref<64x128xf32, #tpu.memory_space<hbm>>
        tpu.wait_dma2 semaphore(%arg35 : memref<!tpu.dma_semaphore, #tpu.memory_space<semaphore_mem>>) src(%arg19 : memref<64x128xf32, #tpu.memory_space<vmem>>) dst(%dma_wait3A_1201 : memref<64x128xf32, #tpu.memory_space<hbm>>)
      } else {
      }
      %parallel_loop3A_736 = arith.constant 0 : i32
      %parallel_loop3A_737 = arith.constant 8 : i32
      %parallel_loop3A_738 = arith.constant 1 : i32
      scf.for %parallel_loop3A_1193 = %parallel_loop3A_736 to %parallel_loop3A_737 step %parallel_loop3A_738  : i32 {
        %parallel_loop3A_1194 = arith.constant 16 : i32
        %parallel_loop3A_1195 = arith.muli %parallel_loop3A_1193, %parallel_loop3A_1194 : i32
        %parallel_loop3A_1196 = arith.constant 0 : i32
        %parallel_loop3A_1197 = arith.constant 0 : i32
        %parallel_loop3A_1198 = arith.constant 16 : i32
        %parallel_loop3A_1199 = arith.addi %parallel_loop3A_1197, %parallel_loop3A_1198 : i32
        %parallel_loop3A_1200 = arith.constant 1 : i32
        scf.for %scan3A_1202 = %parallel_loop3A_1197 to %parallel_loop3A_1199 step %parallel_loop3A_1200  : i32 {
          %parallel_loop3A_1203 = vector.broadcast %scan3A_1202 : i32 to vector<16xi32>
          %parallel_loop3A_1204 = arith.addi %iota3A, %parallel_loop3A_1203 : vector<16xi32>
          %parallel_loop3A_1205 = arith.constant 15 : i32
          %parallel_loop3A_1206 = vector.broadcast %parallel_loop3A_1205 : i32 to vector<16xi32>
          %parallel_loop3A_1207 = arith.andi %parallel_loop3A_1204, %parallel_loop3A_1206 : vector<16xi32>
          %parallel_loop3A_1208 = vector.broadcast %parallel_loop3A_1195 : i32 to vector<16xi32>
          %parallel_loop3A_1209 = arith.addi %parallel_loop3A_1207, %parallel_loop3A_1208 : vector<16xi32>
          %parallel_loop3A_1210 = arith.constant 0 : i32
          %parallel_loop3A_1211 = tpu.memref_slice %arg15[%parallel_loop3A_1195, %parallel_loop3A_1210] : memref<128x128xf32, #tpu.memory_space<vmem>> -> memref<16x128xf32, #tpu.memory_space<vmem>>
          %parallel_loop3A_1212 = tpu.vector_load_idx %parallel_loop3A_1211[%parallel_loop3A_1207, %add3A_102] : memref<16x128xf32, #tpu.memory_space<vmem>>[vector<16xi32>, vector<16xi32>], vector<16xf32>,
          tpu.vector_store_idx %arg19[%add3A_102, %parallel_loop3A_1209], %parallel_loop3A_1212 : memref<64x128xf32, #tpu.memory_space<vmem>>[vector<16xi32>, vector<16xi32>], vector<16xf32>,
          %parallel_loop3A_1213 = arith.constant 0 : i32
          %parallel_loop3A_1214 = tpu.memref_slice %arg15[%parallel_loop3A_1195, %parallel_loop3A_1213] : memref<128x128xf32, #tpu.memory_space<vmem>> -> memref<16x128xf32, #tpu.memory_space<vmem>>
          %parallel_loop3A_1215 = tpu.vector_load_idx %parallel_loop3A_1214[%parallel_loop3A_1207, %add3A_105] : memref<16x128xf32, #tpu.memory_space<vmem>>[vector<16xi32>, vector<16xi32>], vector<16xf32>,
          tpu.vector_store_idx %arg19[%add3A_105, %parallel_loop3A_1209], %parallel_loop3A_1215 : memref<64x128xf32, #tpu.memory_space<vmem>>[vector<16xi32>, vector<16xi32>], vector<16xf32>,
          %parallel_loop3A_1216 = arith.constant 0 : i32
          %parallel_loop3A_1217 = tpu.memref_slice %arg15[%parallel_loop3A_1195, %parallel_loop3A_1216] : memref<128x128xf32, #tpu.memory_space<vmem>> -> memref<16x128xf32, #tpu.memory_space<vmem>>
          %parallel_loop3A_1218 = tpu.vector_load_idx %parallel_loop3A_1217[%parallel_loop3A_1207, %add3A_108] : memref<16x128xf32, #tpu.memory_space<vmem>>[vector<16xi32>, vector<16xi32>], vector<16xf32>,
          tpu.vector_store_idx %arg19[%add3A_108, %parallel_loop3A_1209], %parallel_loop3A_1218 : memref<64x128xf32, #tpu.memory_space<vmem>>[vector<16xi32>, vector<16xi32>], vector<16xf32>,
          %parallel_loop3A_1219 = arith.constant 0 : i32
          %parallel_loop3A_1220 = tpu.memref_slice %arg15[%parallel_loop3A_1195, %parallel_loop3A_1219] : memref<128x128xf32, #tpu.memory_space<vmem>> -> memref<16x128xf32, #tpu.memory_space<vmem>>
          %parallel_loop3A_1221 = tpu.vector_load_idx %parallel_loop3A_1220[%parallel_loop3A_1207, %add3A_111] : memref<16x128xf32, #tpu.memory_space<vmem>>[vector<16xi32>, vector<16xi32>], vector<16xf32>,
          tpu.vector_store_idx %arg19[%add3A_111, %parallel_loop3A_1209], %parallel_loop3A_1221 : memref<64x128xf32, #tpu.memory_space<vmem>>[vector<16xi32>, vector<16xi32>], vector<16xf32>,
        }
        %parallel_loop3A_1201 = arith.constant 16 : i32
      } {sc.loop_unroll_factor = 1 : i64, sc.parallel_access}
      %jit3A_739 = arith.constant 32 : i32
      %div3A_740 = arith.divsi %add3A_715, %jit3A_739 : i32
      %sign3A_741 = arith.constant 0 : i32
      %sign3A_742 = arith.cmpi sgt, %add3A_715, %sign3A_741 : i32
      %sign3A_743 = arith.extui %sign3A_742 : i1 to i32
      %sign3A_744 = arith.constant 0 : i32
      %sign3A_745 = arith.cmpi slt, %add3A_715, %sign3A_744 : i32
      %sign3A_746 = arith.extui %sign3A_745 : i1 to i32
      %sign3A_747 = arith.subi %sign3A_743, %sign3A_746 : i32
      %sign3A_748 = arith.constant 0 : i32
      %sign3A_749 = arith.cmpi sgt, %jit3A_739, %sign3A_748 : i32
      %sign3A_750 = arith.extui %sign3A_749 : i1 to i32
      %sign3A_751 = arith.constant 0 : i32
      %sign3A_752 = arith.cmpi slt, %jit3A_739, %sign3A_751 : i32
      %sign3A_753 = arith.extui %sign3A_752 : i1 to i32
      %sign3A_754 = arith.subi %sign3A_750, %sign3A_753 : i32
      %ne3A_755 = arith.cmpi ne, %sign3A_747, %sign3A_754 : i32
      %rem3A_756 = arith.remsi %add3A_715, %jit3A_739 : i32
      %ne3A_757 = arith.constant 0 : i32
      %ne3A_758 = arith.cmpi ne, %rem3A_756, %ne3A_757 : i32
      %and3A_759 = arith.andi %ne3A_755, %ne3A_758 : i1
      %sub3A_760 = arith.constant 1 : i32
      %sub3A_761 = arith.subi %div3A_740, %sub3A_760 : i32
      %select_n3A_762 = arith.select %and3A_759, %sub3A_761, %div3A_740 : i32
      %jit3A_763 = arith.constant 32 : i32
      %eq3A_764 = arith.constant 0 : i32
      %eq3A_765 = arith.cmpi eq, %jit3A_763, %eq3A_764 : i32
      %jit3A_766 = arith.constant 1 : i32
      %select_n3A_767 = arith.select %eq3A_765, %jit3A_766, %jit3A_763 : i32
      %rem3A_768 = arith.remsi %add3A_715, %select_n3A_767 : i32
      %ne3A_769 = arith.constant 0 : i32
      %ne3A_770 = arith.cmpi ne, %rem3A_768, %ne3A_769 : i32
      %lt3A_771 = arith.constant 0 : i32
      %lt3A_772 = arith.cmpi slt, %rem3A_768, %lt3A_771 : i32
      %lt3A_773 = arith.constant 0 : i32
      %lt3A_774 = arith.cmpi slt, %select_n3A_767, %lt3A_773 : i32
      %ne3A_775 = arith.xori %lt3A_772, %lt3A_774 : i1
      %and3A_776 = arith.andi %ne3A_775, %ne3A_770 : i1
      %add3A_777 = arith.addi %rem3A_768, %select_n3A_767 : i32
      %select_n3A_778 = arith.select %and3A_776, %add3A_777, %rem3A_768 : i32
      %mul3A_779 = arith.constant 128 : i32
      %mul3A_780 = arith.muli %select_n3A_778, %mul3A_779 : i32
      %dma_start3A_781 = arith.constant 0 : i32
      %dma_start3A_782 = tpu.memref_slice %arg4[%select_n3A_762, %dma_start3A_781, %mul3A_780] : memref<200x64x4096xf32, #tpu.memory_space<hbm>> -> memref<1x64x128xf32, #tpu.memory_space<hbm>>
      %dma_start3A_783 = tpu.memref_squeeze %dma_start3A_782 : memref<1x64x128xf32, #tpu.memory_space<hbm>> -> memref<64x128xf32, #tpu.memory_space<hbm>>
      %dma_start3A_784 = arith.constant 0 : i32
      %dma_start3A_785 = tpu.memref_slice %arg4[%select_n3A_762, %dma_start3A_784, %mul3A_780] : memref<200x64x4096xf32, #tpu.memory_space<hbm>> -> memref<1x64x128xf32, #tpu.memory_space<hbm>>
      %dma_start3A_786 = tpu.memref_squeeze %dma_start3A_785 : memref<1x64x128xf32, #tpu.memory_space<hbm>> -> memref<64x128xf32, #tpu.memory_space<hbm>>
      tpu.enqueue_dma source(%arg19 : memref<64x128xf32, #tpu.memory_space<vmem>>) target(%dma_start3A_786 : memref<64x128xf32, #tpu.memory_space<hbm>>) target_semaphore(%arg35 : memref<!tpu.dma_semaphore, #tpu.memory_space<semaphore_mem>>)
      %mul3A_787 = arith.constant 2 : i32
      %mul3A_788 = arith.muli %scan3A_556, %mul3A_787 : i32
      %mul3A_789 = arith.constant 4 : i32
      %mul3A_790 = arith.muli %mul3A_788, %mul3A_789 : i32
      %add3A_791 = arith.addi %mul3A_2, %mul3A_790 : i32
      %add3A_792 = arith.constant 3 : i32
      %add3A_793 = arith.addi %add3A_791, %add3A_792 : i32
      %add3A_794 = arith.constant 3 : i32
      %add3A_795 = arith.addi %add3A_793, %add3A_794 : i32
      %lt3A_796 = arith.cmpi slt, %add3A_795, %add3A_4 : i32
      %convert_element_type3A_797 = arith.extui %lt3A_796 : i1 to i32
      %cond3A_798 = arith.constant 0 : i32
      %cond3A_799 = arith.cmpi ne, %convert_element_type3A_797, %cond3A_798 : i32
      scf.if %cond3A_799 {
        %dma_wait3A_1193 = arith.constant 0 : i32
        %dma_wait3A_1194 = arith.constant 0 : i32
        %dma_wait3A_1195 = tpu.memref_slice %arg2[%dma_wait3A_1193, %dma_wait3A_1194] : memref<200x4096xi32, #tpu.memory_space<hbm>> -> memref<1x128xi32, #tpu.memory_space<hbm>>
        %dma_wait3A_1196 = tpu.memref_squeeze %dma_wait3A_1195 : memref<1x128xi32, #tpu.memory_space<hbm>> -> memref<128xi32, #tpu.memory_space<hbm>>
        %dma_wait3A_1197 = arith.constant 0 : i32
        %dma_wait3A_1198 = tpu.memref_slice %arg2[%dma_wait3A_1193, %dma_wait3A_1197] : memref<200x4096xi32, #tpu.memory_space<hbm>> -> memref<1x128xi32, #tpu.memory_space<hbm>>
        %dma_wait3A_1199 = tpu.memref_squeeze %dma_wait3A_1198 : memref<1x128xi32, #tpu.memory_space<hbm>> -> memref<128xi32, #tpu.memory_space<hbm>>
        tpu.wait_dma2 semaphore(%arg27 : memref<!tpu.dma_semaphore, #tpu.memory_space<semaphore_mem>>) src(%dma_wait3A_1199 : memref<128xi32, #tpu.memory_space<hbm>>) dst(%arg11 : memref<128xi32, #tpu.memory_space<vmem>>)
        %dma_start3A_1200 = arith.constant 0 : i32
        %dma_start3A_1201 = arith.constant 0 : i32
        %dma_start3A_1202 = tpu.memref_slice %arg3[%dma_start3A_1200, %dma_start3A_1201] : memref<1000000x128xf32, #tpu.memory_space<hbm>> -> memref<1000000x128xf32, #tpu.memory_space<hbm>>
        tpu.enqueue_indirect_dma source(%dma_start3A_1202 : memref<1000000x128xf32, #tpu.memory_space<hbm>>) target(%arg15 : memref<128x128xf32, #tpu.memory_space<vmem>>) offsets(%arg11 : memref<128xi32, #tpu.memory_space<vmem>>) semaphore(%arg31 : memref<!tpu.dma_semaphore, #tpu.memory_space<semaphore_mem>>)
      } else {
      }
      %dma_wait3A_800 = arith.constant 0 : i32
      %dma_wait3A_801 = arith.constant 0 : i32
      %dma_wait3A_802 = tpu.memref_slice %arg3[%dma_wait3A_800, %dma_wait3A_801] : memref<1000000x128xf32, #tpu.memory_space<hbm>> -> memref<1000000x128xf32, #tpu.memory_space<hbm>>
      tpu.wait_indirect_dma semaphore(%arg32 : memref<!tpu.dma_semaphore, #tpu.memory_space<semaphore_mem>>) src(%dma_wait3A_802 : memref<1000000x128xf32, #tpu.memory_space<hbm>>) dst(%arg16 : memref<128x128xf32, #tpu.memory_space<vmem>>)
      %add3A_803 = arith.constant 8 : i32
      %add3A_804 = arith.addi %add3A_793, %add3A_803 : i32
      %lt3A_805 = arith.cmpi slt, %add3A_804, %add3A_4 : i32
      %convert_element_type3A_806 = arith.extui %lt3A_805 : i1 to i32
      %cond3A_807 = arith.constant 0 : i32
      %cond3A_808 = arith.cmpi ne, %convert_element_type3A_806, %cond3A_807 : i32
      scf.if %cond3A_808 {
        %add3A_1193 = arith.constant 8 : i32
        %add3A_1194 = arith.addi %add3A_793, %add3A_1193 : i32
        %jit3A_1195 = arith.constant 32 : i32
        %div3A_1196 = arith.divsi %add3A_1194, %jit3A_1195 : i32
        %sign3A_1197 = arith.constant 0 : i32
        %sign3A_1198 = arith.cmpi sgt, %add3A_1194, %sign3A_1197 : i32
        %sign3A_1199 = arith.extui %sign3A_1198 : i1 to i32
        %sign3A_1200 = arith.constant 0 : i32
        %sign3A_1201 = arith.cmpi slt, %add3A_1194, %sign3A_1200 : i32
        %sign3A_1202 = arith.extui %sign3A_1201 : i1 to i32
        %sign3A_1203 = arith.subi %sign3A_1199, %sign3A_1202 : i32
        %sign3A_1204 = arith.constant 0 : i32
        %sign3A_1205 = arith.cmpi sgt, %jit3A_1195, %sign3A_1204 : i32
        %sign3A_1206 = arith.extui %sign3A_1205 : i1 to i32
        %sign3A_1207 = arith.constant 0 : i32
        %sign3A_1208 = arith.cmpi slt, %jit3A_1195, %sign3A_1207 : i32
        %sign3A_1209 = arith.extui %sign3A_1208 : i1 to i32
        %sign3A_1210 = arith.subi %sign3A_1206, %sign3A_1209 : i32
        %ne3A_1211 = arith.cmpi ne, %sign3A_1203, %sign3A_1210 : i32
        %rem3A_1212 = arith.remsi %add3A_1194, %jit3A_1195 : i32
        %ne3A_1213 = arith.constant 0 : i32
        %ne3A_1214 = arith.cmpi ne, %rem3A_1212, %ne3A_1213 : i32
        %and3A_1215 = arith.andi %ne3A_1211, %ne3A_1214 : i1
        %sub3A_1216 = arith.constant 1 : i32
        %sub3A_1217 = arith.subi %div3A_1196, %sub3A_1216 : i32
        %select_n3A_1218 = arith.select %and3A_1215, %sub3A_1217, %div3A_1196 : i32
        %jit3A_1219 = arith.constant 32 : i32
        %eq3A_1220 = arith.constant 0 : i32
        %eq3A_1221 = arith.cmpi eq, %jit3A_1219, %eq3A_1220 : i32
        %jit3A_1222 = arith.constant 1 : i32
        %select_n3A_1223 = arith.select %eq3A_1221, %jit3A_1222, %jit3A_1219 : i32
        %rem3A_1224 = arith.remsi %add3A_1194, %select_n3A_1223 : i32
        %ne3A_1225 = arith.constant 0 : i32
        %ne3A_1226 = arith.cmpi ne, %rem3A_1224, %ne3A_1225 : i32
        %lt3A_1227 = arith.constant 0 : i32
        %lt3A_1228 = arith.cmpi slt, %rem3A_1224, %lt3A_1227 : i32
        %lt3A_1229 = arith.constant 0 : i32
        %lt3A_1230 = arith.cmpi slt, %select_n3A_1223, %lt3A_1229 : i32
        %ne3A_1231 = arith.xori %lt3A_1228, %lt3A_1230 : i1
        %and3A_1232 = arith.andi %ne3A_1231, %ne3A_1226 : i1
        %add3A_1233 = arith.addi %rem3A_1224, %select_n3A_1223 : i32
        %select_n3A_1234 = arith.select %and3A_1232, %add3A_1233, %rem3A_1224 : i32
        %mul3A_1235 = arith.constant 128 : i32
        %mul3A_1236 = arith.muli %select_n3A_1234, %mul3A_1235 : i32
        %dma_start3A_1237 = tpu.memref_slice %arg2[%select_n3A_1218, %mul3A_1236] : memref<200x4096xi32, #tpu.memory_space<hbm>> -> memref<1x128xi32, #tpu.memory_space<hbm>>
        %dma_start3A_1238 = tpu.memref_squeeze %dma_start3A_1237 : memref<1x128xi32, #tpu.memory_space<hbm>> -> memref<128xi32, #tpu.memory_space<hbm>>
        %dma_start3A_1239 = tpu.memref_slice %arg2[%select_n3A_1218, %mul3A_1236] : memref<200x4096xi32, #tpu.memory_space<hbm>> -> memref<1x128xi32, #tpu.memory_space<hbm>>
        %dma_start3A_1240 = tpu.memref_squeeze %dma_start3A_1239 : memref<1x128xi32, #tpu.memory_space<hbm>> -> memref<128xi32, #tpu.memory_space<hbm>>
        tpu.enqueue_dma source(%dma_start3A_1240 : memref<128xi32, #tpu.memory_space<hbm>>) target(%arg8 : memref<128xi32, #tpu.memory_space<vmem>>) target_semaphore(%arg24 : memref<!tpu.dma_semaphore, #tpu.memory_space<semaphore_mem>>)
      } else {
      }
      %gt3A_809 = arith.constant 0 : i32
      %gt3A_810 = arith.cmpi sgt, %scan3A_556, %gt3A_809 : i32
      %convert_element_type3A_811 = arith.extui %gt3A_810 : i1 to i32
      %cond3A_812 = arith.constant 0 : i32
      %cond3A_813 = arith.cmpi ne, %convert_element_type3A_811, %cond3A_812 : i32
      scf.if %cond3A_813 {
        %dma_wait3A_1193 = arith.constant 0 : i32
        %dma_wait3A_1194 = arith.constant 0 : i32
        %dma_wait3A_1195 = arith.constant 0 : i32
        %dma_wait3A_1196 = tpu.memref_slice %arg4[%dma_wait3A_1193, %dma_wait3A_1194, %dma_wait3A_1195] : memref<200x64x4096xf32, #tpu.memory_space<hbm>> -> memref<1x64x128xf32, #tpu.memory_space<hbm>>
        %dma_wait3A_1197 = tpu.memref_squeeze %dma_wait3A_1196 : memref<1x64x128xf32, #tpu.memory_space<hbm>> -> memref<64x128xf32, #tpu.memory_space<hbm>>
        %dma_wait3A_1198 = arith.constant 0 : i32
        %dma_wait3A_1199 = arith.constant 0 : i32
        %dma_wait3A_1200 = tpu.memref_slice %arg4[%dma_wait3A_1193, %dma_wait3A_1198, %dma_wait3A_1199] : memref<200x64x4096xf32, #tpu.memory_space<hbm>> -> memref<1x64x128xf32, #tpu.memory_space<hbm>>
        %dma_wait3A_1201 = tpu.memref_squeeze %dma_wait3A_1200 : memref<1x64x128xf32, #tpu.memory_space<hbm>> -> memref<64x128xf32, #tpu.memory_space<hbm>>
        tpu.wait_dma2 semaphore(%arg36 : memref<!tpu.dma_semaphore, #tpu.memory_space<semaphore_mem>>) src(%arg20 : memref<64x128xf32, #tpu.memory_space<vmem>>) dst(%dma_wait3A_1201 : memref<64x128xf32, #tpu.memory_space<hbm>>)
      } else {
      }
      %parallel_loop3A_814 = arith.constant 0 : i32
      %parallel_loop3A_815 = arith.constant 8 : i32
      %parallel_loop3A_816 = arith.constant 1 : i32
      scf.for %parallel_loop3A_1193 = %parallel_loop3A_814 to %parallel_loop3A_815 step %parallel_loop3A_816  : i32 {
        %parallel_loop3A_1194 = arith.constant 16 : i32
        %parallel_loop3A_1195 = arith.muli %parallel_loop3A_1193, %parallel_loop3A_1194 : i32
        %parallel_loop3A_1196 = arith.constant 0 : i32
        %parallel_loop3A_1197 = arith.constant 0 : i32
        %parallel_loop3A_1198 = arith.constant 16 : i32
        %parallel_loop3A_1199 = arith.addi %parallel_loop3A_1197, %parallel_loop3A_1198 : i32
        %parallel_loop3A_1200 = arith.constant 1 : i32
        scf.for %scan3A_1202 = %parallel_loop3A_1197 to %parallel_loop3A_1199 step %parallel_loop3A_1200  : i32 {
          %parallel_loop3A_1203 = vector.broadcast %scan3A_1202 : i32 to vector<16xi32>
          %parallel_loop3A_1204 = arith.addi %iota3A, %parallel_loop3A_1203 : vector<16xi32>
          %parallel_loop3A_1205 = arith.constant 15 : i32
          %parallel_loop3A_1206 = vector.broadcast %parallel_loop3A_1205 : i32 to vector<16xi32>
          %parallel_loop3A_1207 = arith.andi %parallel_loop3A_1204, %parallel_loop3A_1206 : vector<16xi32>
          %parallel_loop3A_1208 = vector.broadcast %parallel_loop3A_1195 : i32 to vector<16xi32>
          %parallel_loop3A_1209 = arith.addi %parallel_loop3A_1207, %parallel_loop3A_1208 : vector<16xi32>
          %parallel_loop3A_1210 = arith.constant 0 : i32
          %parallel_loop3A_1211 = tpu.memref_slice %arg16[%parallel_loop3A_1195, %parallel_loop3A_1210] : memref<128x128xf32, #tpu.memory_space<vmem>> -> memref<16x128xf32, #tpu.memory_space<vmem>>
          %parallel_loop3A_1212 = tpu.vector_load_idx %parallel_loop3A_1211[%parallel_loop3A_1207, %add3A_102] : memref<16x128xf32, #tpu.memory_space<vmem>>[vector<16xi32>, vector<16xi32>], vector<16xf32>,
          tpu.vector_store_idx %arg20[%add3A_102, %parallel_loop3A_1209], %parallel_loop3A_1212 : memref<64x128xf32, #tpu.memory_space<vmem>>[vector<16xi32>, vector<16xi32>], vector<16xf32>,
          %parallel_loop3A_1213 = arith.constant 0 : i32
          %parallel_loop3A_1214 = tpu.memref_slice %arg16[%parallel_loop3A_1195, %parallel_loop3A_1213] : memref<128x128xf32, #tpu.memory_space<vmem>> -> memref<16x128xf32, #tpu.memory_space<vmem>>
          %parallel_loop3A_1215 = tpu.vector_load_idx %parallel_loop3A_1214[%parallel_loop3A_1207, %add3A_105] : memref<16x128xf32, #tpu.memory_space<vmem>>[vector<16xi32>, vector<16xi32>], vector<16xf32>,
          tpu.vector_store_idx %arg20[%add3A_105, %parallel_loop3A_1209], %parallel_loop3A_1215 : memref<64x128xf32, #tpu.memory_space<vmem>>[vector<16xi32>, vector<16xi32>], vector<16xf32>,
          %parallel_loop3A_1216 = arith.constant 0 : i32
          %parallel_loop3A_1217 = tpu.memref_slice %arg16[%parallel_loop3A_1195, %parallel_loop3A_1216] : memref<128x128xf32, #tpu.memory_space<vmem>> -> memref<16x128xf32, #tpu.memory_space<vmem>>
          %parallel_loop3A_1218 = tpu.vector_load_idx %parallel_loop3A_1217[%parallel_loop3A_1207, %add3A_108] : memref<16x128xf32, #tpu.memory_space<vmem>>[vector<16xi32>, vector<16xi32>], vector<16xf32>,
          tpu.vector_store_idx %arg20[%add3A_108, %parallel_loop3A_1209], %parallel_loop3A_1218 : memref<64x128xf32, #tpu.memory_space<vmem>>[vector<16xi32>, vector<16xi32>], vector<16xf32>,
          %parallel_loop3A_1219 = arith.constant 0 : i32
          %parallel_loop3A_1220 = tpu.memref_slice %arg16[%parallel_loop3A_1195, %parallel_loop3A_1219] : memref<128x128xf32, #tpu.memory_space<vmem>> -> memref<16x128xf32, #tpu.memory_space<vmem>>
          %parallel_loop3A_1221 = tpu.vector_load_idx %parallel_loop3A_1220[%parallel_loop3A_1207, %add3A_111] : memref<16x128xf32, #tpu.memory_space<vmem>>[vector<16xi32>, vector<16xi32>], vector<16xf32>,
          tpu.vector_store_idx %arg20[%add3A_111, %parallel_loop3A_1209], %parallel_loop3A_1221 : memref<64x128xf32, #tpu.memory_space<vmem>>[vector<16xi32>, vector<16xi32>], vector<16xf32>,
        }
        %parallel_loop3A_1201 = arith.constant 16 : i32
      } {sc.loop_unroll_factor = 1 : i64, sc.parallel_access}
      %jit3A_817 = arith.constant 32 : i32
      %div3A_818 = arith.divsi %add3A_793, %jit3A_817 : i32
      %sign3A_819 = arith.constant 0 : i32
      %sign3A_820 = arith.cmpi sgt, %add3A_793, %sign3A_819 : i32
      %sign3A_821 = arith.extui %sign3A_820 : i1 to i32
      %sign3A_822 = arith.constant 0 : i32
      %sign3A_823 = arith.cmpi slt, %add3A_793, %sign3A_822 : i32
      %sign3A_824 = arith.extui %sign3A_823 : i1 to i32
      %sign3A_825 = arith.subi %sign3A_821, %sign3A_824 : i32
      %sign3A_826 = arith.constant 0 : i32
      %sign3A_827 = arith.cmpi sgt, %jit3A_817, %sign3A_826 : i32
      %sign3A_828 = arith.extui %sign3A_827 : i1 to i32
      %sign3A_829 = arith.constant 0 : i32
      %sign3A_830 = arith.cmpi slt, %jit3A_817, %sign3A_829 : i32
      %sign3A_831 = arith.extui %sign3A_830 : i1 to i32
      %sign3A_832 = arith.subi %sign3A_828, %sign3A_831 : i32
      %ne3A_833 = arith.cmpi ne, %sign3A_825, %sign3A_832 : i32
      %rem3A_834 = arith.remsi %add3A_793, %jit3A_817 : i32
      %ne3A_835 = arith.constant 0 : i32
      %ne3A_836 = arith.cmpi ne, %rem3A_834, %ne3A_835 : i32
      %and3A_837 = arith.andi %ne3A_833, %ne3A_836 : i1
      %sub3A_838 = arith.constant 1 : i32
      %sub3A_839 = arith.subi %div3A_818, %sub3A_838 : i32
      %select_n3A_840 = arith.select %and3A_837, %sub3A_839, %div3A_818 : i32
      %jit3A_841 = arith.constant 32 : i32
      %eq3A_842 = arith.constant 0 : i32
      %eq3A_843 = arith.cmpi eq, %jit3A_841, %eq3A_842 : i32
      %jit3A_844 = arith.constant 1 : i32
      %select_n3A_845 = arith.select %eq3A_843, %jit3A_844, %jit3A_841 : i32
      %rem3A_846 = arith.remsi %add3A_793, %select_n3A_845 : i32
      %ne3A_847 = arith.constant 0 : i32
      %ne3A_848 = arith.cmpi ne, %rem3A_846, %ne3A_847 : i32
      %lt3A_849 = arith.constant 0 : i32
      %lt3A_850 = arith.cmpi slt, %rem3A_846, %lt3A_849 : i32
      %lt3A_851 = arith.constant 0 : i32
      %lt3A_852 = arith.cmpi slt, %select_n3A_845, %lt3A_851 : i32
      %ne3A_853 = arith.xori %lt3A_850, %lt3A_852 : i1
      %and3A_854 = arith.andi %ne3A_853, %ne3A_848 : i1
      %add3A_855 = arith.addi %rem3A_846, %select_n3A_845 : i32
      %select_n3A_856 = arith.select %and3A_854, %add3A_855, %rem3A_846 : i32
      %mul3A_857 = arith.constant 128 : i32
      %mul3A_858 = arith.muli %select_n3A_856, %mul3A_857 : i32
      %dma_start3A_859 = arith.constant 0 : i32
      %dma_start3A_860 = tpu.memref_slice %arg4[%select_n3A_840, %dma_start3A_859, %mul3A_858] : memref<200x64x4096xf32, #tpu.memory_space<hbm>> -> memref<1x64x128xf32, #tpu.memory_space<hbm>>
      %dma_start3A_861 = tpu.memref_squeeze %dma_start3A_860 : memref<1x64x128xf32, #tpu.memory_space<hbm>> -> memref<64x128xf32, #tpu.memory_space<hbm>>
      %dma_start3A_862 = arith.constant 0 : i32
      %dma_start3A_863 = tpu.memref_slice %arg4[%select_n3A_840, %dma_start3A_862, %mul3A_858] : memref<200x64x4096xf32, #tpu.memory_space<hbm>> -> memref<1x64x128xf32, #tpu.memory_space<hbm>>
      %dma_start3A_864 = tpu.memref_squeeze %dma_start3A_863 : memref<1x64x128xf32, #tpu.memory_space<hbm>> -> memref<64x128xf32, #tpu.memory_space<hbm>>
      tpu.enqueue_dma source(%arg20 : memref<64x128xf32, #tpu.memory_space<vmem>>) target(%dma_start3A_864 : memref<64x128xf32, #tpu.memory_space<hbm>>) target_semaphore(%arg36 : memref<!tpu.dma_semaphore, #tpu.memory_space<semaphore_mem>>)
      %mul3A_865 = arith.constant 2 : i32
      %mul3A_866 = arith.muli %scan3A_556, %mul3A_865 : i32
      %mul3A_867 = arith.constant 4 : i32
      %mul3A_868 = arith.muli %mul3A_866, %mul3A_867 : i32
      %add3A_869 = arith.addi %mul3A_2, %mul3A_868 : i32
      %add3A_870 = arith.constant 4 : i32
      %add3A_871 = arith.addi %add3A_869, %add3A_870 : i32
      %add3A_872 = arith.constant 3 : i32
      %add3A_873 = arith.addi %add3A_871, %add3A_872 : i32
      %lt3A_874 = arith.cmpi slt, %add3A_873, %add3A_4 : i32
      %convert_element_type3A_875 = arith.extui %lt3A_874 : i1 to i32
      %cond3A_876 = arith.constant 0 : i32
      %cond3A_877 = arith.cmpi ne, %convert_element_type3A_875, %cond3A_876 : i32
      scf.if %cond3A_877 {
        %dma_wait3A_1193 = arith.constant 0 : i32
        %dma_wait3A_1194 = arith.constant 0 : i32
        %dma_wait3A_1195 = tpu.memref_slice %arg2[%dma_wait3A_1193, %dma_wait3A_1194] : memref<200x4096xi32, #tpu.memory_space<hbm>> -> memref<1x128xi32, #tpu.memory_space<hbm>>
        %dma_wait3A_1196 = tpu.memref_squeeze %dma_wait3A_1195 : memref<1x128xi32, #tpu.memory_space<hbm>> -> memref<128xi32, #tpu.memory_space<hbm>>
        %dma_wait3A_1197 = arith.constant 0 : i32
        %dma_wait3A_1198 = tpu.memref_slice %arg2[%dma_wait3A_1193, %dma_wait3A_1197] : memref<200x4096xi32, #tpu.memory_space<hbm>> -> memref<1x128xi32, #tpu.memory_space<hbm>>
        %dma_wait3A_1199 = tpu.memref_squeeze %dma_wait3A_1198 : memref<1x128xi32, #tpu.memory_space<hbm>> -> memref<128xi32, #tpu.memory_space<hbm>>
        tpu.wait_dma2 semaphore(%arg28 : memref<!tpu.dma_semaphore, #tpu.memory_space<semaphore_mem>>) src(%dma_wait3A_1199 : memref<128xi32, #tpu.memory_space<hbm>>) dst(%arg12 : memref<128xi32, #tpu.memory_space<vmem>>)
        %dma_start3A_1200 = arith.constant 0 : i32
        %dma_start3A_1201 = arith.constant 0 : i32
        %dma_start3A_1202 = tpu.memref_slice %arg3[%dma_start3A_1200, %dma_start3A_1201] : memref<1000000x128xf32, #tpu.memory_space<hbm>> -> memref<1000000x128xf32, #tpu.memory_space<hbm>>
        tpu.enqueue_indirect_dma source(%dma_start3A_1202 : memref<1000000x128xf32, #tpu.memory_space<hbm>>) target(%arg16 : memref<128x128xf32, #tpu.memory_space<vmem>>) offsets(%arg12 : memref<128xi32, #tpu.memory_space<vmem>>) semaphore(%arg32 : memref<!tpu.dma_semaphore, #tpu.memory_space<semaphore_mem>>)
      } else {
      }
      %dma_wait3A_878 = arith.constant 0 : i32
      %dma_wait3A_879 = arith.constant 0 : i32
      %dma_wait3A_880 = tpu.memref_slice %arg3[%dma_wait3A_878, %dma_wait3A_879] : memref<1000000x128xf32, #tpu.memory_space<hbm>> -> memref<1000000x128xf32, #tpu.memory_space<hbm>>
      tpu.wait_indirect_dma semaphore(%arg29 : memref<!tpu.dma_semaphore, #tpu.memory_space<semaphore_mem>>) src(%dma_wait3A_880 : memref<1000000x128xf32, #tpu.memory_space<hbm>>) dst(%arg13 : memref<128x128xf32, #tpu.memory_space<vmem>>)
      %add3A_881 = arith.constant 8 : i32
      %add3A_882 = arith.addi %add3A_871, %add3A_881 : i32
      %lt3A_883 = arith.cmpi slt, %add3A_882, %add3A_4 : i32
      %convert_element_type3A_884 = arith.extui %lt3A_883 : i1 to i32
      %cond3A_885 = arith.constant 0 : i32
      %cond3A_886 = arith.cmpi ne, %convert_element_type3A_884, %cond3A_885 : i32
      scf.if %cond3A_886 {
        %add3A_1193 = arith.constant 8 : i32
        %add3A_1194 = arith.addi %add3A_871, %add3A_1193 : i32
        %jit3A_1195 = arith.constant 32 : i32
        %div3A_1196 = arith.divsi %add3A_1194, %jit3A_1195 : i32
        %sign3A_1197 = arith.constant 0 : i32
        %sign3A_1198 = arith.cmpi sgt, %add3A_1194, %sign3A_1197 : i32
        %sign3A_1199 = arith.extui %sign3A_1198 : i1 to i32
        %sign3A_1200 = arith.constant 0 : i32
        %sign3A_1201 = arith.cmpi slt, %add3A_1194, %sign3A_1200 : i32
        %sign3A_1202 = arith.extui %sign3A_1201 : i1 to i32
        %sign3A_1203 = arith.subi %sign3A_1199, %sign3A_1202 : i32
        %sign3A_1204 = arith.constant 0 : i32
        %sign3A_1205 = arith.cmpi sgt, %jit3A_1195, %sign3A_1204 : i32
        %sign3A_1206 = arith.extui %sign3A_1205 : i1 to i32
        %sign3A_1207 = arith.constant 0 : i32
        %sign3A_1208 = arith.cmpi slt, %jit3A_1195, %sign3A_1207 : i32
        %sign3A_1209 = arith.extui %sign3A_1208 : i1 to i32
        %sign3A_1210 = arith.subi %sign3A_1206, %sign3A_1209 : i32
        %ne3A_1211 = arith.cmpi ne, %sign3A_1203, %sign3A_1210 : i32
        %rem3A_1212 = arith.remsi %add3A_1194, %jit3A_1195 : i32
        %ne3A_1213 = arith.constant 0 : i32
        %ne3A_1214 = arith.cmpi ne, %rem3A_1212, %ne3A_1213 : i32
        %and3A_1215 = arith.andi %ne3A_1211, %ne3A_1214 : i1
        %sub3A_1216 = arith.constant 1 : i32
        %sub3A_1217 = arith.subi %div3A_1196, %sub3A_1216 : i32
        %select_n3A_1218 = arith.select %and3A_1215, %sub3A_1217, %div3A_1196 : i32
        %jit3A_1219 = arith.constant 32 : i32
        %eq3A_1220 = arith.constant 0 : i32
        %eq3A_1221 = arith.cmpi eq, %jit3A_1219, %eq3A_1220 : i32
        %jit3A_1222 = arith.constant 1 : i32
        %select_n3A_1223 = arith.select %eq3A_1221, %jit3A_1222, %jit3A_1219 : i32
        %rem3A_1224 = arith.remsi %add3A_1194, %select_n3A_1223 : i32
        %ne3A_1225 = arith.constant 0 : i32
        %ne3A_1226 = arith.cmpi ne, %rem3A_1224, %ne3A_1225 : i32
        %lt3A_1227 = arith.constant 0 : i32
        %lt3A_1228 = arith.cmpi slt, %rem3A_1224, %lt3A_1227 : i32
        %lt3A_1229 = arith.constant 0 : i32
        %lt3A_1230 = arith.cmpi slt, %select_n3A_1223, %lt3A_1229 : i32
        %ne3A_1231 = arith.xori %lt3A_1228, %lt3A_1230 : i1
        %and3A_1232 = arith.andi %ne3A_1231, %ne3A_1226 : i1
        %add3A_1233 = arith.addi %rem3A_1224, %select_n3A_1223 : i32
        %select_n3A_1234 = arith.select %and3A_1232, %add3A_1233, %rem3A_1224 : i32
        %mul3A_1235 = arith.constant 128 : i32
        %mul3A_1236 = arith.muli %select_n3A_1234, %mul3A_1235 : i32
        %dma_start3A_1237 = tpu.memref_slice %arg2[%select_n3A_1218, %mul3A_1236] : memref<200x4096xi32, #tpu.memory_space<hbm>> -> memref<1x128xi32, #tpu.memory_space<hbm>>
        %dma_start3A_1238 = tpu.memref_squeeze %dma_start3A_1237 : memref<1x128xi32, #tpu.memory_space<hbm>> -> memref<128xi32, #tpu.memory_space<hbm>>
        %dma_start3A_1239 = tpu.memref_slice %arg2[%select_n3A_1218, %mul3A_1236] : memref<200x4096xi32, #tpu.memory_space<hbm>> -> memref<1x128xi32, #tpu.memory_space<hbm>>
        %dma_start3A_1240 = tpu.memref_squeeze %dma_start3A_1239 : memref<1x128xi32, #tpu.memory_space<hbm>> -> memref<128xi32, #tpu.memory_space<hbm>>
        tpu.enqueue_dma source(%dma_start3A_1240 : memref<128xi32, #tpu.memory_space<hbm>>) target(%arg9 : memref<128xi32, #tpu.memory_space<vmem>>) target_semaphore(%arg25 : memref<!tpu.dma_semaphore, #tpu.memory_space<semaphore_mem>>)
      } else {
      }
      %dma_wait3A_887 = arith.constant 0 : i32
      %dma_wait3A_888 = arith.constant 0 : i32
      %dma_wait3A_889 = arith.constant 0 : i32
      %dma_wait3A_890 = tpu.memref_slice %arg4[%dma_wait3A_887, %dma_wait3A_888, %dma_wait3A_889] : memref<200x64x4096xf32, #tpu.memory_space<hbm>> -> memref<1x64x128xf32, #tpu.memory_space<hbm>>
      %dma_wait3A_891 = tpu.memref_squeeze %dma_wait3A_890 : memref<1x64x128xf32, #tpu.memory_space<hbm>> -> memref<64x128xf32, #tpu.memory_space<hbm>>
      %dma_wait3A_892 = arith.constant 0 : i32
      %dma_wait3A_893 = arith.constant 0 : i32
      %dma_wait3A_894 = tpu.memref_slice %arg4[%dma_wait3A_887, %dma_wait3A_892, %dma_wait3A_893] : memref<200x64x4096xf32, #tpu.memory_space<hbm>> -> memref<1x64x128xf32, #tpu.memory_space<hbm>>
      %dma_wait3A_895 = tpu.memref_squeeze %dma_wait3A_894 : memref<1x64x128xf32, #tpu.memory_space<hbm>> -> memref<64x128xf32, #tpu.memory_space<hbm>>
      tpu.wait_dma2 semaphore(%arg33 : memref<!tpu.dma_semaphore, #tpu.memory_space<semaphore_mem>>) src(%arg17 : memref<64x128xf32, #tpu.memory_space<vmem>>) dst(%dma_wait3A_895 : memref<64x128xf32, #tpu.memory_space<hbm>>)
      %parallel_loop3A_896 = arith.constant 0 : i32
      %parallel_loop3A_897 = arith.constant 8 : i32
      %parallel_loop3A_898 = arith.constant 1 : i32
      scf.for %parallel_loop3A_1193 = %parallel_loop3A_896 to %parallel_loop3A_897 step %parallel_loop3A_898  : i32 {
        %parallel_loop3A_1194 = arith.constant 16 : i32
        %parallel_loop3A_1195 = arith.muli %parallel_loop3A_1193, %parallel_loop3A_1194 : i32
        %parallel_loop3A_1196 = arith.constant 0 : i32
        %parallel_loop3A_1197 = arith.constant 0 : i32
        %parallel_loop3A_1198 = arith.constant 16 : i32
        %parallel_loop3A_1199 = arith.addi %parallel_loop3A_1197, %parallel_loop3A_1198 : i32
        %parallel_loop3A_1200 = arith.constant 1 : i32
        scf.for %scan3A_1202 = %parallel_loop3A_1197 to %parallel_loop3A_1199 step %parallel_loop3A_1200  : i32 {
          %parallel_loop3A_1203 = vector.broadcast %scan3A_1202 : i32 to vector<16xi32>
          %parallel_loop3A_1204 = arith.addi %iota3A, %parallel_loop3A_1203 : vector<16xi32>
          %parallel_loop3A_1205 = arith.constant 15 : i32
          %parallel_loop3A_1206 = vector.broadcast %parallel_loop3A_1205 : i32 to vector<16xi32>
          %parallel_loop3A_1207 = arith.andi %parallel_loop3A_1204, %parallel_loop3A_1206 : vector<16xi32>
          %parallel_loop3A_1208 = vector.broadcast %parallel_loop3A_1195 : i32 to vector<16xi32>
          %parallel_loop3A_1209 = arith.addi %parallel_loop3A_1207, %parallel_loop3A_1208 : vector<16xi32>
          %parallel_loop3A_1210 = arith.constant 0 : i32
          %parallel_loop3A_1211 = tpu.memref_slice %arg13[%parallel_loop3A_1195, %parallel_loop3A_1210] : memref<128x128xf32, #tpu.memory_space<vmem>> -> memref<16x128xf32, #tpu.memory_space<vmem>>
          %parallel_loop3A_1212 = tpu.vector_load_idx %parallel_loop3A_1211[%parallel_loop3A_1207, %add3A_102] : memref<16x128xf32, #tpu.memory_space<vmem>>[vector<16xi32>, vector<16xi32>], vector<16xf32>,
          tpu.vector_store_idx %arg17[%add3A_102, %parallel_loop3A_1209], %parallel_loop3A_1212 : memref<64x128xf32, #tpu.memory_space<vmem>>[vector<16xi32>, vector<16xi32>], vector<16xf32>,
          %parallel_loop3A_1213 = arith.constant 0 : i32
          %parallel_loop3A_1214 = tpu.memref_slice %arg13[%parallel_loop3A_1195, %parallel_loop3A_1213] : memref<128x128xf32, #tpu.memory_space<vmem>> -> memref<16x128xf32, #tpu.memory_space<vmem>>
          %parallel_loop3A_1215 = tpu.vector_load_idx %parallel_loop3A_1214[%parallel_loop3A_1207, %add3A_105] : memref<16x128xf32, #tpu.memory_space<vmem>>[vector<16xi32>, vector<16xi32>], vector<16xf32>,
          tpu.vector_store_idx %arg17[%add3A_105, %parallel_loop3A_1209], %parallel_loop3A_1215 : memref<64x128xf32, #tpu.memory_space<vmem>>[vector<16xi32>, vector<16xi32>], vector<16xf32>,
          %parallel_loop3A_1216 = arith.constant 0 : i32
          %parallel_loop3A_1217 = tpu.memref_slice %arg13[%parallel_loop3A_1195, %parallel_loop3A_1216] : memref<128x128xf32, #tpu.memory_space<vmem>> -> memref<16x128xf32, #tpu.memory_space<vmem>>
          %parallel_loop3A_1218 = tpu.vector_load_idx %parallel_loop3A_1217[%parallel_loop3A_1207, %add3A_108] : memref<16x128xf32, #tpu.memory_space<vmem>>[vector<16xi32>, vector<16xi32>], vector<16xf32>,
          tpu.vector_store_idx %arg17[%add3A_108, %parallel_loop3A_1209], %parallel_loop3A_1218 : memref<64x128xf32, #tpu.memory_space<vmem>>[vector<16xi32>, vector<16xi32>], vector<16xf32>,
          %parallel_loop3A_1219 = arith.constant 0 : i32
          %parallel_loop3A_1220 = tpu.memref_slice %arg13[%parallel_loop3A_1195, %parallel_loop3A_1219] : memref<128x128xf32, #tpu.memory_space<vmem>> -> memref<16x128xf32, #tpu.memory_space<vmem>>
          %parallel_loop3A_1221 = tpu.vector_load_idx %parallel_loop3A_1220[%parallel_loop3A_1207, %add3A_111] : memref<16x128xf32, #tpu.memory_space<vmem>>[vector<16xi32>, vector<16xi32>], vector<16xf32>,
          tpu.vector_store_idx %arg17[%add3A_111, %parallel_loop3A_1209], %parallel_loop3A_1221 : memref<64x128xf32, #tpu.memory_space<vmem>>[vector<16xi32>, vector<16xi32>], vector<16xf32>,
        }
        %parallel_loop3A_1201 = arith.constant 16 : i32
      } {sc.loop_unroll_factor = 1 : i64, sc.parallel_access}
      %jit3A_899 = arith.constant 32 : i32
      %div3A_900 = arith.divsi %add3A_871, %jit3A_899 : i32
      %sign3A_901 = arith.constant 0 : i32
      %sign3A_902 = arith.cmpi sgt, %add3A_871, %sign3A_901 : i32
      %sign3A_903 = arith.extui %sign3A_902 : i1 to i32
      %sign3A_904 = arith.constant 0 : i32
      %sign3A_905 = arith.cmpi slt, %add3A_871, %sign3A_904 : i32
      %sign3A_906 = arith.extui %sign3A_905 : i1 to i32
      %sign3A_907 = arith.subi %sign3A_903, %sign3A_906 : i32
      %sign3A_908 = arith.constant 0 : i32
      %sign3A_909 = arith.cmpi sgt, %jit3A_899, %sign3A_908 : i32
      %sign3A_910 = arith.extui %sign3A_909 : i1 to i32
      %sign3A_911 = arith.constant 0 : i32
      %sign3A_912 = arith.cmpi slt, %jit3A_899, %sign3A_911 : i32
      %sign3A_913 = arith.extui %sign3A_912 : i1 to i32
      %sign3A_914 = arith.subi %sign3A_910, %sign3A_913 : i32
      %ne3A_915 = arith.cmpi ne, %sign3A_907, %sign3A_914 : i32
      %rem3A_916 = arith.remsi %add3A_871, %jit3A_899 : i32
      %ne3A_917 = arith.constant 0 : i32
      %ne3A_918 = arith.cmpi ne, %rem3A_916, %ne3A_917 : i32
      %and3A_919 = arith.andi %ne3A_915, %ne3A_918 : i1
      %sub3A_920 = arith.constant 1 : i32
      %sub3A_921 = arith.subi %div3A_900, %sub3A_920 : i32
      %select_n3A_922 = arith.select %and3A_919, %sub3A_921, %div3A_900 : i32
      %jit3A_923 = arith.constant 32 : i32
      %eq3A_924 = arith.constant 0 : i32
      %eq3A_925 = arith.cmpi eq, %jit3A_923, %eq3A_924 : i32
      %jit3A_926 = arith.constant 1 : i32
      %select_n3A_927 = arith.select %eq3A_925, %jit3A_926, %jit3A_923 : i32
      %rem3A_928 = arith.remsi %add3A_871, %select_n3A_927 : i32
      %ne3A_929 = arith.constant 0 : i32
      %ne3A_930 = arith.cmpi ne, %rem3A_928, %ne3A_929 : i32
      %lt3A_931 = arith.constant 0 : i32
      %lt3A_932 = arith.cmpi slt, %rem3A_928, %lt3A_931 : i32
      %lt3A_933 = arith.constant 0 : i32
      %lt3A_934 = arith.cmpi slt, %select_n3A_927, %lt3A_933 : i32
      %ne3A_935 = arith.xori %lt3A_932, %lt3A_934 : i1
      %and3A_936 = arith.andi %ne3A_935, %ne3A_930 : i1
      %add3A_937 = arith.addi %rem3A_928, %select_n3A_927 : i32
      %select_n3A_938 = arith.select %and3A_936, %add3A_937, %rem3A_928 : i32
      %mul3A_939 = arith.constant 128 : i32
      %mul3A_940 = arith.muli %select_n3A_938, %mul3A_939 : i32
      %dma_start3A_941 = arith.constant 0 : i32
      %dma_start3A_942 = tpu.memref_slice %arg4[%select_n3A_922, %dma_start3A_941, %mul3A_940] : memref<200x64x4096xf32, #tpu.memory_space<hbm>> -> memref<1x64x128xf32, #tpu.memory_space<hbm>>
      %dma_start3A_943 = tpu.memref_squeeze %dma_start3A_942 : memref<1x64x128xf32, #tpu.memory_space<hbm>> -> memref<64x128xf32, #tpu.memory_space<hbm>>
      %dma_start3A_944 = arith.constant 0 : i32
      %dma_start3A_945 = tpu.memref_slice %arg4[%select_n3A_922, %dma_start3A_944, %mul3A_940] : memref<200x64x4096xf32, #tpu.memory_space<hbm>> -> memref<1x64x128xf32, #tpu.memory_space<hbm>>
      %dma_start3A_946 = tpu.memref_squeeze %dma_start3A_945 : memref<1x64x128xf32, #tpu.memory_space<hbm>> -> memref<64x128xf32, #tpu.memory_space<hbm>>
      tpu.enqueue_dma source(%arg17 : memref<64x128xf32, #tpu.memory_space<vmem>>) target(%dma_start3A_946 : memref<64x128xf32, #tpu.memory_space<hbm>>) target_semaphore(%arg33 : memref<!tpu.dma_semaphore, #tpu.memory_space<semaphore_mem>>)
      %mul3A_947 = arith.constant 2 : i32
      %mul3A_948 = arith.muli %scan3A_556, %mul3A_947 : i32
      %mul3A_949 = arith.constant 4 : i32
      %mul3A_950 = arith.muli %mul3A_948, %mul3A_949 : i32
      %add3A_951 = arith.addi %mul3A_2, %mul3A_950 : i32
      %add3A_952 = arith.constant 5 : i32
      %add3A_953 = arith.addi %add3A_951, %add3A_952 : i32
      %add3A_954 = arith.constant 3 : i32
      %add3A_955 = arith.addi %add3A_953, %add3A_954 : i32
      %lt3A_956 = arith.cmpi slt, %add3A_955, %add3A_4 : i32
      %convert_element_type3A_957 = arith.extui %lt3A_956 : i1 to i32
      %cond3A_958 = arith.constant 0 : i32
      %cond3A_959 = arith.cmpi ne, %convert_element_type3A_957, %cond3A_958 : i32
      scf.if %cond3A_959 {
        %dma_wait3A_1193 = arith.constant 0 : i32
        %dma_wait3A_1194 = arith.constant 0 : i32
        %dma_wait3A_1195 = tpu.memref_slice %arg2[%dma_wait3A_1193, %dma_wait3A_1194] : memref<200x4096xi32, #tpu.memory_space<hbm>> -> memref<1x128xi32, #tpu.memory_space<hbm>>
        %dma_wait3A_1196 = tpu.memref_squeeze %dma_wait3A_1195 : memref<1x128xi32, #tpu.memory_space<hbm>> -> memref<128xi32, #tpu.memory_space<hbm>>
        %dma_wait3A_1197 = arith.constant 0 : i32
        %dma_wait3A_1198 = tpu.memref_slice %arg2[%dma_wait3A_1193, %dma_wait3A_1197] : memref<200x4096xi32, #tpu.memory_space<hbm>> -> memref<1x128xi32, #tpu.memory_space<hbm>>
        %dma_wait3A_1199 = tpu.memref_squeeze %dma_wait3A_1198 : memref<1x128xi32, #tpu.memory_space<hbm>> -> memref<128xi32, #tpu.memory_space<hbm>>
        tpu.wait_dma2 semaphore(%arg21 : memref<!tpu.dma_semaphore, #tpu.memory_space<semaphore_mem>>) src(%dma_wait3A_1199 : memref<128xi32, #tpu.memory_space<hbm>>) dst(%arg5 : memref<128xi32, #tpu.memory_space<vmem>>)
        %dma_start3A_1200 = arith.constant 0 : i32
        %dma_start3A_1201 = arith.constant 0 : i32
        %dma_start3A_1202 = tpu.memref_slice %arg3[%dma_start3A_1200, %dma_start3A_1201] : memref<1000000x128xf32, #tpu.memory_space<hbm>> -> memref<1000000x128xf32, #tpu.memory_space<hbm>>
        tpu.enqueue_indirect_dma source(%dma_start3A_1202 : memref<1000000x128xf32, #tpu.memory_space<hbm>>) target(%arg13 : memref<128x128xf32, #tpu.memory_space<vmem>>) offsets(%arg5 : memref<128xi32, #tpu.memory_space<vmem>>) semaphore(%arg29 : memref<!tpu.dma_semaphore, #tpu.memory_space<semaphore_mem>>)
      } else {
      }
      %dma_wait3A_960 = arith.constant 0 : i32
      %dma_wait3A_961 = arith.constant 0 : i32
      %dma_wait3A_962 = tpu.memref_slice %arg3[%dma_wait3A_960, %dma_wait3A_961] : memref<1000000x128xf32, #tpu.memory_space<hbm>> -> memref<1000000x128xf32, #tpu.memory_space<hbm>>
      tpu.wait_indirect_dma semaphore(%arg30 : memref<!tpu.dma_semaphore, #tpu.memory_space<semaphore_mem>>) src(%dma_wait3A_962 : memref<1000000x128xf32, #tpu.memory_space<hbm>>) dst(%arg14 : memref<128x128xf32, #tpu.memory_space<vmem>>)
      %add3A_963 = arith.constant 8 : i32
      %add3A_964 = arith.addi %add3A_953, %add3A_963 : i32
      %lt3A_965 = arith.cmpi slt, %add3A_964, %add3A_4 : i32
      %convert_element_type3A_966 = arith.extui %lt3A_965 : i1 to i32
      %cond3A_967 = arith.constant 0 : i32
      %cond3A_968 = arith.cmpi ne, %convert_element_type3A_966, %cond3A_967 : i32
      scf.if %cond3A_968 {
        %add3A_1193 = arith.constant 8 : i32
        %add3A_1194 = arith.addi %add3A_953, %add3A_1193 : i32
        %jit3A_1195 = arith.constant 32 : i32
        %div3A_1196 = arith.divsi %add3A_1194, %jit3A_1195 : i32
        %sign3A_1197 = arith.constant 0 : i32
        %sign3A_1198 = arith.cmpi sgt, %add3A_1194, %sign3A_1197 : i32
        %sign3A_1199 = arith.extui %sign3A_1198 : i1 to i32
        %sign3A_1200 = arith.constant 0 : i32
        %sign3A_1201 = arith.cmpi slt, %add3A_1194, %sign3A_1200 : i32
        %sign3A_1202 = arith.extui %sign3A_1201 : i1 to i32
        %sign3A_1203 = arith.subi %sign3A_1199, %sign3A_1202 : i32
        %sign3A_1204 = arith.constant 0 : i32
        %sign3A_1205 = arith.cmpi sgt, %jit3A_1195, %sign3A_1204 : i32
        %sign3A_1206 = arith.extui %sign3A_1205 : i1 to i32
        %sign3A_1207 = arith.constant 0 : i32
        %sign3A_1208 = arith.cmpi slt, %jit3A_1195, %sign3A_1207 : i32
        %sign3A_1209 = arith.extui %sign3A_1208 : i1 to i32
        %sign3A_1210 = arith.subi %sign3A_1206, %sign3A_1209 : i32
        %ne3A_1211 = arith.cmpi ne, %sign3A_1203, %sign3A_1210 : i32
        %rem3A_1212 = arith.remsi %add3A_1194, %jit3A_1195 : i32
        %ne3A_1213 = arith.constant 0 : i32
        %ne3A_1214 = arith.cmpi ne, %rem3A_1212, %ne3A_1213 : i32
        %and3A_1215 = arith.andi %ne3A_1211, %ne3A_1214 : i1
        %sub3A_1216 = arith.constant 1 : i32
        %sub3A_1217 = arith.subi %div3A_1196, %sub3A_1216 : i32
        %select_n3A_1218 = arith.select %and3A_1215, %sub3A_1217, %div3A_1196 : i32
        %jit3A_1219 = arith.constant 32 : i32
        %eq3A_1220 = arith.constant 0 : i32
        %eq3A_1221 = arith.cmpi eq, %jit3A_1219, %eq3A_1220 : i32
        %jit3A_1222 = arith.constant 1 : i32
        %select_n3A_1223 = arith.select %eq3A_1221, %jit3A_1222, %jit3A_1219 : i32
        %rem3A_1224 = arith.remsi %add3A_1194, %select_n3A_1223 : i32
        %ne3A_1225 = arith.constant 0 : i32
        %ne3A_1226 = arith.cmpi ne, %rem3A_1224, %ne3A_1225 : i32
        %lt3A_1227 = arith.constant 0 : i32
        %lt3A_1228 = arith.cmpi slt, %rem3A_1224, %lt3A_1227 : i32
        %lt3A_1229 = arith.constant 0 : i32
        %lt3A_1230 = arith.cmpi slt, %select_n3A_1223, %lt3A_1229 : i32
        %ne3A_1231 = arith.xori %lt3A_1228, %lt3A_1230 : i1
        %and3A_1232 = arith.andi %ne3A_1231, %ne3A_1226 : i1
        %add3A_1233 = arith.addi %rem3A_1224, %select_n3A_1223 : i32
        %select_n3A_1234 = arith.select %and3A_1232, %add3A_1233, %rem3A_1224 : i32
        %mul3A_1235 = arith.constant 128 : i32
        %mul3A_1236 = arith.muli %select_n3A_1234, %mul3A_1235 : i32
        %dma_start3A_1237 = tpu.memref_slice %arg2[%select_n3A_1218, %mul3A_1236] : memref<200x4096xi32, #tpu.memory_space<hbm>> -> memref<1x128xi32, #tpu.memory_space<hbm>>
        %dma_start3A_1238 = tpu.memref_squeeze %dma_start3A_1237 : memref<1x128xi32, #tpu.memory_space<hbm>> -> memref<128xi32, #tpu.memory_space<hbm>>
        %dma_start3A_1239 = tpu.memref_slice %arg2[%select_n3A_1218, %mul3A_1236] : memref<200x4096xi32, #tpu.memory_space<hbm>> -> memref<1x128xi32, #tpu.memory_space<hbm>>
        %dma_start3A_1240 = tpu.memref_squeeze %dma_start3A_1239 : memref<1x128xi32, #tpu.memory_space<hbm>> -> memref<128xi32, #tpu.memory_space<hbm>>
        tpu.enqueue_dma source(%dma_start3A_1240 : memref<128xi32, #tpu.memory_space<hbm>>) target(%arg10 : memref<128xi32, #tpu.memory_space<vmem>>) target_semaphore(%arg26 : memref<!tpu.dma_semaphore, #tpu.memory_space<semaphore_mem>>)
      } else {
      }
      %dma_wait3A_969 = arith.constant 0 : i32
      %dma_wait3A_970 = arith.constant 0 : i32
      %dma_wait3A_971 = arith.constant 0 : i32
      %dma_wait3A_972 = tpu.memref_slice %arg4[%dma_wait3A_969, %dma_wait3A_970, %dma_wait3A_971] : memref<200x64x4096xf32, #tpu.memory_space<hbm>> -> memref<1x64x128xf32, #tpu.memory_space<hbm>>
      %dma_wait3A_973 = tpu.memref_squeeze %dma_wait3A_972 : memref<1x64x128xf32, #tpu.memory_space<hbm>> -> memref<64x128xf32, #tpu.memory_space<hbm>>
      %dma_wait3A_974 = arith.constant 0 : i32
      %dma_wait3A_975 = arith.constant 0 : i32
      %dma_wait3A_976 = tpu.memref_slice %arg4[%dma_wait3A_969, %dma_wait3A_974, %dma_wait3A_975] : memref<200x64x4096xf32, #tpu.memory_space<hbm>> -> memref<1x64x128xf32, #tpu.memory_space<hbm>>
      %dma_wait3A_977 = tpu.memref_squeeze %dma_wait3A_976 : memref<1x64x128xf32, #tpu.memory_space<hbm>> -> memref<64x128xf32, #tpu.memory_space<hbm>>
      tpu.wait_dma2 semaphore(%arg34 : memref<!tpu.dma_semaphore, #tpu.memory_space<semaphore_mem>>) src(%arg18 : memref<64x128xf32, #tpu.memory_space<vmem>>) dst(%dma_wait3A_977 : memref<64x128xf32, #tpu.memory_space<hbm>>)
      %parallel_loop3A_978 = arith.constant 0 : i32
      %parallel_loop3A_979 = arith.constant 8 : i32
      %parallel_loop3A_980 = arith.constant 1 : i32
      scf.for %parallel_loop3A_1193 = %parallel_loop3A_978 to %parallel_loop3A_979 step %parallel_loop3A_980  : i32 {
        %parallel_loop3A_1194 = arith.constant 16 : i32
        %parallel_loop3A_1195 = arith.muli %parallel_loop3A_1193, %parallel_loop3A_1194 : i32
        %parallel_loop3A_1196 = arith.constant 0 : i32
        %parallel_loop3A_1197 = arith.constant 0 : i32
        %parallel_loop3A_1198 = arith.constant 16 : i32
        %parallel_loop3A_1199 = arith.addi %parallel_loop3A_1197, %parallel_loop3A_1198 : i32
        %parallel_loop3A_1200 = arith.constant 1 : i32
        scf.for %scan3A_1202 = %parallel_loop3A_1197 to %parallel_loop3A_1199 step %parallel_loop3A_1200  : i32 {
          %parallel_loop3A_1203 = vector.broadcast %scan3A_1202 : i32 to vector<16xi32>
          %parallel_loop3A_1204 = arith.addi %iota3A, %parallel_loop3A_1203 : vector<16xi32>
          %parallel_loop3A_1205 = arith.constant 15 : i32
          %parallel_loop3A_1206 = vector.broadcast %parallel_loop3A_1205 : i32 to vector<16xi32>
          %parallel_loop3A_1207 = arith.andi %parallel_loop3A_1204, %parallel_loop3A_1206 : vector<16xi32>
          %parallel_loop3A_1208 = vector.broadcast %parallel_loop3A_1195 : i32 to vector<16xi32>
          %parallel_loop3A_1209 = arith.addi %parallel_loop3A_1207, %parallel_loop3A_1208 : vector<16xi32>
          %parallel_loop3A_1210 = arith.constant 0 : i32
          %parallel_loop3A_1211 = tpu.memref_slice %arg14[%parallel_loop3A_1195, %parallel_loop3A_1210] : memref<128x128xf32, #tpu.memory_space<vmem>> -> memref<16x128xf32, #tpu.memory_space<vmem>>
          %parallel_loop3A_1212 = tpu.vector_load_idx %parallel_loop3A_1211[%parallel_loop3A_1207, %add3A_102] : memref<16x128xf32, #tpu.memory_space<vmem>>[vector<16xi32>, vector<16xi32>], vector<16xf32>,
          tpu.vector_store_idx %arg18[%add3A_102, %parallel_loop3A_1209], %parallel_loop3A_1212 : memref<64x128xf32, #tpu.memory_space<vmem>>[vector<16xi32>, vector<16xi32>], vector<16xf32>,
          %parallel_loop3A_1213 = arith.constant 0 : i32
          %parallel_loop3A_1214 = tpu.memref_slice %arg14[%parallel_loop3A_1195, %parallel_loop3A_1213] : memref<128x128xf32, #tpu.memory_space<vmem>> -> memref<16x128xf32, #tpu.memory_space<vmem>>
          %parallel_loop3A_1215 = tpu.vector_load_idx %parallel_loop3A_1214[%parallel_loop3A_1207, %add3A_105] : memref<16x128xf32, #tpu.memory_space<vmem>>[vector<16xi32>, vector<16xi32>], vector<16xf32>,
          tpu.vector_store_idx %arg18[%add3A_105, %parallel_loop3A_1209], %parallel_loop3A_1215 : memref<64x128xf32, #tpu.memory_space<vmem>>[vector<16xi32>, vector<16xi32>], vector<16xf32>,
          %parallel_loop3A_1216 = arith.constant 0 : i32
          %parallel_loop3A_1217 = tpu.memref_slice %arg14[%parallel_loop3A_1195, %parallel_loop3A_1216] : memref<128x128xf32, #tpu.memory_space<vmem>> -> memref<16x128xf32, #tpu.memory_space<vmem>>
          %parallel_loop3A_1218 = tpu.vector_load_idx %parallel_loop3A_1217[%parallel_loop3A_1207, %add3A_108] : memref<16x128xf32, #tpu.memory_space<vmem>>[vector<16xi32>, vector<16xi32>], vector<16xf32>,
          tpu.vector_store_idx %arg18[%add3A_108, %parallel_loop3A_1209], %parallel_loop3A_1218 : memref<64x128xf32, #tpu.memory_space<vmem>>[vector<16xi32>, vector<16xi32>], vector<16xf32>,
          %parallel_loop3A_1219 = arith.constant 0 : i32
          %parallel_loop3A_1220 = tpu.memref_slice %arg14[%parallel_loop3A_1195, %parallel_loop3A_1219] : memref<128x128xf32, #tpu.memory_space<vmem>> -> memref<16x128xf32, #tpu.memory_space<vmem>>
          %parallel_loop3A_1221 = tpu.vector_load_idx %parallel_loop3A_1220[%parallel_loop3A_1207, %add3A_111] : memref<16x128xf32, #tpu.memory_space<vmem>>[vector<16xi32>, vector<16xi32>], vector<16xf32>,
          tpu.vector_store_idx %arg18[%add3A_111, %parallel_loop3A_1209], %parallel_loop3A_1221 : memref<64x128xf32, #tpu.memory_space<vmem>>[vector<16xi32>, vector<16xi32>], vector<16xf32>,
        }
        %parallel_loop3A_1201 = arith.constant 16 : i32
      } {sc.loop_unroll_factor = 1 : i64, sc.parallel_access}
      %jit3A_981 = arith.constant 32 : i32
      %div3A_982 = arith.divsi %add3A_953, %jit3A_981 : i32
      %sign3A_983 = arith.constant 0 : i32
      %sign3A_984 = arith.cmpi sgt, %add3A_953, %sign3A_983 : i32
      %sign3A_985 = arith.extui %sign3A_984 : i1 to i32
      %sign3A_986 = arith.constant 0 : i32
      %sign3A_987 = arith.cmpi slt, %add3A_953, %sign3A_986 : i32
      %sign3A_988 = arith.extui %sign3A_987 : i1 to i32
      %sign3A_989 = arith.subi %sign3A_985, %sign3A_988 : i32
      %sign3A_990 = arith.constant 0 : i32
      %sign3A_991 = arith.cmpi sgt, %jit3A_981, %sign3A_990 : i32
      %sign3A_992 = arith.extui %sign3A_991 : i1 to i32
      %sign3A_993 = arith.constant 0 : i32
      %sign3A_994 = arith.cmpi slt, %jit3A_981, %sign3A_993 : i32
      %sign3A_995 = arith.extui %sign3A_994 : i1 to i32
      %sign3A_996 = arith.subi %sign3A_992, %sign3A_995 : i32
      %ne3A_997 = arith.cmpi ne, %sign3A_989, %sign3A_996 : i32
      %rem3A_998 = arith.remsi %add3A_953, %jit3A_981 : i32
      %ne3A_999 = arith.constant 0 : i32
      %ne3A_1000 = arith.cmpi ne, %rem3A_998, %ne3A_999 : i32
      %and3A_1001 = arith.andi %ne3A_997, %ne3A_1000 : i1
      %sub3A_1002 = arith.constant 1 : i32
      %sub3A_1003 = arith.subi %div3A_982, %sub3A_1002 : i32
      %select_n3A_1004 = arith.select %and3A_1001, %sub3A_1003, %div3A_982 : i32
      %jit3A_1005 = arith.constant 32 : i32
      %eq3A_1006 = arith.constant 0 : i32
      %eq3A_1007 = arith.cmpi eq, %jit3A_1005, %eq3A_1006 : i32
      %jit3A_1008 = arith.constant 1 : i32
      %select_n3A_1009 = arith.select %eq3A_1007, %jit3A_1008, %jit3A_1005 : i32
      %rem3A_1010 = arith.remsi %add3A_953, %select_n3A_1009 : i32
      %ne3A_1011 = arith.constant 0 : i32
      %ne3A_1012 = arith.cmpi ne, %rem3A_1010, %ne3A_1011 : i32
      %lt3A_1013 = arith.constant 0 : i32
      %lt3A_1014 = arith.cmpi slt, %rem3A_1010, %lt3A_1013 : i32
      %lt3A_1015 = arith.constant 0 : i32
      %lt3A_1016 = arith.cmpi slt, %select_n3A_1009, %lt3A_1015 : i32
      %ne3A_1017 = arith.xori %lt3A_1014, %lt3A_1016 : i1
      %and3A_1018 = arith.andi %ne3A_1017, %ne3A_1012 : i1
      %add3A_1019 = arith.addi %rem3A_1010, %select_n3A_1009 : i32
      %select_n3A_1020 = arith.select %and3A_1018, %add3A_1019, %rem3A_1010 : i32
      %mul3A_1021 = arith.constant 128 : i32
      %mul3A_1022 = arith.muli %select_n3A_1020, %mul3A_1021 : i32
      %dma_start3A_1023 = arith.constant 0 : i32
      %dma_start3A_1024 = tpu.memref_slice %arg4[%select_n3A_1004, %dma_start3A_1023, %mul3A_1022] : memref<200x64x4096xf32, #tpu.memory_space<hbm>> -> memref<1x64x128xf32, #tpu.memory_space<hbm>>
      %dma_start3A_1025 = tpu.memref_squeeze %dma_start3A_1024 : memref<1x64x128xf32, #tpu.memory_space<hbm>> -> memref<64x128xf32, #tpu.memory_space<hbm>>
      %dma_start3A_1026 = arith.constant 0 : i32
      %dma_start3A_1027 = tpu.memref_slice %arg4[%select_n3A_1004, %dma_start3A_1026, %mul3A_1022] : memref<200x64x4096xf32, #tpu.memory_space<hbm>> -> memref<1x64x128xf32, #tpu.memory_space<hbm>>
      %dma_start3A_1028 = tpu.memref_squeeze %dma_start3A_1027 : memref<1x64x128xf32, #tpu.memory_space<hbm>> -> memref<64x128xf32, #tpu.memory_space<hbm>>
      tpu.enqueue_dma source(%arg18 : memref<64x128xf32, #tpu.memory_space<vmem>>) target(%dma_start3A_1028 : memref<64x128xf32, #tpu.memory_space<hbm>>) target_semaphore(%arg34 : memref<!tpu.dma_semaphore, #tpu.memory_space<semaphore_mem>>)
      %mul3A_1029 = arith.constant 2 : i32
      %mul3A_1030 = arith.muli %scan3A_556, %mul3A_1029 : i32
      %mul3A_1031 = arith.constant 4 : i32
      %mul3A_1032 = arith.muli %mul3A_1030, %mul3A_1031 : i32
      %add3A_1033 = arith.addi %mul3A_2, %mul3A_1032 : i32
      %add3A_1034 = arith.constant 6 : i32
      %add3A_1035 = arith.addi %add3A_1033, %add3A_1034 : i32
      %add3A_1036 = arith.constant 3 : i32
      %add3A_1037 = arith.addi %add3A_1035, %add3A_1036 : i32
      %lt3A_1038 = arith.cmpi slt, %add3A_1037, %add3A_4 : i32
      %convert_element_type3A_1039 = arith.extui %lt3A_1038 : i1 to i32
      %cond3A_1040 = arith.constant 0 : i32
      %cond3A_1041 = arith.cmpi ne, %convert_element_type3A_1039, %cond3A_1040 : i32
      scf.if %cond3A_1041 {
        %dma_wait3A_1193 = arith.constant 0 : i32
        %dma_wait3A_1194 = arith.constant 0 : i32
        %dma_wait3A_1195 = tpu.memref_slice %arg2[%dma_wait3A_1193, %dma_wait3A_1194] : memref<200x4096xi32, #tpu.memory_space<hbm>> -> memref<1x128xi32, #tpu.memory_space<hbm>>
        %dma_wait3A_1196 = tpu.memref_squeeze %dma_wait3A_1195 : memref<1x128xi32, #tpu.memory_space<hbm>> -> memref<128xi32, #tpu.memory_space<hbm>>
        %dma_wait3A_1197 = arith.constant 0 : i32
        %dma_wait3A_1198 = tpu.memref_slice %arg2[%dma_wait3A_1193, %dma_wait3A_1197] : memref<200x4096xi32, #tpu.memory_space<hbm>> -> memref<1x128xi32, #tpu.memory_space<hbm>>
        %dma_wait3A_1199 = tpu.memref_squeeze %dma_wait3A_1198 : memref<1x128xi32, #tpu.memory_space<hbm>> -> memref<128xi32, #tpu.memory_space<hbm>>
        tpu.wait_dma2 semaphore(%arg22 : memref<!tpu.dma_semaphore, #tpu.memory_space<semaphore_mem>>) src(%dma_wait3A_1199 : memref<128xi32, #tpu.memory_space<hbm>>) dst(%arg6 : memref<128xi32, #tpu.memory_space<vmem>>)
        %dma_start3A_1200 = arith.constant 0 : i32
        %dma_start3A_1201 = arith.constant 0 : i32
        %dma_start3A_1202 = tpu.memref_slice %arg3[%dma_start3A_1200, %dma_start3A_1201] : memref<1000000x128xf32, #tpu.memory_space<hbm>> -> memref<1000000x128xf32, #tpu.memory_space<hbm>>
        tpu.enqueue_indirect_dma source(%dma_start3A_1202 : memref<1000000x128xf32, #tpu.memory_space<hbm>>) target(%arg14 : memref<128x128xf32, #tpu.memory_space<vmem>>) offsets(%arg6 : memref<128xi32, #tpu.memory_space<vmem>>) semaphore(%arg30 : memref<!tpu.dma_semaphore, #tpu.memory_space<semaphore_mem>>)
      } else {
      }
      %dma_wait3A_1042 = arith.constant 0 : i32
      %dma_wait3A_1043 = arith.constant 0 : i32
      %dma_wait3A_1044 = tpu.memref_slice %arg3[%dma_wait3A_1042, %dma_wait3A_1043] : memref<1000000x128xf32, #tpu.memory_space<hbm>> -> memref<1000000x128xf32, #tpu.memory_space<hbm>>
      tpu.wait_indirect_dma semaphore(%arg31 : memref<!tpu.dma_semaphore, #tpu.memory_space<semaphore_mem>>) src(%dma_wait3A_1044 : memref<1000000x128xf32, #tpu.memory_space<hbm>>) dst(%arg15 : memref<128x128xf32, #tpu.memory_space<vmem>>)
      %add3A_1045 = arith.constant 8 : i32
      %add3A_1046 = arith.addi %add3A_1035, %add3A_1045 : i32
      %lt3A_1047 = arith.cmpi slt, %add3A_1046, %add3A_4 : i32
      %convert_element_type3A_1048 = arith.extui %lt3A_1047 : i1 to i32
      %cond3A_1049 = arith.constant 0 : i32
      %cond3A_1050 = arith.cmpi ne, %convert_element_type3A_1048, %cond3A_1049 : i32
      scf.if %cond3A_1050 {
        %add3A_1193 = arith.constant 8 : i32
        %add3A_1194 = arith.addi %add3A_1035, %add3A_1193 : i32
        %jit3A_1195 = arith.constant 32 : i32
        %div3A_1196 = arith.divsi %add3A_1194, %jit3A_1195 : i32
        %sign3A_1197 = arith.constant 0 : i32
        %sign3A_1198 = arith.cmpi sgt, %add3A_1194, %sign3A_1197 : i32
        %sign3A_1199 = arith.extui %sign3A_1198 : i1 to i32
        %sign3A_1200 = arith.constant 0 : i32
        %sign3A_1201 = arith.cmpi slt, %add3A_1194, %sign3A_1200 : i32
        %sign3A_1202 = arith.extui %sign3A_1201 : i1 to i32
        %sign3A_1203 = arith.subi %sign3A_1199, %sign3A_1202 : i32
        %sign3A_1204 = arith.constant 0 : i32
        %sign3A_1205 = arith.cmpi sgt, %jit3A_1195, %sign3A_1204 : i32
        %sign3A_1206 = arith.extui %sign3A_1205 : i1 to i32
        %sign3A_1207 = arith.constant 0 : i32
        %sign3A_1208 = arith.cmpi slt, %jit3A_1195, %sign3A_1207 : i32
        %sign3A_1209 = arith.extui %sign3A_1208 : i1 to i32
        %sign3A_1210 = arith.subi %sign3A_1206, %sign3A_1209 : i32
        %ne3A_1211 = arith.cmpi ne, %sign3A_1203, %sign3A_1210 : i32
        %rem3A_1212 = arith.remsi %add3A_1194, %jit3A_1195 : i32
        %ne3A_1213 = arith.constant 0 : i32
        %ne3A_1214 = arith.cmpi ne, %rem3A_1212, %ne3A_1213 : i32
        %and3A_1215 = arith.andi %ne3A_1211, %ne3A_1214 : i1
        %sub3A_1216 = arith.constant 1 : i32
        %sub3A_1217 = arith.subi %div3A_1196, %sub3A_1216 : i32
        %select_n3A_1218 = arith.select %and3A_1215, %sub3A_1217, %div3A_1196 : i32
        %jit3A_1219 = arith.constant 32 : i32
        %eq3A_1220 = arith.constant 0 : i32
        %eq3A_1221 = arith.cmpi eq, %jit3A_1219, %eq3A_1220 : i32
        %jit3A_1222 = arith.constant 1 : i32
        %select_n3A_1223 = arith.select %eq3A_1221, %jit3A_1222, %jit3A_1219 : i32
        %rem3A_1224 = arith.remsi %add3A_1194, %select_n3A_1223 : i32
        %ne3A_1225 = arith.constant 0 : i32
        %ne3A_1226 = arith.cmpi ne, %rem3A_1224, %ne3A_1225 : i32
        %lt3A_1227 = arith.constant 0 : i32
        %lt3A_1228 = arith.cmpi slt, %rem3A_1224, %lt3A_1227 : i32
        %lt3A_1229 = arith.constant 0 : i32
        %lt3A_1230 = arith.cmpi slt, %select_n3A_1223, %lt3A_1229 : i32
        %ne3A_1231 = arith.xori %lt3A_1228, %lt3A_1230 : i1
        %and3A_1232 = arith.andi %ne3A_1231, %ne3A_1226 : i1
        %add3A_1233 = arith.addi %rem3A_1224, %select_n3A_1223 : i32
        %select_n3A_1234 = arith.select %and3A_1232, %add3A_1233, %rem3A_1224 : i32
        %mul3A_1235 = arith.constant 128 : i32
        %mul3A_1236 = arith.muli %select_n3A_1234, %mul3A_1235 : i32
        %dma_start3A_1237 = tpu.memref_slice %arg2[%select_n3A_1218, %mul3A_1236] : memref<200x4096xi32, #tpu.memory_space<hbm>> -> memref<1x128xi32, #tpu.memory_space<hbm>>
        %dma_start3A_1238 = tpu.memref_squeeze %dma_start3A_1237 : memref<1x128xi32, #tpu.memory_space<hbm>> -> memref<128xi32, #tpu.memory_space<hbm>>
        %dma_start3A_1239 = tpu.memref_slice %arg2[%select_n3A_1218, %mul3A_1236] : memref<200x4096xi32, #tpu.memory_space<hbm>> -> memref<1x128xi32, #tpu.memory_space<hbm>>
        %dma_start3A_1240 = tpu.memref_squeeze %dma_start3A_1239 : memref<1x128xi32, #tpu.memory_space<hbm>> -> memref<128xi32, #tpu.memory_space<hbm>>
        tpu.enqueue_dma source(%dma_start3A_1240 : memref<128xi32, #tpu.memory_space<hbm>>) target(%arg11 : memref<128xi32, #tpu.memory_space<vmem>>) target_semaphore(%arg27 : memref<!tpu.dma_semaphore, #tpu.memory_space<semaphore_mem>>)
      } else {
      }
      %dma_wait3A_1051 = arith.constant 0 : i32
      %dma_wait3A_1052 = arith.constant 0 : i32
      %dma_wait3A_1053 = arith.constant 0 : i32
      %dma_wait3A_1054 = tpu.memref_slice %arg4[%dma_wait3A_1051, %dma_wait3A_1052, %dma_wait3A_1053] : memref<200x64x4096xf32, #tpu.memory_space<hbm>> -> memref<1x64x128xf32, #tpu.memory_space<hbm>>
      %dma_wait3A_1055 = tpu.memref_squeeze %dma_wait3A_1054 : memref<1x64x128xf32, #tpu.memory_space<hbm>> -> memref<64x128xf32, #tpu.memory_space<hbm>>
      %dma_wait3A_1056 = arith.constant 0 : i32
      %dma_wait3A_1057 = arith.constant 0 : i32
      %dma_wait3A_1058 = tpu.memref_slice %arg4[%dma_wait3A_1051, %dma_wait3A_1056, %dma_wait3A_1057] : memref<200x64x4096xf32, #tpu.memory_space<hbm>> -> memref<1x64x128xf32, #tpu.memory_space<hbm>>
      %dma_wait3A_1059 = tpu.memref_squeeze %dma_wait3A_1058 : memref<1x64x128xf32, #tpu.memory_space<hbm>> -> memref<64x128xf32, #tpu.memory_space<hbm>>
      tpu.wait_dma2 semaphore(%arg35 : memref<!tpu.dma_semaphore, #tpu.memory_space<semaphore_mem>>) src(%arg19 : memref<64x128xf32, #tpu.memory_space<vmem>>) dst(%dma_wait3A_1059 : memref<64x128xf32, #tpu.memory_space<hbm>>)
      %parallel_loop3A_1060 = arith.constant 0 : i32
      %parallel_loop3A_1061 = arith.constant 8 : i32
      %parallel_loop3A_1062 = arith.constant 1 : i32
      scf.for %parallel_loop3A_1193 = %parallel_loop3A_1060 to %parallel_loop3A_1061 step %parallel_loop3A_1062  : i32 {
        %parallel_loop3A_1194 = arith.constant 16 : i32
        %parallel_loop3A_1195 = arith.muli %parallel_loop3A_1193, %parallel_loop3A_1194 : i32
        %parallel_loop3A_1196 = arith.constant 0 : i32
        %parallel_loop3A_1197 = arith.constant 0 : i32
        %parallel_loop3A_1198 = arith.constant 16 : i32
        %parallel_loop3A_1199 = arith.addi %parallel_loop3A_1197, %parallel_loop3A_1198 : i32
        %parallel_loop3A_1200 = arith.constant 1 : i32
        scf.for %scan3A_1202 = %parallel_loop3A_1197 to %parallel_loop3A_1199 step %parallel_loop3A_1200  : i32 {
          %parallel_loop3A_1203 = vector.broadcast %scan3A_1202 : i32 to vector<16xi32>
          %parallel_loop3A_1204 = arith.addi %iota3A, %parallel_loop3A_1203 : vector<16xi32>
          %parallel_loop3A_1205 = arith.constant 15 : i32
          %parallel_loop3A_1206 = vector.broadcast %parallel_loop3A_1205 : i32 to vector<16xi32>
          %parallel_loop3A_1207 = arith.andi %parallel_loop3A_1204, %parallel_loop3A_1206 : vector<16xi32>
          %parallel_loop3A_1208 = vector.broadcast %parallel_loop3A_1195 : i32 to vector<16xi32>
          %parallel_loop3A_1209 = arith.addi %parallel_loop3A_1207, %parallel_loop3A_1208 : vector<16xi32>
          %parallel_loop3A_1210 = arith.constant 0 : i32
          %parallel_loop3A_1211 = tpu.memref_slice %arg15[%parallel_loop3A_1195, %parallel_loop3A_1210] : memref<128x128xf32, #tpu.memory_space<vmem>> -> memref<16x128xf32, #tpu.memory_space<vmem>>
          %parallel_loop3A_1212 = tpu.vector_load_idx %parallel_loop3A_1211[%parallel_loop3A_1207, %add3A_102] : memref<16x128xf32, #tpu.memory_space<vmem>>[vector<16xi32>, vector<16xi32>], vector<16xf32>,
          tpu.vector_store_idx %arg19[%add3A_102, %parallel_loop3A_1209], %parallel_loop3A_1212 : memref<64x128xf32, #tpu.memory_space<vmem>>[vector<16xi32>, vector<16xi32>], vector<16xf32>,
          %parallel_loop3A_1213 = arith.constant 0 : i32
          %parallel_loop3A_1214 = tpu.memref_slice %arg15[%parallel_loop3A_1195, %parallel_loop3A_1213] : memref<128x128xf32, #tpu.memory_space<vmem>> -> memref<16x128xf32, #tpu.memory_space<vmem>>
          %parallel_loop3A_1215 = tpu.vector_load_idx %parallel_loop3A_1214[%parallel_loop3A_1207, %add3A_105] : memref<16x128xf32, #tpu.memory_space<vmem>>[vector<16xi32>, vector<16xi32>], vector<16xf32>,
          tpu.vector_store_idx %arg19[%add3A_105, %parallel_loop3A_1209], %parallel_loop3A_1215 : memref<64x128xf32, #tpu.memory_space<vmem>>[vector<16xi32>, vector<16xi32>], vector<16xf32>,
          %parallel_loop3A_1216 = arith.constant 0 : i32
          %parallel_loop3A_1217 = tpu.memref_slice %arg15[%parallel_loop3A_1195, %parallel_loop3A_1216] : memref<128x128xf32, #tpu.memory_space<vmem>> -> memref<16x128xf32, #tpu.memory_space<vmem>>
          %parallel_loop3A_1218 = tpu.vector_load_idx %parallel_loop3A_1217[%parallel_loop3A_1207, %add3A_108] : memref<16x128xf32, #tpu.memory_space<vmem>>[vector<16xi32>, vector<16xi32>], vector<16xf32>,
          tpu.vector_store_idx %arg19[%add3A_108, %parallel_loop3A_1209], %parallel_loop3A_1218 : memref<64x128xf32, #tpu.memory_space<vmem>>[vector<16xi32>, vector<16xi32>], vector<16xf32>,
          %parallel_loop3A_1219 = arith.constant 0 : i32
          %parallel_loop3A_1220 = tpu.memref_slice %arg15[%parallel_loop3A_1195, %parallel_loop3A_1219] : memref<128x128xf32, #tpu.memory_space<vmem>> -> memref<16x128xf32, #tpu.memory_space<vmem>>
          %parallel_loop3A_1221 = tpu.vector_load_idx %parallel_loop3A_1220[%parallel_loop3A_1207, %add3A_111] : memref<16x128xf32, #tpu.memory_space<vmem>>[vector<16xi32>, vector<16xi32>], vector<16xf32>,
          tpu.vector_store_idx %arg19[%add3A_111, %parallel_loop3A_1209], %parallel_loop3A_1221 : memref<64x128xf32, #tpu.memory_space<vmem>>[vector<16xi32>, vector<16xi32>], vector<16xf32>,
        }
        %parallel_loop3A_1201 = arith.constant 16 : i32
      } {sc.loop_unroll_factor = 1 : i64, sc.parallel_access}
      %jit3A_1063 = arith.constant 32 : i32
      %div3A_1064 = arith.divsi %add3A_1035, %jit3A_1063 : i32
      %sign3A_1065 = arith.constant 0 : i32
      %sign3A_1066 = arith.cmpi sgt, %add3A_1035, %sign3A_1065 : i32
      %sign3A_1067 = arith.extui %sign3A_1066 : i1 to i32
      %sign3A_1068 = arith.constant 0 : i32
      %sign3A_1069 = arith.cmpi slt, %add3A_1035, %sign3A_1068 : i32
      %sign3A_1070 = arith.extui %sign3A_1069 : i1 to i32
      %sign3A_1071 = arith.subi %sign3A_1067, %sign3A_1070 : i32
      %sign3A_1072 = arith.constant 0 : i32
      %sign3A_1073 = arith.cmpi sgt, %jit3A_1063, %sign3A_1072 : i32
      %sign3A_1074 = arith.extui %sign3A_1073 : i1 to i32
      %sign3A_1075 = arith.constant 0 : i32
      %sign3A_1076 = arith.cmpi slt, %jit3A_1063, %sign3A_1075 : i32
      %sign3A_1077 = arith.extui %sign3A_1076 : i1 to i32
      %sign3A_1078 = arith.subi %sign3A_1074, %sign3A_1077 : i32
      %ne3A_1079 = arith.cmpi ne, %sign3A_1071, %sign3A_1078 : i32
      %rem3A_1080 = arith.remsi %add3A_1035, %jit3A_1063 : i32
      %ne3A_1081 = arith.constant 0 : i32
      %ne3A_1082 = arith.cmpi ne, %rem3A_1080, %ne3A_1081 : i32
      %and3A_1083 = arith.andi %ne3A_1079, %ne3A_1082 : i1
      %sub3A_1084 = arith.constant 1 : i32
      %sub3A_1085 = arith.subi %div3A_1064, %sub3A_1084 : i32
      %select_n3A_1086 = arith.select %and3A_1083, %sub3A_1085, %div3A_1064 : i32
      %jit3A_1087 = arith.constant 32 : i32
      %eq3A_1088 = arith.constant 0 : i32
      %eq3A_1089 = arith.cmpi eq, %jit3A_1087, %eq3A_1088 : i32
      %jit3A_1090 = arith.constant 1 : i32
      %select_n3A_1091 = arith.select %eq3A_1089, %jit3A_1090, %jit3A_1087 : i32
      %rem3A_1092 = arith.remsi %add3A_1035, %select_n3A_1091 : i32
      %ne3A_1093 = arith.constant 0 : i32
      %ne3A_1094 = arith.cmpi ne, %rem3A_1092, %ne3A_1093 : i32
      %lt3A_1095 = arith.constant 0 : i32
      %lt3A_1096 = arith.cmpi slt, %rem3A_1092, %lt3A_1095 : i32
      %lt3A_1097 = arith.constant 0 : i32
      %lt3A_1098 = arith.cmpi slt, %select_n3A_1091, %lt3A_1097 : i32
      %ne3A_1099 = arith.xori %lt3A_1096, %lt3A_1098 : i1
      %and3A_1100 = arith.andi %ne3A_1099, %ne3A_1094 : i1
      %add3A_1101 = arith.addi %rem3A_1092, %select_n3A_1091 : i32
      %select_n3A_1102 = arith.select %and3A_1100, %add3A_1101, %rem3A_1092 : i32
      %mul3A_1103 = arith.constant 128 : i32
      %mul3A_1104 = arith.muli %select_n3A_1102, %mul3A_1103 : i32
      %dma_start3A_1105 = arith.constant 0 : i32
      %dma_start3A_1106 = tpu.memref_slice %arg4[%select_n3A_1086, %dma_start3A_1105, %mul3A_1104] : memref<200x64x4096xf32, #tpu.memory_space<hbm>> -> memref<1x64x128xf32, #tpu.memory_space<hbm>>
      %dma_start3A_1107 = tpu.memref_squeeze %dma_start3A_1106 : memref<1x64x128xf32, #tpu.memory_space<hbm>> -> memref<64x128xf32, #tpu.memory_space<hbm>>
      %dma_start3A_1108 = arith.constant 0 : i32
      %dma_start3A_1109 = tpu.memref_slice %arg4[%select_n3A_1086, %dma_start3A_1108, %mul3A_1104] : memref<200x64x4096xf32, #tpu.memory_space<hbm>> -> memref<1x64x128xf32, #tpu.memory_space<hbm>>
      %dma_start3A_1110 = tpu.memref_squeeze %dma_start3A_1109 : memref<1x64x128xf32, #tpu.memory_space<hbm>> -> memref<64x128xf32, #tpu.memory_space<hbm>>
      tpu.enqueue_dma source(%arg19 : memref<64x128xf32, #tpu.memory_space<vmem>>) target(%dma_start3A_1110 : memref<64x128xf32, #tpu.memory_space<hbm>>) target_semaphore(%arg35 : memref<!tpu.dma_semaphore, #tpu.memory_space<semaphore_mem>>)
      %mul3A_1111 = arith.constant 2 : i32
      %mul3A_1112 = arith.muli %scan3A_556, %mul3A_1111 : i32
      %mul3A_1113 = arith.constant 4 : i32
      %mul3A_1114 = arith.muli %mul3A_1112, %mul3A_1113 : i32
      %add3A_1115 = arith.addi %mul3A_2, %mul3A_1114 : i32
      %add3A_1116 = arith.constant 7 : i32
      %add3A_1117 = arith.addi %add3A_1115, %add3A_1116 : i32
      %add3A_1118 = arith.constant 3 : i32
      %add3A_1119 = arith.addi %add3A_1117, %add3A_1118 : i32
      %lt3A_1120 = arith.cmpi slt, %add3A_1119, %add3A_4 : i32
      %convert_element_type3A_1121 = arith.extui %lt3A_1120 : i1 to i32
      %cond3A_1122 = arith.constant 0 : i32
      %cond3A_1123 = arith.cmpi ne, %convert_element_type3A_1121, %cond3A_1122 : i32
      scf.if %cond3A_1123 {
        %dma_wait3A_1193 = arith.constant 0 : i32
        %dma_wait3A_1194 = arith.constant 0 : i32
        %dma_wait3A_1195 = tpu.memref_slice %arg2[%dma_wait3A_1193, %dma_wait3A_1194] : memref<200x4096xi32, #tpu.memory_space<hbm>> -> memref<1x128xi32, #tpu.memory_space<hbm>>
        %dma_wait3A_1196 = tpu.memref_squeeze %dma_wait3A_1195 : memref<1x128xi32, #tpu.memory_space<hbm>> -> memref<128xi32, #tpu.memory_space<hbm>>
        %dma_wait3A_1197 = arith.constant 0 : i32
        %dma_wait3A_1198 = tpu.memref_slice %arg2[%dma_wait3A_1193, %dma_wait3A_1197] : memref<200x4096xi32, #tpu.memory_space<hbm>> -> memref<1x128xi32, #tpu.memory_space<hbm>>
        %dma_wait3A_1199 = tpu.memref_squeeze %dma_wait3A_1198 : memref<1x128xi32, #tpu.memory_space<hbm>> -> memref<128xi32, #tpu.memory_space<hbm>>
        tpu.wait_dma2 semaphore(%arg23 : memref<!tpu.dma_semaphore, #tpu.memory_space<semaphore_mem>>) src(%dma_wait3A_1199 : memref<128xi32, #tpu.memory_space<hbm>>) dst(%arg7 : memref<128xi32, #tpu.memory_space<vmem>>)
        %dma_start3A_1200 = arith.constant 0 : i32
        %dma_start3A_1201 = arith.constant 0 : i32
        %dma_start3A_1202 = tpu.memref_slice %arg3[%dma_start3A_1200, %dma_start3A_1201] : memref<1000000x128xf32, #tpu.memory_space<hbm>> -> memref<1000000x128xf32, #tpu.memory_space<hbm>>
        tpu.enqueue_indirect_dma source(%dma_start3A_1202 : memref<1000000x128xf32, #tpu.memory_space<hbm>>) target(%arg15 : memref<128x128xf32, #tpu.memory_space<vmem>>) offsets(%arg7 : memref<128xi32, #tpu.memory_space<vmem>>) semaphore(%arg31 : memref<!tpu.dma_semaphore, #tpu.memory_space<semaphore_mem>>)
      } else {
      }
      %dma_wait3A_1124 = arith.constant 0 : i32
      %dma_wait3A_1125 = arith.constant 0 : i32
      %dma_wait3A_1126 = tpu.memref_slice %arg3[%dma_wait3A_1124, %dma_wait3A_1125] : memref<1000000x128xf32, #tpu.memory_space<hbm>> -> memref<1000000x128xf32, #tpu.memory_space<hbm>>
      tpu.wait_indirect_dma semaphore(%arg32 : memref<!tpu.dma_semaphore, #tpu.memory_space<semaphore_mem>>) src(%dma_wait3A_1126 : memref<1000000x128xf32, #tpu.memory_space<hbm>>) dst(%arg16 : memref<128x128xf32, #tpu.memory_space<vmem>>)
      %add3A_1127 = arith.constant 8 : i32
      %add3A_1128 = arith.addi %add3A_1117, %add3A_1127 : i32
      %lt3A_1129 = arith.cmpi slt, %add3A_1128, %add3A_4 : i32
      %convert_element_type3A_1130 = arith.extui %lt3A_1129 : i1 to i32
      %cond3A_1131 = arith.constant 0 : i32
      %cond3A_1132 = arith.cmpi ne, %convert_element_type3A_1130, %cond3A_1131 : i32
      scf.if %cond3A_1132 {
        %add3A_1193 = arith.constant 8 : i32
        %add3A_1194 = arith.addi %add3A_1117, %add3A_1193 : i32
        %jit3A_1195 = arith.constant 32 : i32
        %div3A_1196 = arith.divsi %add3A_1194, %jit3A_1195 : i32
        %sign3A_1197 = arith.constant 0 : i32
        %sign3A_1198 = arith.cmpi sgt, %add3A_1194, %sign3A_1197 : i32
        %sign3A_1199 = arith.extui %sign3A_1198 : i1 to i32
        %sign3A_1200 = arith.constant 0 : i32
        %sign3A_1201 = arith.cmpi slt, %add3A_1194, %sign3A_1200 : i32
        %sign3A_1202 = arith.extui %sign3A_1201 : i1 to i32
        %sign3A_1203 = arith.subi %sign3A_1199, %sign3A_1202 : i32
        %sign3A_1204 = arith.constant 0 : i32
        %sign3A_1205 = arith.cmpi sgt, %jit3A_1195, %sign3A_1204 : i32
        %sign3A_1206 = arith.extui %sign3A_1205 : i1 to i32
        %sign3A_1207 = arith.constant 0 : i32
        %sign3A_1208 = arith.cmpi slt, %jit3A_1195, %sign3A_1207 : i32
        %sign3A_1209 = arith.extui %sign3A_1208 : i1 to i32
        %sign3A_1210 = arith.subi %sign3A_1206, %sign3A_1209 : i32
        %ne3A_1211 = arith.cmpi ne, %sign3A_1203, %sign3A_1210 : i32
        %rem3A_1212 = arith.remsi %add3A_1194, %jit3A_1195 : i32
        %ne3A_1213 = arith.constant 0 : i32
        %ne3A_1214 = arith.cmpi ne, %rem3A_1212, %ne3A_1213 : i32
        %and3A_1215 = arith.andi %ne3A_1211, %ne3A_1214 : i1
        %sub3A_1216 = arith.constant 1 : i32
        %sub3A_1217 = arith.subi %div3A_1196, %sub3A_1216 : i32
        %select_n3A_1218 = arith.select %and3A_1215, %sub3A_1217, %div3A_1196 : i32
        %jit3A_1219 = arith.constant 32 : i32
        %eq3A_1220 = arith.constant 0 : i32
        %eq3A_1221 = arith.cmpi eq, %jit3A_1219, %eq3A_1220 : i32
        %jit3A_1222 = arith.constant 1 : i32
        %select_n3A_1223 = arith.select %eq3A_1221, %jit3A_1222, %jit3A_1219 : i32
        %rem3A_1224 = arith.remsi %add3A_1194, %select_n3A_1223 : i32
        %ne3A_1225 = arith.constant 0 : i32
        %ne3A_1226 = arith.cmpi ne, %rem3A_1224, %ne3A_1225 : i32
        %lt3A_1227 = arith.constant 0 : i32
        %lt3A_1228 = arith.cmpi slt, %rem3A_1224, %lt3A_1227 : i32
        %lt3A_1229 = arith.constant 0 : i32
        %lt3A_1230 = arith.cmpi slt, %select_n3A_1223, %lt3A_1229 : i32
        %ne3A_1231 = arith.xori %lt3A_1228, %lt3A_1230 : i1
        %and3A_1232 = arith.andi %ne3A_1231, %ne3A_1226 : i1
        %add3A_1233 = arith.addi %rem3A_1224, %select_n3A_1223 : i32
        %select_n3A_1234 = arith.select %and3A_1232, %add3A_1233, %rem3A_1224 : i32
        %mul3A_1235 = arith.constant 128 : i32
        %mul3A_1236 = arith.muli %select_n3A_1234, %mul3A_1235 : i32
        %dma_start3A_1237 = tpu.memref_slice %arg2[%select_n3A_1218, %mul3A_1236] : memref<200x4096xi32, #tpu.memory_space<hbm>> -> memref<1x128xi32, #tpu.memory_space<hbm>>
        %dma_start3A_1238 = tpu.memref_squeeze %dma_start3A_1237 : memref<1x128xi32, #tpu.memory_space<hbm>> -> memref<128xi32, #tpu.memory_space<hbm>>
        %dma_start3A_1239 = tpu.memref_slice %arg2[%select_n3A_1218, %mul3A_1236] : memref<200x4096xi32, #tpu.memory_space<hbm>> -> memref<1x128xi32, #tpu.memory_space<hbm>>
        %dma_start3A_1240 = tpu.memref_squeeze %dma_start3A_1239 : memref<1x128xi32, #tpu.memory_space<hbm>> -> memref<128xi32, #tpu.memory_space<hbm>>
        tpu.enqueue_dma source(%dma_start3A_1240 : memref<128xi32, #tpu.memory_space<hbm>>) target(%arg12 : memref<128xi32, #tpu.memory_space<vmem>>) target_semaphore(%arg28 : memref<!tpu.dma_semaphore, #tpu.memory_space<semaphore_mem>>)
      } else {
      }
      %dma_wait3A_1133 = arith.constant 0 : i32
      %dma_wait3A_1134 = arith.constant 0 : i32
      %dma_wait3A_1135 = arith.constant 0 : i32
      %dma_wait3A_1136 = tpu.memref_slice %arg4[%dma_wait3A_1133, %dma_wait3A_1134, %dma_wait3A_1135] : memref<200x64x4096xf32, #tpu.memory_space<hbm>> -> memref<1x64x128xf32, #tpu.memory_space<hbm>>
      %dma_wait3A_1137 = tpu.memref_squeeze %dma_wait3A_1136 : memref<1x64x128xf32, #tpu.memory_space<hbm>> -> memref<64x128xf32, #tpu.memory_space<hbm>>
      %dma_wait3A_1138 = arith.constant 0 : i32
      %dma_wait3A_1139 = arith.constant 0 : i32
      %dma_wait3A_1140 = tpu.memref_slice %arg4[%dma_wait3A_1133, %dma_wait3A_1138, %dma_wait3A_1139] : memref<200x64x4096xf32, #tpu.memory_space<hbm>> -> memref<1x64x128xf32, #tpu.memory_space<hbm>>
      %dma_wait3A_1141 = tpu.memref_squeeze %dma_wait3A_1140 : memref<1x64x128xf32, #tpu.memory_space<hbm>> -> memref<64x128xf32, #tpu.memory_space<hbm>>
      tpu.wait_dma2 semaphore(%arg36 : memref<!tpu.dma_semaphore, #tpu.memory_space<semaphore_mem>>) src(%arg20 : memref<64x128xf32, #tpu.memory_space<vmem>>) dst(%dma_wait3A_1141 : memref<64x128xf32, #tpu.memory_space<hbm>>)
      %parallel_loop3A_1142 = arith.constant 0 : i32
      %parallel_loop3A_1143 = arith.constant 8 : i32
      %parallel_loop3A_1144 = arith.constant 1 : i32
      scf.for %parallel_loop3A_1193 = %parallel_loop3A_1142 to %parallel_loop3A_1143 step %parallel_loop3A_1144  : i32 {
        %parallel_loop3A_1194 = arith.constant 16 : i32
        %parallel_loop3A_1195 = arith.muli %parallel_loop3A_1193, %parallel_loop3A_1194 : i32
        %parallel_loop3A_1196 = arith.constant 0 : i32
        %parallel_loop3A_1197 = arith.constant 0 : i32
        %parallel_loop3A_1198 = arith.constant 16 : i32
        %parallel_loop3A_1199 = arith.addi %parallel_loop3A_1197, %parallel_loop3A_1198 : i32
        %parallel_loop3A_1200 = arith.constant 1 : i32
        scf.for %scan3A_1202 = %parallel_loop3A_1197 to %parallel_loop3A_1199 step %parallel_loop3A_1200  : i32 {
          %parallel_loop3A_1203 = vector.broadcast %scan3A_1202 : i32 to vector<16xi32>
          %parallel_loop3A_1204 = arith.addi %iota3A, %parallel_loop3A_1203 : vector<16xi32>
          %parallel_loop3A_1205 = arith.constant 15 : i32
          %parallel_loop3A_1206 = vector.broadcast %parallel_loop3A_1205 : i32 to vector<16xi32>
          %parallel_loop3A_1207 = arith.andi %parallel_loop3A_1204, %parallel_loop3A_1206 : vector<16xi32>
          %parallel_loop3A_1208 = vector.broadcast %parallel_loop3A_1195 : i32 to vector<16xi32>
          %parallel_loop3A_1209 = arith.addi %parallel_loop3A_1207, %parallel_loop3A_1208 : vector<16xi32>
          %parallel_loop3A_1210 = arith.constant 0 : i32
          %parallel_loop3A_1211 = tpu.memref_slice %arg16[%parallel_loop3A_1195, %parallel_loop3A_1210] : memref<128x128xf32, #tpu.memory_space<vmem>> -> memref<16x128xf32, #tpu.memory_space<vmem>>
          %parallel_loop3A_1212 = tpu.vector_load_idx %parallel_loop3A_1211[%parallel_loop3A_1207, %add3A_102] : memref<16x128xf32, #tpu.memory_space<vmem>>[vector<16xi32>, vector<16xi32>], vector<16xf32>,
          tpu.vector_store_idx %arg20[%add3A_102, %parallel_loop3A_1209], %parallel_loop3A_1212 : memref<64x128xf32, #tpu.memory_space<vmem>>[vector<16xi32>, vector<16xi32>], vector<16xf32>,
          %parallel_loop3A_1213 = arith.constant 0 : i32
          %parallel_loop3A_1214 = tpu.memref_slice %arg16[%parallel_loop3A_1195, %parallel_loop3A_1213] : memref<128x128xf32, #tpu.memory_space<vmem>> -> memref<16x128xf32, #tpu.memory_space<vmem>>
          %parallel_loop3A_1215 = tpu.vector_load_idx %parallel_loop3A_1214[%parallel_loop3A_1207, %add3A_105] : memref<16x128xf32, #tpu.memory_space<vmem>>[vector<16xi32>, vector<16xi32>], vector<16xf32>,
          tpu.vector_store_idx %arg20[%add3A_105, %parallel_loop3A_1209], %parallel_loop3A_1215 : memref<64x128xf32, #tpu.memory_space<vmem>>[vector<16xi32>, vector<16xi32>], vector<16xf32>,
          %parallel_loop3A_1216 = arith.constant 0 : i32
          %parallel_loop3A_1217 = tpu.memref_slice %arg16[%parallel_loop3A_1195, %parallel_loop3A_1216] : memref<128x128xf32, #tpu.memory_space<vmem>> -> memref<16x128xf32, #tpu.memory_space<vmem>>
          %parallel_loop3A_1218 = tpu.vector_load_idx %parallel_loop3A_1217[%parallel_loop3A_1207, %add3A_108] : memref<16x128xf32, #tpu.memory_space<vmem>>[vector<16xi32>, vector<16xi32>], vector<16xf32>,
          tpu.vector_store_idx %arg20[%add3A_108, %parallel_loop3A_1209], %parallel_loop3A_1218 : memref<64x128xf32, #tpu.memory_space<vmem>>[vector<16xi32>, vector<16xi32>], vector<16xf32>,
          %parallel_loop3A_1219 = arith.constant 0 : i32
          %parallel_loop3A_1220 = tpu.memref_slice %arg16[%parallel_loop3A_1195, %parallel_loop3A_1219] : memref<128x128xf32, #tpu.memory_space<vmem>> -> memref<16x128xf32, #tpu.memory_space<vmem>>
          %parallel_loop3A_1221 = tpu.vector_load_idx %parallel_loop3A_1220[%parallel_loop3A_1207, %add3A_111] : memref<16x128xf32, #tpu.memory_space<vmem>>[vector<16xi32>, vector<16xi32>], vector<16xf32>,
          tpu.vector_store_idx %arg20[%add3A_111, %parallel_loop3A_1209], %parallel_loop3A_1221 : memref<64x128xf32, #tpu.memory_space<vmem>>[vector<16xi32>, vector<16xi32>], vector<16xf32>,
        }
        %parallel_loop3A_1201 = arith.constant 16 : i32
      } {sc.loop_unroll_factor = 1 : i64, sc.parallel_access}
      %jit3A_1145 = arith.constant 32 : i32
      %div3A_1146 = arith.divsi %add3A_1117, %jit3A_1145 : i32
      %sign3A_1147 = arith.constant 0 : i32
      %sign3A_1148 = arith.cmpi sgt, %add3A_1117, %sign3A_1147 : i32
      %sign3A_1149 = arith.extui %sign3A_1148 : i1 to i32
      %sign3A_1150 = arith.constant 0 : i32
      %sign3A_1151 = arith.cmpi slt, %add3A_1117, %sign3A_1150 : i32
      %sign3A_1152 = arith.extui %sign3A_1151 : i1 to i32
      %sign3A_1153 = arith.subi %sign3A_1149, %sign3A_1152 : i32
      %sign3A_1154 = arith.constant 0 : i32
      %sign3A_1155 = arith.cmpi sgt, %jit3A_1145, %sign3A_1154 : i32
      %sign3A_1156 = arith.extui %sign3A_1155 : i1 to i32
      %sign3A_1157 = arith.constant 0 : i32
      %sign3A_1158 = arith.cmpi slt, %jit3A_1145, %sign3A_1157 : i32
      %sign3A_1159 = arith.extui %sign3A_1158 : i1 to i32
      %sign3A_1160 = arith.subi %sign3A_1156, %sign3A_1159 : i32
      %ne3A_1161 = arith.cmpi ne, %sign3A_1153, %sign3A_1160 : i32
      %rem3A_1162 = arith.remsi %add3A_1117, %jit3A_1145 : i32
      %ne3A_1163 = arith.constant 0 : i32
      %ne3A_1164 = arith.cmpi ne, %rem3A_1162, %ne3A_1163 : i32
      %and3A_1165 = arith.andi %ne3A_1161, %ne3A_1164 : i1
      %sub3A_1166 = arith.constant 1 : i32
      %sub3A_1167 = arith.subi %div3A_1146, %sub3A_1166 : i32
      %select_n3A_1168 = arith.select %and3A_1165, %sub3A_1167, %div3A_1146 : i32
      %jit3A_1169 = arith.constant 32 : i32
      %eq3A_1170 = arith.constant 0 : i32
      %eq3A_1171 = arith.cmpi eq, %jit3A_1169, %eq3A_1170 : i32
      %jit3A_1172 = arith.constant 1 : i32
      %select_n3A_1173 = arith.select %eq3A_1171, %jit3A_1172, %jit3A_1169 : i32
      %rem3A_1174 = arith.remsi %add3A_1117, %select_n3A_1173 : i32
      %ne3A_1175 = arith.constant 0 : i32
      %ne3A_1176 = arith.cmpi ne, %rem3A_1174, %ne3A_1175 : i32
      %lt3A_1177 = arith.constant 0 : i32
      %lt3A_1178 = arith.cmpi slt, %rem3A_1174, %lt3A_1177 : i32
      %lt3A_1179 = arith.constant 0 : i32
      %lt3A_1180 = arith.cmpi slt, %select_n3A_1173, %lt3A_1179 : i32
      %ne3A_1181 = arith.xori %lt3A_1178, %lt3A_1180 : i1
      %and3A_1182 = arith.andi %ne3A_1181, %ne3A_1176 : i1
      %add3A_1183 = arith.addi %rem3A_1174, %select_n3A_1173 : i32
      %select_n3A_1184 = arith.select %and3A_1182, %add3A_1183, %rem3A_1174 : i32
      %mul3A_1185 = arith.constant 128 : i32
      %mul3A_1186 = arith.muli %select_n3A_1184, %mul3A_1185 : i32
      %dma_start3A_1187 = arith.constant 0 : i32
      %dma_start3A_1188 = tpu.memref_slice %arg4[%select_n3A_1168, %dma_start3A_1187, %mul3A_1186] : memref<200x64x4096xf32, #tpu.memory_space<hbm>> -> memref<1x64x128xf32, #tpu.memory_space<hbm>>
      %dma_start3A_1189 = tpu.memref_squeeze %dma_start3A_1188 : memref<1x64x128xf32, #tpu.memory_space<hbm>> -> memref<64x128xf32, #tpu.memory_space<hbm>>
      %dma_start3A_1190 = arith.constant 0 : i32
      %dma_start3A_1191 = tpu.memref_slice %arg4[%select_n3A_1168, %dma_start3A_1190, %mul3A_1186] : memref<200x64x4096xf32, #tpu.memory_space<hbm>> -> memref<1x64x128xf32, #tpu.memory_space<hbm>>
      %dma_start3A_1192 = tpu.memref_squeeze %dma_start3A_1191 : memref<1x64x128xf32, #tpu.memory_space<hbm>> -> memref<64x128xf32, #tpu.memory_space<hbm>>
      tpu.enqueue_dma source(%arg20 : memref<64x128xf32, #tpu.memory_space<vmem>>) target(%dma_start3A_1192 : memref<64x128xf32, #tpu.memory_space<hbm>>) target_semaphore(%arg36 : memref<!tpu.dma_semaphore, #tpu.memory_space<semaphore_mem>>)
    }
    %scan3A_519 = arith.constant 25 : i32
    %dma_wait3A_520 = arith.constant 0 : i32
    %dma_wait3A_521 = arith.constant 0 : i32
    %dma_wait3A_522 = arith.constant 0 : i32
    %dma_wait3A_523 = tpu.memref_slice %arg4[%dma_wait3A_520, %dma_wait3A_521, %dma_wait3A_522] : memref<200x64x4096xf32, #tpu.memory_space<hbm>> -> memref<1x64x128xf32, #tpu.memory_space<hbm>>
    %dma_wait3A_524 = tpu.memref_squeeze %dma_wait3A_523 : memref<1x64x128xf32, #tpu.memory_space<hbm>> -> memref<64x128xf32, #tpu.memory_space<hbm>>
    %dma_wait3A_525 = arith.constant 0 : i32
    %dma_wait3A_526 = arith.constant 0 : i32
    %dma_wait3A_527 = tpu.memref_slice %arg4[%dma_wait3A_520, %dma_wait3A_525, %dma_wait3A_526] : memref<200x64x4096xf32, #tpu.memory_space<hbm>> -> memref<1x64x128xf32, #tpu.memory_space<hbm>>
    %dma_wait3A_528 = tpu.memref_squeeze %dma_wait3A_527 : memref<1x64x128xf32, #tpu.memory_space<hbm>> -> memref<64x128xf32, #tpu.memory_space<hbm>>
    tpu.wait_dma2 semaphore(%arg33 : memref<!tpu.dma_semaphore, #tpu.memory_space<semaphore_mem>>) src(%arg17 : memref<64x128xf32, #tpu.memory_space<vmem>>) dst(%dma_wait3A_528 : memref<64x128xf32, #tpu.memory_space<hbm>>)
    %dma_wait3A_529 = arith.constant 0 : i32
    %dma_wait3A_530 = arith.constant 0 : i32
    %dma_wait3A_531 = arith.constant 0 : i32
    %dma_wait3A_532 = tpu.memref_slice %arg4[%dma_wait3A_529, %dma_wait3A_530, %dma_wait3A_531] : memref<200x64x4096xf32, #tpu.memory_space<hbm>> -> memref<1x64x128xf32, #tpu.memory_space<hbm>>
    %dma_wait3A_533 = tpu.memref_squeeze %dma_wait3A_532 : memref<1x64x128xf32, #tpu.memory_space<hbm>> -> memref<64x128xf32, #tpu.memory_space<hbm>>
    %dma_wait3A_534 = arith.constant 0 : i32
    %dma_wait3A_535 = arith.constant 0 : i32
    %dma_wait3A_536 = tpu.memref_slice %arg4[%dma_wait3A_529, %dma_wait3A_534, %dma_wait3A_535] : memref<200x64x4096xf32, #tpu.memory_space<hbm>> -> memref<1x64x128xf32, #tpu.memory_space<hbm>>
    %dma_wait3A_537 = tpu.memref_squeeze %dma_wait3A_536 : memref<1x64x128xf32, #tpu.memory_space<hbm>> -> memref<64x128xf32, #tpu.memory_space<hbm>>
    tpu.wait_dma2 semaphore(%arg34 : memref<!tpu.dma_semaphore, #tpu.memory_space<semaphore_mem>>) src(%arg18 : memref<64x128xf32, #tpu.memory_space<vmem>>) dst(%dma_wait3A_537 : memref<64x128xf32, #tpu.memory_space<hbm>>)
    %dma_wait3A_538 = arith.constant 0 : i32
    %dma_wait3A_539 = arith.constant 0 : i32
    %dma_wait3A_540 = arith.constant 0 : i32
    %dma_wait3A_541 = tpu.memref_slice %arg4[%dma_wait3A_538, %dma_wait3A_539, %dma_wait3A_540] : memref<200x64x4096xf32, #tpu.memory_space<hbm>> -> memref<1x64x128xf32, #tpu.memory_space<hbm>>
    %dma_wait3A_542 = tpu.memref_squeeze %dma_wait3A_541 : memref<1x64x128xf32, #tpu.memory_space<hbm>> -> memref<64x128xf32, #tpu.memory_space<hbm>>
    %dma_wait3A_543 = arith.constant 0 : i32
    %dma_wait3A_544 = arith.constant 0 : i32
    %dma_wait3A_545 = tpu.memref_slice %arg4[%dma_wait3A_538, %dma_wait3A_543, %dma_wait3A_544] : memref<200x64x4096xf32, #tpu.memory_space<hbm>> -> memref<1x64x128xf32, #tpu.memory_space<hbm>>
    %dma_wait3A_546 = tpu.memref_squeeze %dma_wait3A_545 : memref<1x64x128xf32, #tpu.memory_space<hbm>> -> memref<64x128xf32, #tpu.memory_space<hbm>>
    tpu.wait_dma2 semaphore(%arg35 : memref<!tpu.dma_semaphore, #tpu.memory_space<semaphore_mem>>) src(%arg19 : memref<64x128xf32, #tpu.memory_space<vmem>>) dst(%dma_wait3A_546 : memref<64x128xf32, #tpu.memory_space<hbm>>)
    %dma_wait3A_547 = arith.constant 0 : i32
    %dma_wait3A_548 = arith.constant 0 : i32
    %dma_wait3A_549 = arith.constant 0 : i32
    %dma_wait3A_550 = tpu.memref_slice %arg4[%dma_wait3A_547, %dma_wait3A_548, %dma_wait3A_549] : memref<200x64x4096xf32, #tpu.memory_space<hbm>> -> memref<1x64x128xf32, #tpu.memory_space<hbm>>
    %dma_wait3A_551 = tpu.memref_squeeze %dma_wait3A_550 : memref<1x64x128xf32, #tpu.memory_space<hbm>> -> memref<64x128xf32, #tpu.memory_space<hbm>>
    %dma_wait3A_552 = arith.constant 0 : i32
    %dma_wait3A_553 = arith.constant 0 : i32
    %dma_wait3A_554 = tpu.memref_slice %arg4[%dma_wait3A_547, %dma_wait3A_552, %dma_wait3A_553] : memref<200x64x4096xf32, #tpu.memory_space<hbm>> -> memref<1x64x128xf32, #tpu.memory_space<hbm>>
    %dma_wait3A_555 = tpu.memref_squeeze %dma_wait3A_554 : memref<1x64x128xf32, #tpu.memory_space<hbm>> -> memref<64x128xf32, #tpu.memory_space<hbm>>
    tpu.wait_dma2 semaphore(%arg36 : memref<!tpu.dma_semaphore, #tpu.memory_space<semaphore_mem>>) src(%arg20 : memref<64x128xf32, #tpu.memory_space<vmem>>) dst(%dma_wait3A_555 : memref<64x128xf32, #tpu.memory_space<hbm>>)
    return
  }
}

module attributes {stable_mosaic.version = 14 : i64} {
  func.func @_pad_body(%arg0: i32, %arg1: memref<64x8192xf32, #tpu.memory_space<vmem>>, %arg2: memref<8192x128xf32, #tpu.memory_space<vmem>>) attributes {dimension_semantics = [#tpu.dimension_semantics<arbitrary>], iteration_bounds = array<i64: 123>, scalar_prefetch = 0 : i64, scratch_operands = 0 : i64, tpu.core_type = #tpu.core_type<tc>, window_params = [{transform_indices = @transform_0, window_bounds = array<i64: 64, 8192>}, {transform_indices = @transform_1, window_bounds = array<i64: 8192, 128>}]} {
    %get3A = arith.constant 0 : index
    %get3A_0 = arith.constant 0 : index
    %get3A_1 = vector.load %arg1[%get3A, %get3A_0] : memref<64x8192xf32, #tpu.memory_space<vmem>>, vector<64x8192xf32>
    %transpose3A = tpu.transpose %get3A_1, [1, 0] : vector<64x8192xf32> -> vector<8192x64xf32>
    %mul3A = arith.constant 8.000000e+00 : f32
    %mul3A_2 = vector.broadcast %mul3A : f32 to vector<8192x64xf32>
    %mul3A_3 = arith.mulf %transpose3A, %mul3A_2 : vector<8192x64xf32>
    %broadcast_in_dim3A = arith.constant 0.000000e+00 : f32
    %broadcast_in_dim3A_4 = vector.broadcast %broadcast_in_dim3A : f32 to vector<8192x64xf32>
    %concatenate3A = tpu.concatenate %mul3A_3, %broadcast_in_dim3A_4 in 1 : vector<8192x64xf32>, vector<8192x64xf32> -> vector<8192x128xf32>
    %swap3A = arith.constant 0 : index
    %swap3A_5 = arith.constant 0 : index
    %swap3A_6 = vector.load %arg2[%swap3A, %swap3A_5] : memref<8192x128xf32, #tpu.memory_space<vmem>>, vector<8192x128xf32>
    tpu.vector_store %arg2[%swap3A, %swap3A_5], %concatenate3A {strides = array<i32>} : memref<8192x128xf32, #tpu.memory_space<vmem>>, vector<8192x128xf32>,
    return
  }
  func.func @transform_0(%arg0: i32) -> (i32, i32) {
    %c0_i32 = arith.constant 0 : i32
    %c0_i32_0 = arith.constant 0 : i32
    return %c0_i32, %arg0 : i32, i32
  }
  func.func @transform_1(%arg0: i32) -> (i32, i32) {
    %c0_i32 = arith.constant 0 : i32
    %c0_i32_0 = arith.constant 0 : i32
    return %arg0, %c0_i32 : i32, i32
  }
}

</mosaic_0001>

<sc_bundles>
// kernel: kernel.4.cloned.1.call-start
scs
__scs_entry_jumppad:
0x0: {  	(pc) =	sbr.rel $0x88, $3  }
0x1: {  	(tag) =	ssettag $0x0;
	lr =	simm.s32 $0x1  }
0x2: {  	[smem:$0x3F9F] =	sst lr;
	_ =	strace $0xD0000000  }
0x3: {  	_ = 	snop  }
0x4: {  	_ = 	snop  }
0x5: {  	_ = 	snop  }
0x6: {  	_ = 	snop  }
0x7: {  	_ = 	snop  }
__scs_overlays_trampoline_lowered:
0x8: {  	[smem:$0x3FAE] =	sst s0  }
0x9: {  	[smem:$0x3FAF] =	sst s1  }
0xa: {  	[smem:$0x3FB0] =	sst s2  }
0xb: {  	[smem:$0x3FB1] =	sst s3  }
0xc: {  	[smem:$0x3FB2] =	sst s4  }
0xd: {  	[smem:$0x3FB3] =	sst s5  }
0xe: {  	[smem:$0x3FB4] =	sst s6  }
0xf: {  	[smem:$0x3FB5] =	sst s7  }
0x10: {  	[smem:$0x3FB6] =	sst s8  }
0x11: {  	[smem:$0x3FB7] =	sst s9;
	s0 =	simm.s32 @!p0 $0x0  }
0x12: {  	s1 =	sld [smem:$0x3F9D];
	s0 =	simm.s32 @p0 $0x1  }
0x13: {  	[smem:$0x3FB8] =	sst s0;
	s0 =	simm.s32 @!p1 $0x0  }
0x14: {  	s2 =	sld [smem:$0x3F9C];
	s0 =	simm.s32 @p1 $0x1  }
0x15: {  	[smem:$0x3FB9] =	sst s0;
	s0 =	simm.s32 @!p2 $0x0  }
0x16: {  	s3 =	sld [smem:$0x3FDB];
	s0 =	simm.s32 @p2 $0x1  }
0x17: {  	s4 =	simm.s32 $0x1BF5;
	[smem:$0x3FBB] =	sst s0  }
0x18: {  	s0 =	sld [smem:$0x3F9E];
	_ =	swait.ge [sflag:s4], $0x0  }
0x19: {  	s7 =	sld [smem:$0x3F9F]  }
0x1a: {  	s8 =	sadd.s32 $0xFFFFE003, lr  }
0x1b: {  	s9 =	sadd.s32 $0xFFFFFEF7, lr;
	s5 =	simm.s32 $0xFFFFFFFF;
	p2 =	slt.u32 s8, $0xFFFFF086  }
0x1c: {  	p1 =	slt.u32 s9, $0xF7A;
	s5 =	simm.s32 @!p2 $0x0  }
0x1d: {  	s5 =	simm.s32 @p1 $0x1;
	p0 =	seq.s32 s7, s2  }
0x1e: {  	s7 =	smul.u32 @!p0 $0xF7A, s2;
	p2 =	seq.s32 @!p0 s5, $0x0  }
0x1f: {  	s9 =	smul.u32 $0xF7A, s1;
	s8 =	simm.s32 @!p0 $0x1BF5;
	p2 =	por !p2, p0  }
0x20: {  	[sflag:s8] =	ssyncset.s32 @!p0 $0xFFFFF086;
	s6 =	sadd.s32 @!p0 s3, s7;
	s7 =	simm.s32 @!p0 $0x108  }
0x21: {  	s3 =	sadd.s32 s3, s9;
	s6 =	sadd.s32 @!p0 $0x88, s6;
	s7 =	simm.s32 @p2 $0x1082  }
0x22: {  	[simem:s7], [sflag:s8] =	dma.local @!p0 [hbm:s6], $0xF7A  }
0x23: {  	s9 =	sor.u32 $0xD0000000, s2;
	s6 =	simm.s32 $0x108;
	_ =	swait.ge @!p0 [sflag:s8], $0x0  }
0x24: {  	s3 =	sadd.s32 $0x88, s3;
	s6 =	simm.s32 @!p1 $0x1082;
	[sflag:s4] =	ssyncset.s32 $0xFFFFF086  }
0x25: {  	[simem:s6], [sflag:s4] =	dma.local [hbm:s3], $0xF7A  }
0x26: {  	[smem:$0x3F9F] =	sst s1;
	(tag) =	ssettag s2;
	_ =	strace s9  }
0x27: {  	s1 =	sld [smem:$0x3FAF]  }
0x28: {  	s2 =	sld [smem:$0x3FB0]  }
0x29: {  	s4 =	sld [smem:$0x3FB2]  }
0x2a: {  	p0 =	seq.s32 s5, $0x0;
	s5 =	sld [smem:$0x3FB3]  }
0x2b: {  	s6 =	sld [smem:$0x3FB4]  }
0x2c: {  	s7 =	sld [smem:$0x3FB5]  }
0x2d: {  	s3 =	simm.s32 $0x108;
	s8 =	sld [smem:$0x3FB6]  }
0x2e: {  	s3 =	simm.s32 @!p0 $0x1082;
	s9 =	sld [smem:$0x3FB7]  }
0x2f: {  	lr =	sadd.s32 s0, s3;
	s0 =	sld [smem:$0x3FAE]  }
0x30: {  	s3 =	sld [smem:$0x3FB1]  }
0x31: {  	[smem:$0x3FBA] =	sst s10  }
0x32: {  	s10 =	sld [smem:$0x3FB8];
	_ =	sdelay $0x3  }
0x33: {  	p0 =	seq.s32 s10, $0x1;
	s10 =	sld [smem:$0x3FBA];
	_ =	sdelay $0x3  }
0x34: {  	[smem:$0x3FBA] =	sst s10  }
0x35: {  	s10 =	sld [smem:$0x3FB9];
	_ =	sdelay $0x3  }
0x36: {  	p1 =	seq.s32 s10, $0x1;
	s10 =	sld [smem:$0x3FBA];
	_ =	sdelay $0x3  }
0x37: {  	[smem:$0x3FBA] =	sst s10  }
0x38: {  	s10 =	sld [smem:$0x3FBB]  }
0x39: {  	_ = 	snop;
	(pc) =	sbr.ind lr, $3  }
0x3a: {  	_ = 	snop  }
0x3b: {  	_ = 	snop  }
0x3c: {  	p2 =	seq.s32 s10, $0x1;
	s10 =	sld [smem:$0x3FBA]  }
0x3d: {  	_ =	shalt  }
0x3e: {  	_ =	shalt  }
0x3f: {  	_ =	shalt  }
0x40: {  	_ =	shalt  }
0x41: {  	_ =	shalt  }
0x42: {  	_ =	shalt  }
0x43: {  	_ =	shalt  }
0x44: {  	_ =	shalt  }
0x45: {  	_ =	shalt  }
0x46: {  	_ =	shalt  }
0x47: {  	_ =	shalt  }
0x48: {  	_ =	shalt  }
0x49: {  	_ =	shalt  }
0x4a: {  	_ =	shalt  }
0x4b: {  	_ =	shalt  }
0x4c: {  	_ =	shalt  }
0x4d: {  	_ =	shalt  }
0x4e: {  	_ =	shalt  }
0x4f: {  	_ =	shalt  }
0x50: {  	_ =	shalt  }
0x51: {  	_ =	shalt  }
0x52: {  	_ =	shalt  }
0x53: {  	_ =	shalt  }
0x54: {  	_ =	shalt  }
0x55: {  	_ =	shalt  }
0x56: {  	_ =	shalt  }
0x57: {  	_ =	shalt  }
0x58: {  	_ =	shalt  }
0x59: {  	_ =	shalt  }
0x5a: {  	_ =	shalt  }
0x5b: {  	_ =	shalt  }
0x5c: {  	_ =	shalt  }
0x5d: {  	_ =	shalt  }
0x5e: {  	_ =	shalt  }
0x5f: {  	_ =	shalt  }
0x60: {  	_ =	shalt  }
0x61: {  	_ =	shalt  }
0x62: {  	_ =	shalt  }
0x63: {  	_ =	shalt  }
0x64: {  	_ =	shalt  }
0x65: {  	_ =	shalt  }
0x66: {  	_ =	shalt  }
0x67: {  	_ =	shalt  }
0x68: {  	_ =	shalt  }
0x69: {  	_ =	shalt  }
0x6a: {  	_ =	shalt  }
0x6b: {  	_ =	shalt  }
0x6c: {  	_ =	shalt  }
0x6d: {  	_ =	shalt  }
0x6e: {  	_ =	shalt  }
0x6f: {  	_ =	shalt  }
0x70: {  	_ =	shalt  }
0x71: {  	_ =	shalt  }
0x72: {  	_ =	shalt  }
0x73: {  	_ =	shalt  }
0x74: {  	_ =	shalt  }
0x75: {  	_ =	shalt  }
0x76: {  	_ =	shalt  }
0x77: {  	_ =	shalt  }
0x78: {  	_ =	shalt  }
0x79: {  	_ =	shalt  }
0x7a: {  	_ =	shalt  }
0x7b: {  	_ =	shalt  }
0x7c: {  	_ =	shalt  }
0x7d: {  	_ =	shalt  }
0x7e: {  	_ =	shalt  }
0x7f: {  	_ =	shalt  }
0x80: {  	_ =	shalt  }
0x81: {  	_ =	shalt  }
0x82: {  	_ =	shalt  }
0x83: {  	_ =	shalt  }
0x84: {  	_ =	shalt  }
0x85: {  	_ =	shalt  }
0x86: {  	_ =	shalt  }
0x87: {  	_ =	shalt  }
.Lfunc_end0:
.L_simem_size_0:
called_computation_lowered:
.L_overlay_start_0:
0x88: {  	s2 =	sld [smem:$0x3FD9]  }
0x89: {  	s3 =	sld [smem:$0x3FFE];
	_ =	sdelay $0x1  }
0x8a: {  	s1 =	srdreg.scid  }
0x8b: {  	s0 =	sand.u32 $0x1, s1  }
0x8c: {  	s17 =	sshll.u32 s0, $0xA;
	s2 =	sadd.s32 s3, s2  }
0x8d: {  	s2 =	sadd.s32 s2, s17  }
0x8e: {  	[smem:$0x3FC6] =	sst s2  }
0x8f: {  	_ = 	snop  }
0x90: {  	s2 =	sld [smem:$0x3FC9]  }
0x91: {  	s18 =	sld [smem:$0x3FD0];
	(tm) =	ssettm $0x1  }
0x92: {  	s4 =	sld [smem:$0x3FFB];
	_ =	sdelay $0x3  }
0x93: {  	_ =	strace s4  }
0x94: {  	s4 =	sld [smem:$0x3FFC];
	_ =	sdelay $0x3  }
0x95: {  	_ =	strace s4  }
0x96: {  	s4 =	sld [smem:$0x3FFD];
	_ =	sdelay $0x3  }
0x97: {  	_ =	strace s4  }
0x98: {  	_ =	strace $0x8FFFFFFF  }
0x99: {  	s19 =	sld [smem:$0x3FDB];
	_ =	sdelay $0x1  }
0x9a: {  	s5 =	simm.s32 $_scs_section_size  }
0x9b: {  	s6 =	simm.s32 $_size__tile_overlayer_lowered;
	s7 =	simm.s32 $_tile_overlayer_lowered  }
0x9c: {  	s22 =	simm.s32 $0x1BFF;
	s21 =	sshll.u32 s7, $0x1;
	s4 =	sadd.s32 s5, s19  }
0x9d: {  	s8 =	simm.s32 $0x0;
	s20 =	sshll.u32 s6, $0x1;
	s6 =	sadd.s32 s21, s4  }
0x9e: {  	[timem:s8], [sflag:s22] =	dma.local [hbm:s6], s20  }
0x9f: {  	_ =	swait.ge [sflag:s22], s20  }
0xa0: {  	s5 =	ssub.s32 $0x0, s20;
	[sflag:s22] =	ssyncset.done $0x0  }
0xa1: {  	[sflag:s22] =	ssyncadd.s32 s5;
	_ =	sdelay $0x1  }
0xa2: {  	s23 =	simm.s32 $0x1B8B  }
0xa3: {  	_ =	swait.ge [sflag:s23], $0x1  }
0xa4: {  	[sflag:s23] =	ssyncset.done $0x0  }
0xa5: {  	s25 =	simm.s32 $0x1B8E;
	s24 =	sld [smem:$0x3FFE];
	[sflag:s23] =	ssyncadd.s32 $0xFFFFFFFF  }
0xa6: {  	s26 =	simm.s32 $execute0_lowered;
	[smem:$0x3FD2] =	sst s25  }
0xa7: {  	s6 =	sshll.u32 s26, $0x1;
	_ =	strace $0x80000046;
	[dreg:$0x1] =	wrdreg $0xFFFFFFFF  }
0xa8: {  	s28 =	simm.s32 $_size_execute0_lowered;
	s4 =	sadd.s32 s4, s6;
	[dreg:$0x0] =	wrdreg $0x0  }
0xa9: {  	s6 =	sshll.u32 s28, $0x1;
	[dreg:$0x2] =	wrdreg s4  }
0xaa: {  	[dreg:$0x3] =	wrdreg s6  }
0xab: {  	[dreg:$0x4] =	wrdreg $0xC0  }
0xac: {  	_ =	task [dreg:s8], $0x5FFFF  }
0xad: {  	[dreg:$0x1] =	wrdreg $0xFFFFFFFF  }
0xae: {  	[dreg:$0x0] =	wrdreg $0x60  }
0xaf: {  	[dreg:$0x2] =	wrdreg s2  }
0xb0: {  	[dreg:$0x3] =	wrdreg s24  }
0xb1: {  	[dreg:$0x4] =	wrdreg s18  }
0xb2: {  	[dreg:$0x5] =	wrdreg $0x9  }
0xb3: {  	_ =	task.clear_ibuf [dreg:s8], $0x6FFFF;
	_ =	strace $0x90000046  }
0xb4: {  	s29 =	simm.s32 $0x9;
	_ =	strace $0x80000048  }
0xb5: {  	_ =	swait.ge [sflag:s29], $0x1  }
0xb6: {  	[sflag:s29] =	ssyncadd.s32 $0xFFFFFFFF  }
0xb7: {  	_ =	strace $0x90000048  }
0xb8: {  	_ =	sfence  }
0xb9: {  	s30 =	sld [smem:$0x0];
	_ =	sdelay $0x2  }
0xba: {  	s31 =	sshll.u32 s1, $0xD;
	s1 =	sshrl.u32 s1, $0x2  }
0xbb: {  	s3 =	sand.u32 $0x4000, s31;
	s1 =	sadd.s32 s1, s30  }
0xbc: {  	s0 =	sor.u32 s3, s0;
	s1 =	sshll.u32 s1, $0x11  }
0xbd: {  	s0 =	sor.u32 s1, s0  }
0xbe: {  	s0 =	sadd.s32 $0x8F2B, s0  }
0xbf: {  	[sflag:s0] =	ssyncadd.remote.s32 $0x1  }
0xc0: {  	_ =	sfence.sel $0xFFFF  }
0xc1: {  	[dreg:$0x0] =	wrdreg $0xFFFFFFFF;
	(pc) =	sbr.abs _section_cstart, $3  }
0xc2: {  	[dreg:$0x1] =	wrdreg $0xFFFFFFFF  }
0xc3: {  	_ =	task.clear_ibuf [dreg:s8], $0x2FFFF;
	_ =	strace $0x9FFFFFFF  }
0xc4: {  	(tm) =	ssettm $0x7FFFFFFF  }
0xc5: {  	_ =	shalt  }
tec
execute0_lowered:
.L_overlay_start_1:
0x0: {  	(tag) =	ssettag $0x1  }
0x1: {  	s1 =	rddreg [dreg:$0x0]  }
0x2: {  	s0 =	srdreg.scid;
	s3 =	rddreg [dreg:$0x1]  }
0x3: {  	s2 =	stileid.u32;
	s30 =	rddreg [dreg:$0x2]  }
0x4: {  	s4 =	simm.s32 $0x0;
	s17 =	simm.s32 $0x80;
	s31 =	simm.s32 $0xC400  }
0x5: {  	s18 =	simm.s32 $0x10400;
	s9 =	simm.s32 $0x8000;
	s10 =	simm.s32 $0x5  }
0x6: {  	s11 =	simm.s32 $0xA;
	s0 =	sand.u32 $0x1, s0;
	s2 =	sshll.u32 s2, $0x1  }
0x7: {  	s12 =	simm.s32 $0x12400;
	s13 =	simm.s32 $0x6;
	s2 =	sor.u32 s0, s2  }
0x8: {  	s14 =	simm.s32 $0xB;
	[smem:$0x7FF] =	sst s4;
	s7 =	smul.u32 $0xC8, s2  }
0x9: {  	s15 =	simm.s32 $0x14400;
	s0 =	ssub.s32 $0x2, s0;
	_ =	strace $0x80000047  }
0xa: {  	s2 =	sshll.u32 s2, $0xA;
	s21 =	sshrl.u32 s0, $0x1;
	s19 =	sshll.u32 s7, $0x4  }
0xb: {  	s2 =	sand.u32 $0xC00, s2;
	s5 =	sshrl.u32 s7, $0x1;
	s4 =	sand.u32 $0x1F000, s19  }
0xc: {  	s0 =	ssub.s32 s0, s21;
	s20 =	sand.u32 $0x70, s5;
	s2 =	sor.u32 s2, s4  }
0xd: {  	[dreg:$0x4] =	wrdreg s7;
	s0 =	smax.u32 s0, $0x1;
	s2 =	sor.u32 s20, s2  }
0xe: {  	s16 =	simm.s32 $0x7;
	[dreg:$0xd] =	wrdreg s0;
	s2 =	sadd.s32 s1, s2  }
0xf: {  	s29 =	simm.s32 $0xD;
	s22 =	sadd.s32 $0x80, s2;
	[dreg:$0x5] =	wrdreg s2  }
0x10: {  	s6 =	sadd.s32 $0x400, s3;
	s23 =	sadd.s32 $0x100, s2;
	[dreg:$0x6] =	wrdreg s22  }
0x11: {  	s3 =	simm.s32 $0x0;
	s24 =	sadd.s32 $0x180, s2;
	[dreg:$0x7] =	wrdreg s23  }
0x12: {  	s8 =	sadd.s32 $0xC8, s7;
	s25 =	sadd.s32 $0x200, s2;
	[dreg:$0x8] =	wrdreg s24  }
0x13: {  	s7 =	simm.s32 $0xC;
	s26 =	sadd.s32 $0x280, s2;
	[dreg:$0x9] =	wrdreg s25  }
0x14: {  	v0 =	vlaneseq.u32;
	s0 =	simm.s32 $0x9;
	s28 =	sadd.s32 $0x300, s2;
	[dreg:$0xa] =	wrdreg s26  }
0x15: {  	v1 =	vmul.u32 $0x80, v0;
	s5 =	simm.s32 $0xE;
	s2 =	sadd.s32 $0x380, s2;
	[dreg:$0xb] =	wrdreg s28  }
0x16: {  	v2 =	vor.u32 $0x10, v0;
	v4 =	vor.u32 $0x20, v0;
	v6 =	vor.u32 $0x30, v0;
	s19 =	simm.s32 $0xF;
	s20 =	simm.s32 $0x10;
	[dreg:$0xc] =	wrdreg s2  }
0x17: {  	v3 =	vor.u32 $0x800, v1;
	v5 =	vor.u32 $0x1000, v1;
	v7 =	vor.u32 $0x1800, v1;
	s25 =	simm.s32 $0x400;
	s24 =	simm.s32 $0x16400;
	s26 =	simm.s32 $0x8  }
.LBB2_1:
0x18: {  	[dreg:$0xe] =	wrdreg s3  }
0x19: {  	s2 =	simm.s32 $0x0;
	s28 =	rddreg [dreg:$0x5]  }
0x1a: {  	[tilespmem:s2], [sflag:$0x1] =	stream.linear.gather [hbm4b:s28+s2], $0x80, $0x38;
	[tilespmem:$0x18400] =	vst v63  }
0x1b: {  	s4 =	rddreg [dreg:$0x6]  }
0x1c: {  	[tilespmem:s17], [sflag:$0x2] =	stream.linear.gather [hbm4b:s4+s2], $0x80, $0x38;
	[tilespmem:$0x18400] =	vst v63  }
0x1d: {  	s21 =	rddreg [dreg:$0x7];
	s4 =	simm.s32 $0x100  }
0x1e: {  	[tilespmem:s4], [sflag:$0x3] =	stream.linear.gather [hbm4b:s21+s2], $0x80, $0x38;
	[tilespmem:$0x18400] =	vst v63  }
0x1f: {  	s22 =	rddreg [dreg:$0x8];
	s21 =	simm.s32 $0x180  }
0x20: {  	[tilespmem:s21], [sflag:$0x4] =	stream.linear.gather [hbm4b:s22+s2], $0x80, $0x38;
	[tilespmem:$0x18400] =	vst v63  }
0x21: {  	s23 =	rddreg [dreg:$0x9];
	s28 =	simm.s32 $0x200  }
0x22: {  	[tilespmem:s28], [sflag:$0x5] =	stream.linear.gather [hbm4b:s23+s2], $0x80, $0x38;
	[tilespmem:$0x18400] =	vst v63  }
0x23: {  	s21 =	rddreg [dreg:$0xa];
	s22 =	simm.s32 $0x280  }
0x24: {  	[tilespmem:s22], [sflag:$0x6] =	stream.linear.gather [hbm4b:s21+s2], $0x80, $0x38;
	[tilespmem:$0x18400] =	vst v63  }
0x25: {  	s23 =	rddreg [dreg:$0xb];
	s28 =	simm.s32 $0x300  }
0x26: {  	[tilespmem:s28], [sflag:$0x7] =	stream.linear.gather [hbm4b:s23+s2], $0x80, $0x38;
	[tilespmem:$0x18400] =	vst v63  }
0x27: {  	s22 =	rddreg [dreg:$0xc];
	s23 =	simm.s32 $0x380;
	s28 =	simm.s32 $0x1  }
0x28: {  	[tilespmem:s23], [sflag:$0x8] =	stream.linear.gather [hbm4b:s22+s2], $0x80, $0x38;
	[tilespmem:$0x18400] =	vst v63  }
0x29: {  	_ =	swait.ge [sflag:s28], $0x80  }
0x2a: {  	[sflag:s28] =	ssyncset.done $0x0  }
0x2b: {  	s21 =	simm.s32 $0x2;
	[sflag:s28] =	ssyncadd.s32 $0xFFFFFF80  }
0x2c: {  	[tilespmem:s25], [sflag:$0x9] =	stream.indirect.gather [hbm4b:s6+s17], $0x80, s2, s17, $0xb8;
	[tilespmem:$0x18400] =	vst v63  }
0x2d: {  	_ =	swait.ge [sflag:s21], $0x80  }
0x2e: {  	[sflag:s21] =	ssyncset.done $0x0  }
0x2f: {  	s22 =	simm.s32 $0x4400;
	s23 =	simm.s32 $0x3;
	[sflag:s21] =	ssyncadd.s32 $0xFFFFFF80  }
0x30: {  	[tilespmem:s22], [sflag:$0xA] =	stream.indirect.gather [hbm4b:s6+s17], $0x80, s17, s17, $0xb8;
	[tilespmem:$0x18400] =	vst v63  }
0x31: {  	_ =	swait.ge [sflag:s23], $0x80  }
0x32: {  	[sflag:s23] =	ssyncset.done $0x0  }
0x33: {  	s28 =	simm.s32 $0x8400;
	s21 =	simm.s32 $0x0;
	[sflag:s23] =	ssyncadd.s32 $0xFFFFFF80  }
0x34: {  	[tilespmem:s28], [sflag:$0xB] =	stream.indirect.gather [hbm4b:s6+s17], $0x80, s4, s17, $0xb8;
	[tilespmem:$0x18400] =	vst v63  }
.LBB2_2:
0x35: {  	s4 =	simm.s32 $0x4  }
0x36: {  	_ =	swait.ge [sflag:s4], $0x80  }
0x37: {  	s2 =	sshll.u32 s21, $0x3;
	[sflag:s4] =	ssyncset.done $0x0;
	s3 =	rddreg [dreg:$0x4]  }
0x38: {  	s23 =	simm.s32 $0x180;
	s22 =	sadd.s32 s3, s2;
	[sflag:s4] =	ssyncadd.s32 $0xFFFFFF80  }
0x39: {  	[tilespmem:s31], [sflag:$0xC] =	stream.indirect.gather [hbm4b:s6+s17], $0x80, s23, s17, $0xb8;
	[tilespmem:$0x18400] =	vst v63  }
0x3a: {  	s2 =	sadd.s32 $0x8, s22  }
0x3b: {  	p0 =	sge.u32 s2, s8  }
0x3c: {  	s3 =	sshll.u32 @!p0 s2, $0x7;
	s4 =	sshll.u32 @!p0 s2, $0xA  }
0x3d: {  	s2 =	sshll.u32 @!p0 s2, $0x2;
	s3 =	sand.u32 @!p0 $0x7FFF8000, s3;
	s4 =	sand.u32 @!p0 $0x6000, s4  }
0x3e: {  	s2 =	sand.u32 @!p0 $0x380, s2;
	s3 =	sor.u32 @!p0 s4, s3  }
0x3f: {  	_ =	swait.ge [sflag:s0], $0x4000;
	s2 =	sor.u32 @!p0 s2, s3  }
0x40: {  	p3 =	seq.s32 s21, $0x0;
	[sflag:s0] =	ssyncset.done $0x0;
	s2 =	sshrl.u32 @!p0 s2, $0x3  }
0x41: {  	[sflag:s0] =	ssyncadd.s32 $0xFFFFC000;
	s3 =	simm.s32 @!p0 $0x0;
	s2 =	sadd.s32 @!p0 s1, s2  }
0x42: {  	[tilespmem:s3], [sflag:$0x1] =	stream.linear.gather @!p0 [hbm4b:s2+s3], $0x80, $0x38;
	[tilespmem:$0x18400] =	vst v63  }
0x43: {  	s2 =	simm.s32 @!p3 $0xD  }
0x44: {  	_ =	swait.ge @!p3 [sflag:s2], $0x2000  }
0x45: {  	[sflag:s2] =	ssyncset.done @!p3 $0x0  }
0x46: {  	s28 =	simm.s32 $0x0;
	s23 =	simm.s32 $0x0;
	[sflag:s2] =	ssyncadd.s32 @!p3 $0xFFFFE000  }
.LBB2_3:
0x47: {  	v8 =	vadd.s32 s23, v0  }
0x48: {  	v9 =	vand.u32 $0xF, v8  }
0x49: {  	s2 =	sshll.u32 s28, $0x4;
	v10 =	vshll.u32 v9, $0x7  }
0x4a: {  	v8 =	vmov s2;
	v11 =	vor.u32 v0, v10  }
0x4b: {  	v8 =	vand.u32 $0x70, v8  }
0x4c: {  	s4 =	sshll.u32 s28, $0xB;
	v8 =	vbroadcast v8, $0x0  }
0x4d: {  	s2 =	sand.u32 $0x3FFFF800, s4  }
0x4e: {  	s3 =	sor.u32 $0x400, s2;
	v9 =	vor.u32 v8, v9  }
0x4f: {  	v12 =	vor.u32 v1, v9;
	v11 =	vld.idx.msk [tilespmem:v11+s3+$0x0], $0xffff  }
0x50: {  	v13 =	vor.u32 v2, v10;
	_ =	sdelay $0x3  }
0x51: {  	[tilespmem:v12+s18+$0x0] =	vst.idx.msk $0xffff, v11  }
0x52: {  	v61 =	vor.u32 v3, v9;
	v11 =	vld.idx.msk [tilespmem:v13+s3+$0x0], $0xffff  }
0x53: {  	v62 =	vor.u32 v4, v10;
	_ =	sdelay $0x3  }
0x54: {  	[tilespmem:v61+s18+$0x0] =	vst.idx.msk $0xffff, v11  }
0x55: {  	v63 =	vor.u32 v5, v9;
	v12 =	vld.idx.msk [tilespmem:v62+s3+$0x0], $0xffff  }
0x56: {  	v10 =	vor.u32 v6, v10;
	_ =	sdelay $0x2  }
0x57: {  	s31 =	simm.s32 $0x1  }
0x58: {  	s4 =	simm.s32 $0x2;
	v11 =	vadd.s32 s31, v0;
	[tilespmem:v63+s18+$0x0] =	vst.idx.msk $0xffff, v12  }
.LBB2_4:
0x59: {  	p1 =	sne.s32 s4, $0xF;
	v11 =	vand.u32 $0xF, v11;
	v10 =	vld.idx.msk [tilespmem:v10+s3+$0x0], $0xffff  }
0x5a: {  	v9 =	vor.u32 v7, v9;
	v12 =	vshll.u32 v11, $0x7  }
0x5b: {  	v13 =	vor.u32 v0, v12;
	_ =	sdelay $0x3  }
0x5c: {  	[tilespmem:v9+s18+$0x0] =	vst.idx.msk $0xffff, v10  }
0x5d: {  	v9 =	vor.u32 v8, v11;
	v10 =	vld.idx.msk [tilespmem:v13+s3+$0x0], $0xffff  }
0x5e: {  	v11 =	vor.u32 v1, v9  }
0x5f: {  	v13 =	vor.u32 v2, v12;
	_ =	sdelay $0x3  }
0x60: {  	[tilespmem:v11+s18+$0x0] =	vst.idx.msk $0xffff, v10  }
0x61: {  	v10 =	vld.idx.msk [tilespmem:v13+s3+$0x0], $0xffff  }
0x62: {  	v11 =	vor.u32 v3, v9  }
0x63: {  	v13 =	vor.u32 v4, v12;
	_ =	sdelay $0x3  }
0x64: {  	[tilespmem:v11+s18+$0x0] =	vst.idx.msk $0xffff, v10  }
0x65: {  	v13 =	vld.idx.msk [tilespmem:v13+s3+$0x0], $0xffff  }
0x66: {  	v14 =	vor.u32 v5, v9  }
.Ltmp0:
0x67: {  	v10 =	vor.u32 v6, v12;
	(pc) =	sbr.rel @p1 .LBB2_4-.Ltmp0, $2  }
0x68: {  	_ =	sdelay $0x2  }
0x69: {  	v11 =	vadd.s32 s4, v0;
	s4 =	sadd.s32 $0x1, s4;
	[tilespmem:v14+s18+$0x0] =	vst.idx.msk $0xffff, v13  }
0x6a: {  	_ =	sdelay $0x2  }
0x6b: {  	v11 =	vand.u32 $0xF, v11  }
0x6c: {  	v10 =	vld.idx.msk [tilespmem:v10+s3+$0x0], $0xffff;
	v9 =	vor.u32 v7, v9;
	v12 =	vshll.u32 v11, $0x7  }
0x6d: {  	v13 =	vor.u32 v0, v12;
	_ =	sdelay $0x3  }
0x6e: {  	v8 =	vor.u32 v8, v11;
	[tilespmem:v9+s18+$0x0] =	vst.idx.msk $0xffff, v10  }
0x6f: {  	v58 =	vor.u32 v1, v8;
	v9 =	vld.idx.msk [tilespmem:v13+s3+$0x0], $0xffff  }
0x70: {  	v59 =	vor.u32 v2, v12;
	_ =	sdelay $0x3  }
0x71: {  	[tilespmem:v58+s18+$0x0] =	vst.idx.msk $0xffff, v9  }
0x72: {  	v60 =	vor.u32 v3, v8;
	v9 =	vld.idx.msk [tilespmem:v59+s3+$0x0], $0xffff  }
0x73: {  	v61 =	vor.u32 v4, v12;
	_ =	sdelay $0x3  }
0x74: {  	[tilespmem:v60+s18+$0x0] =	vst.idx.msk $0xffff, v9  }
0x75: {  	v62 =	vor.u32 v5, v8;
	v9 =	vld.idx.msk [tilespmem:v61+s3+$0x0], $0xffff  }
0x76: {  	v63 =	vor.u32 v6, v12;
	_ =	sdelay $0x3  }
0x77: {  	s28 =	sadd.s32 $0x1, s28;
	[tilespmem:v62+s18+$0x0] =	vst.idx.msk $0xffff, v9  }
0x78: {  	p1 =	sne.s32 s28, $0x8;
	v8 =	vor.u32 v7, v8;
	v9 =	vld.idx.msk [tilespmem:v63+s3+$0x0], $0xffff  }
.Ltmp1:
0x79: {  	_ = 	snop;
	(pc) =	sbr.rel @p1 .LBB2_3-.Ltmp1, $2  }
0x7a: {  	_ =	sdelay $0x2  }
0x7b: {  	[tilespmem:v8+s18+$0x0] =	vst.idx.msk $0xffff, v9  }
0x7c: {  	s2 =	sshll.u32 s22, $0x7  }
0x7d: {  	s3 =	sshll.u32 s22, $0xA;
	s23 =	sand.u32 $0xC00, s2  }
0x7e: {  	s28 =	sand.u32 $0xFFF8000, s3;
	s2 =	sadd.s32 s30, s23  }
0x7f: {  	s2 =	sadd.s32 s28, s2  }
0x80: {  	[hbm4b:s2+s25] =	stream.strided.scatter [tilespmem:s18], [sflag:$0xD], $0x2000, s9, s25, $0x38;
	[tilespmem:$0x18400] =	vst v63  }
0x81: {  	_ =	swait.ge [sflag:s10], $0x80  }
0x82: {  	s2 =	sadd.s32 $0x9, s22;
	[sflag:s10] =	ssyncset.done $0x0  }
0x83: {  	s4 =	simm.s32 $0x200;
	p2 =	sge.u32 s2, s8;
	[sflag:s10] =	ssyncadd.s32 $0xFFFFFF80  }
0x84: {  	[tilespmem:s25], [sflag:$0x9] =	stream.indirect.gather [hbm4b:s6+s17], $0x80, s4, s17, $0xb8;
	[tilespmem:$0x18400] =	vst v63  }
0x85: {  	s3 =	sshll.u32 @!p2 s2, $0x7;
	s4 =	sshll.u32 @!p2 s2, $0xA  }
0x86: {  	s3 =	sand.u32 @!p2 $0x7FFF8000, s3;
	s2 =	sshll.u32 @!p2 s2, $0x2;
	s4 =	sand.u32 @!p2 $0x6400, s4  }
0x87: {  	s2 =	sand.u32 @!p2 $0x380, s2;
	s3 =	sor.u32 @!p2 s4, s3  }
0x88: {  	_ =	swait.ge [sflag:s11], $0x4000;
	s2 =	sor.u32 @!p2 s2, s3  }
0x89: {  	[sflag:s11] =	ssyncset.done $0x0;
	s4 =	simm.s32 @!p2 $0x80;
	s2 =	sshrl.u32 @!p2 s2, $0x3  }
0x8a: {  	[sflag:s11] =	ssyncadd.s32 $0xFFFFC000;
	s3 =	simm.s32 @!p2 $0x0;
	s2 =	sadd.s32 @!p2 s1, s2  }
0x8b: {  	[tilespmem:s4], [sflag:$0x2] =	stream.linear.gather @!p2 [hbm4b:s2+s3], $0x80, $0x38;
	[tilespmem:$0x18400] =	vst v63  }
0x8c: {  	s2 =	simm.s32 @!p3 $0xE  }
0x8d: {  	_ =	swait.ge @!p3 [sflag:s2], $0x2000  }
0x8e: {  	s31 =	smov.u32 s30;
	[sflag:s2] =	ssyncset.done @!p3 $0x0  }
0x8f: {  	s30 =	simm.s32 $0x0;
	s3 =	simm.s32 $0x0;
	[sflag:s2] =	ssyncadd.s32 @!p3 $0xFFFFE000  }
.LBB2_7:
0x90: {  	v8 =	vadd.s32 s30, v0  }
0x91: {  	v9 =	vand.u32 $0xF, v8  }
0x92: {  	s2 =	sshll.u32 s3, $0x4;
	v10 =	vshll.u32 v9, $0x7  }
0x93: {  	v8 =	vmov s2;
	v11 =	vor.u32 v0, v10  }
0x94: {  	v8 =	vand.u32 $0x70, v8  }
0x95: {  	s4 =	sshll.u32 s3, $0xB;
	v8 =	vbroadcast v8, $0x0  }
0x96: {  	s2 =	sand.u32 $0x3FFFF800, s4  }
0x97: {  	s4 =	sadd.s32 $0x4400, s2;
	v9 =	vor.u32 v8, v9  }
0x98: {  	v12 =	vor.u32 v1, v9;
	v11 =	vld.idx.msk [tilespmem:v11+s4+$0x0], $0xffff  }
0x99: {  	v13 =	vor.u32 v2, v10;
	_ =	sdelay $0x3  }
0x9a: {  	[tilespmem:v12+s12+$0x0] =	vst.idx.msk $0xffff, v11  }
0x9b: {  	v61 =	vor.u32 v3, v9;
	v11 =	vld.idx.msk [tilespmem:v13+s4+$0x0], $0xffff  }
0x9c: {  	v62 =	vor.u32 v4, v10;
	_ =	sdelay $0x3  }
0x9d: {  	[tilespmem:v61+s12+$0x0] =	vst.idx.msk $0xffff, v11  }
0x9e: {  	v63 =	vor.u32 v5, v9;
	v12 =	vld.idx.msk [tilespmem:v62+s4+$0x0], $0xffff  }
0x9f: {  	v10 =	vor.u32 v6, v10;
	_ =	sdelay $0x2  }
0xa0: {  	s2 =	simm.s32 $0x1  }
0xa1: {  	v11 =	vadd.s32 s2, v0;
	s2 =	simm.s32 $0x2;
	[tilespmem:v63+s12+$0x0] =	vst.idx.msk $0xffff, v12  }
.LBB2_8:
0xa2: {  	p1 =	sne.s32 s2, $0xF;
	v11 =	vand.u32 $0xF, v11;
	v10 =	vld.idx.msk [tilespmem:v10+s4+$0x0], $0xffff  }
0xa3: {  	v9 =	vor.u32 v7, v9;
	v12 =	vshll.u32 v11, $0x7  }
0xa4: {  	v13 =	vor.u32 v0, v12;
	_ =	sdelay $0x3  }
0xa5: {  	[tilespmem:v9+s12+$0x0] =	vst.idx.msk $0xffff, v10  }
0xa6: {  	v9 =	vor.u32 v8, v11;
	v10 =	vld.idx.msk [tilespmem:v13+s4+$0x0], $0xffff  }
0xa7: {  	v11 =	vor.u32 v1, v9  }
0xa8: {  	v13 =	vor.u32 v2, v12;
	_ =	sdelay $0x3  }
0xa9: {  	[tilespmem:v11+s12+$0x0] =	vst.idx.msk $0xffff, v10  }
0xaa: {  	v10 =	vld.idx.msk [tilespmem:v13+s4+$0x0], $0xffff  }
0xab: {  	v11 =	vor.u32 v3, v9  }
0xac: {  	v13 =	vor.u32 v4, v12;
	_ =	sdelay $0x3  }
0xad: {  	[tilespmem:v11+s12+$0x0] =	vst.idx.msk $0xffff, v10  }
0xae: {  	v13 =	vld.idx.msk [tilespmem:v13+s4+$0x0], $0xffff  }
0xaf: {  	v14 =	vor.u32 v5, v9  }
.Ltmp2:
0xb0: {  	v10 =	vor.u32 v6, v12;
	(pc) =	sbr.rel @p1 .LBB2_8-.Ltmp2, $2  }
0xb1: {  	_ =	sdelay $0x2  }
0xb2: {  	v11 =	vadd.s32 s2, v0;
	s2 =	sadd.s32 $0x1, s2;
	[tilespmem:v14+s12+$0x0] =	vst.idx.msk $0xffff, v13  }
0xb3: {  	_ =	sdelay $0x2  }
0xb4: {  	v11 =	vand.u32 $0xF, v11  }
0xb5: {  	v10 =	vld.idx.msk [tilespmem:v10+s4+$0x0], $0xffff;
	v9 =	vor.u32 v7, v9;
	v12 =	vshll.u32 v11, $0x7  }
0xb6: {  	v13 =	vor.u32 v0, v12;
	_ =	sdelay $0x3  }
0xb7: {  	v8 =	vor.u32 v8, v11;
	[tilespmem:v9+s12+$0x0] =	vst.idx.msk $0xffff, v10  }
0xb8: {  	v58 =	vor.u32 v1, v8;
	v9 =	vld.idx.msk [tilespmem:v13+s4+$0x0], $0xffff  }
0xb9: {  	v59 =	vor.u32 v2, v12;
	_ =	sdelay $0x3  }
0xba: {  	[tilespmem:v58+s12+$0x0] =	vst.idx.msk $0xffff, v9  }
0xbb: {  	v60 =	vor.u32 v3, v8;
	v9 =	vld.idx.msk [tilespmem:v59+s4+$0x0], $0xffff  }
0xbc: {  	v61 =	vor.u32 v4, v12;
	_ =	sdelay $0x3  }
0xbd: {  	[tilespmem:v60+s12+$0x0] =	vst.idx.msk $0xffff, v9  }
0xbe: {  	v62 =	vor.u32 v5, v8;
	v9 =	vld.idx.msk [tilespmem:v61+s4+$0x0], $0xffff  }
0xbf: {  	v63 =	vor.u32 v6, v12;
	_ =	sdelay $0x3  }
0xc0: {  	s3 =	sadd.s32 $0x1, s3;
	[tilespmem:v62+s12+$0x0] =	vst.idx.msk $0xffff, v9  }
0xc1: {  	p1 =	sne.s32 s3, $0x8;
	v8 =	vor.u32 v7, v8;
	v9 =	vld.idx.msk [tilespmem:v63+s4+$0x0], $0xffff  }
.Ltmp3:
0xc2: {  	_ = 	snop;
	(pc) =	sbr.rel @p1 .LBB2_7-.Ltmp3, $2  }
0xc3: {  	_ =	sdelay $0x2  }
0xc4: {  	[tilespmem:v8+s12+$0x0] =	vst.idx.msk $0xffff, v9  }
0xc5: {  	s2 =	sadd.s32 s31, s28  }
0xc6: {  	s23 =	sadd.s32 s23, s2  }
0xc7: {  	s2 =	sadd.s32 $0x80, s23  }
0xc8: {  	[hbm4b:s2+s25] =	stream.strided.scatter [tilespmem:s12], [sflag:$0xE], $0x2000, s9, s25, $0x38;
	[tilespmem:$0x18400] =	vst v63  }
0xc9: {  	_ =	swait.ge [sflag:s13], $0x80  }
0xca: {  	s4 =	simm.s32 $0x280;
	s2 =	sadd.s32 $0xA, s22;
	[sflag:s13] =	ssyncset.done $0x0  }
0xcb: {  	s3 =	simm.s32 $0x4400;
	p1 =	sge.u32 s2, s8;
	[sflag:s13] =	ssyncadd.s32 $0xFFFFFF80  }
0xcc: {  	[tilespmem:s3], [sflag:$0xA] =	stream.indirect.gather [hbm4b:s6+s17], $0x80, s4, s17, $0xb8;
	[tilespmem:$0x18400] =	vst v63  }
0xcd: {  	s3 =	sshll.u32 @!p1 s2, $0x7;
	s4 =	sshll.u32 @!p1 s2, $0xA  }
0xce: {  	s2 =	sshll.u32 @!p1 s2, $0x2;
	s3 =	sand.u32 @!p1 $0x7FFF8000, s3;
	s4 =	sand.u32 @!p1 $0x6800, s4  }
0xcf: {  	s2 =	sand.u32 @!p1 $0x380, s2;
	s3 =	sor.u32 @!p1 s4, s3  }
0xd0: {  	_ =	swait.ge [sflag:s14], $0x4000;
	s2 =	sor.u32 @!p1 s2, s3  }
0xd1: {  	[sflag:s14] =	ssyncset.done $0x0;
	s4 =	simm.s32 @!p1 $0x100;
	s2 =	sshrl.u32 @!p1 s2, $0x3  }
0xd2: {  	[sflag:s14] =	ssyncadd.s32 $0xFFFFC000;
	s3 =	simm.s32 @!p1 $0x0;
	s2 =	sadd.s32 @!p1 s1, s2  }
0xd3: {  	[tilespmem:s4], [sflag:$0x3] =	stream.linear.gather @!p1 [hbm4b:s2+s3], $0x80, $0x38;
	[tilespmem:$0x18400] =	vst v63  }
0xd4: {  	s2 =	simm.s32 @!p3 $0xF  }
0xd5: {  	_ =	swait.ge @!p3 [sflag:s2], $0x2000  }
0xd6: {  	s30 =	smov.u32 s31;
	s28 =	simm.s32 $0x0;
	[sflag:s2] =	ssyncset.done @!p3 $0x0  }
0xd7: {  	s31 =	simm.s32 $0xC400;
	s3 =	simm.s32 $0x0;
	[sflag:s2] =	ssyncadd.s32 @!p3 $0xFFFFE000  }
.LBB2_11:
0xd8: {  	v8 =	vadd.s32 s28, v0  }
0xd9: {  	v9 =	vand.u32 $0xF, v8  }
0xda: {  	s2 =	sshll.u32 s3, $0x4;
	v10 =	vshll.u32 v9, $0x7  }
0xdb: {  	v8 =	vmov s2;
	v11 =	vor.u32 v0, v10  }
0xdc: {  	v8 =	vand.u32 $0x70, v8  }
0xdd: {  	s4 =	sshll.u32 s3, $0xB;
	v8 =	vbroadcast v8, $0x0  }
0xde: {  	s2 =	sand.u32 $0x3FFFF800, s4  }
0xdf: {  	s4 =	sadd.s32 $0x8400, s2;
	v9 =	vor.u32 v8, v9  }
0xe0: {  	v12 =	vor.u32 v1, v9;
	v11 =	vld.idx.msk [tilespmem:v11+s4+$0x0], $0xffff  }
0xe1: {  	v13 =	vor.u32 v2, v10;
	_ =	sdelay $0x3  }
0xe2: {  	[tilespmem:v12+s15+$0x0] =	vst.idx.msk $0xffff, v11  }
0xe3: {  	v61 =	vor.u32 v3, v9;
	v11 =	vld.idx.msk [tilespmem:v13+s4+$0x0], $0xffff  }
0xe4: {  	v62 =	vor.u32 v4, v10;
	_ =	sdelay $0x3  }
0xe5: {  	[tilespmem:v61+s15+$0x0] =	vst.idx.msk $0xffff, v11  }
0xe6: {  	v63 =	vor.u32 v5, v9;
	v12 =	vld.idx.msk [tilespmem:v62+s4+$0x0], $0xffff  }
0xe7: {  	v10 =	vor.u32 v6, v10;
	_ =	sdelay $0x2  }
0xe8: {  	s2 =	simm.s32 $0x1  }
0xe9: {  	v11 =	vadd.s32 s2, v0;
	s2 =	simm.s32 $0x2;
	[tilespmem:v63+s15+$0x0] =	vst.idx.msk $0xffff, v12  }
.LBB2_12:
0xea: {  	p4 =	sne.s32 s2, $0xF;
	v11 =	vand.u32 $0xF, v11;
	v10 =	vld.idx.msk [tilespmem:v10+s4+$0x0], $0xffff  }
0xeb: {  	v9 =	vor.u32 v7, v9;
	v12 =	vshll.u32 v11, $0x7  }
0xec: {  	v13 =	vor.u32 v0, v12;
	_ =	sdelay $0x3  }
0xed: {  	[tilespmem:v9+s15+$0x0] =	vst.idx.msk $0xffff, v10  }
0xee: {  	v9 =	vor.u32 v8, v11;
	v10 =	vld.idx.msk [tilespmem:v13+s4+$0x0], $0xffff  }
0xef: {  	v11 =	vor.u32 v1, v9  }
0xf0: {  	v13 =	vor.u32 v2, v12;
	_ =	sdelay $0x3  }
0xf1: {  	[tilespmem:v11+s15+$0x0] =	vst.idx.msk $0xffff, v10  }
0xf2: {  	v10 =	vld.idx.msk [tilespmem:v13+s4+$0x0], $0xffff  }
0xf3: {  	v11 =	vor.u32 v3, v9  }
0xf4: {  	v13 =	vor.u32 v4, v12;
	_ =	sdelay $0x3  }
0xf5: {  	[tilespmem:v11+s15+$0x0] =	vst.idx.msk $0xffff, v10  }
0xf6: {  	v13 =	vld.idx.msk [tilespmem:v13+s4+$0x0], $0xffff  }
0xf7: {  	v14 =	vor.u32 v5, v9  }
.Ltmp4:
0xf8: {  	v10 =	vor.u32 v6, v12;
	(pc) =	sbr.rel @p4 .LBB2_12-.Ltmp4, $2  }
0xf9: {  	_ =	sdelay $0x2  }
0xfa: {  	v11 =	vadd.s32 s2, v0;
	s2 =	sadd.s32 $0x1, s2;
	[tilespmem:v14+s15+$0x0] =	vst.idx.msk $0xffff, v13  }
0xfb: {  	_ =	sdelay $0x2  }
0xfc: {  	v11 =	vand.u32 $0xF, v11  }
0xfd: {  	v10 =	vld.idx.msk [tilespmem:v10+s4+$0x0], $0xffff;
	v9 =	vor.u32 v7, v9;
	v12 =	vshll.u32 v11, $0x7  }
0xfe: {  	v13 =	vor.u32 v0, v12;
	_ =	sdelay $0x3  }
0xff: {  	v8 =	vor.u32 v8, v11;
	[tilespmem:v9+s15+$0x0] =	vst.idx.msk $0xffff, v10  }
0x100: {  	v58 =	vor.u32 v1, v8;
	v9 =	vld.idx.msk [tilespmem:v13+s4+$0x0], $0xffff  }
0x101: {  	v59 =	vor.u32 v2, v12;
	_ =	sdelay $0x3  }
0x102: {  	[tilespmem:v58+s15+$0x0] =	vst.idx.msk $0xffff, v9  }
0x103: {  	v60 =	vor.u32 v3, v8;
	v9 =	vld.idx.msk [tilespmem:v59+s4+$0x0], $0xffff  }
0x104: {  	v61 =	vor.u32 v4, v12;
	_ =	sdelay $0x3  }
0x105: {  	[tilespmem:v60+s15+$0x0] =	vst.idx.msk $0xffff, v9  }
0x106: {  	v62 =	vor.u32 v5, v8;
	v9 =	vld.idx.msk [tilespmem:v61+s4+$0x0], $0xffff  }
0x107: {  	v63 =	vor.u32 v6, v12;
	_ =	sdelay $0x3  }
0x108: {  	s3 =	sadd.s32 $0x1, s3;
	[tilespmem:v62+s15+$0x0] =	vst.idx.msk $0xffff, v9  }
0x109: {  	p4 =	sne.s32 s3, $0x8;
	v8 =	vor.u32 v7, v8;
	v9 =	vld.idx.msk [tilespmem:v63+s4+$0x0], $0xffff  }
.Ltmp5:
0x10a: {  	_ = 	snop;
	(pc) =	sbr.rel @p4 .LBB2_11-.Ltmp5, $2  }
0x10b: {  	_ =	sdelay $0x2  }
0x10c: {  	[tilespmem:v8+s15+$0x0] =	vst.idx.msk $0xffff, v9  }
0x10d: {  	s2 =	sadd.s32 $0x100, s23  }
0x10e: {  	[hbm4b:s2+s25] =	stream.strided.scatter [tilespmem:s15], [sflag:$0xF], $0x2000, s9, s25, $0x38;
	[tilespmem:$0x18400] =	vst v63  }
0x10f: {  	_ =	swait.ge [sflag:s16], $0x80  }
0x110: {  	s4 =	simm.s32 $0x300;
	s2 =	sadd.s32 $0xB, s22;
	[sflag:s16] =	ssyncset.done $0x0  }
0x111: {  	s3 =	simm.s32 $0x8400;
	p4 =	sge.u32 s2, s8;
	[sflag:s16] =	ssyncadd.s32 $0xFFFFFF80  }
0x112: {  	[tilespmem:s3], [sflag:$0xB] =	stream.indirect.gather [hbm4b:s6+s17], $0x80, s4, s17, $0xb8;
	[tilespmem:$0x18400] =	vst v63  }
0x113: {  	s3 =	sshll.u32 @!p4 s2, $0x7;
	s4 =	sshll.u32 @!p4 s2, $0xA  }
0x114: {  	s2 =	sshll.u32 @!p4 s2, $0x2;
	s3 =	sand.u32 @!p4 $0x7FFF8000, s3;
	s4 =	sand.u32 @!p4 $0x6C00, s4  }
0x115: {  	s2 =	sand.u32 @!p4 $0x380, s2;
	s3 =	sor.u32 @!p4 s4, s3  }
0x116: {  	_ =	swait.ge [sflag:s7], $0x4000;
	s2 =	sor.u32 @!p4 s2, s3  }
0x117: {  	[sflag:s7] =	ssyncset.done $0x0;
	s4 =	simm.s32 @!p4 $0x180;
	s2 =	sshrl.u32 @!p4 s2, $0x3  }
0x118: {  	[sflag:s7] =	ssyncadd.s32 $0xFFFFC000;
	s3 =	simm.s32 @!p4 $0x0;
	s2 =	sadd.s32 @!p4 s1, s2  }
0x119: {  	[tilespmem:s4], [sflag:$0x4] =	stream.linear.gather @!p4 [hbm4b:s2+s3], $0x80, $0x38;
	[tilespmem:$0x18400] =	vst v63  }
0x11a: {  	s2 =	simm.s32 @!p3 $0x10  }
0x11b: {  	_ =	swait.ge @!p3 [sflag:s2], $0x2000  }
0x11c: {  	[sflag:s2] =	ssyncset.done @!p3 $0x0  }
0x11d: {  	s28 =	simm.s32 $0x0;
	s3 =	simm.s32 $0x0;
	[sflag:s2] =	ssyncadd.s32 @!p3 $0xFFFFE000  }
.LBB2_15:
0x11e: {  	v8 =	vadd.s32 s28, v0  }
0x11f: {  	v9 =	vand.u32 $0xF, v8  }
0x120: {  	s2 =	sshll.u32 s3, $0x4;
	v10 =	vshll.u32 v9, $0x7  }
0x121: {  	v8 =	vmov s2;
	v11 =	vor.u32 v0, v10  }
0x122: {  	v8 =	vand.u32 $0x70, v8  }
0x123: {  	s4 =	sshll.u32 s3, $0xB;
	v8 =	vbroadcast v8, $0x0  }
0x124: {  	s2 =	sand.u32 $0x3FFFF800, s4  }
0x125: {  	s4 =	sadd.s32 $0xC400, s2;
	v9 =	vor.u32 v8, v9  }
0x126: {  	v12 =	vor.u32 v1, v9;
	v11 =	vld.idx.msk [tilespmem:v11+s4+$0x0], $0xffff  }
0x127: {  	v13 =	vor.u32 v2, v10;
	_ =	sdelay $0x3  }
0x128: {  	[tilespmem:v12+s24+$0x0] =	vst.idx.msk $0xffff, v11  }
0x129: {  	v61 =	vor.u32 v3, v9;
	v11 =	vld.idx.msk [tilespmem:v13+s4+$0x0], $0xffff  }
0x12a: {  	v62 =	vor.u32 v4, v10;
	_ =	sdelay $0x3  }
0x12b: {  	[tilespmem:v61+s24+$0x0] =	vst.idx.msk $0xffff, v11  }
0x12c: {  	v63 =	vor.u32 v5, v9;
	v12 =	vld.idx.msk [tilespmem:v62+s4+$0x0], $0xffff  }
0x12d: {  	v10 =	vor.u32 v6, v10;
	_ =	sdelay $0x2  }
0x12e: {  	s2 =	simm.s32 $0x1  }
0x12f: {  	v11 =	vadd.s32 s2, v0;
	s2 =	simm.s32 $0x2;
	[tilespmem:v63+s24+$0x0] =	vst.idx.msk $0xffff, v12  }
.LBB2_16:
0x130: {  	p3 =	sne.s32 s2, $0xF;
	v11 =	vand.u32 $0xF, v11;
	v10 =	vld.idx.msk [tilespmem:v10+s4+$0x0], $0xffff  }
0x131: {  	v9 =	vor.u32 v7, v9;
	v12 =	vshll.u32 v11, $0x7  }
0x132: {  	v13 =	vor.u32 v0, v12;
	_ =	sdelay $0x3  }
0x133: {  	[tilespmem:v9+s24+$0x0] =	vst.idx.msk $0xffff, v10  }
0x134: {  	v9 =	vor.u32 v8, v11;
	v10 =	vld.idx.msk [tilespmem:v13+s4+$0x0], $0xffff  }
0x135: {  	v11 =	vor.u32 v1, v9  }
0x136: {  	v13 =	vor.u32 v2, v12;
	_ =	sdelay $0x3  }
0x137: {  	[tilespmem:v11+s24+$0x0] =	vst.idx.msk $0xffff, v10  }
0x138: {  	v10 =	vld.idx.msk [tilespmem:v13+s4+$0x0], $0xffff  }
0x139: {  	v11 =	vor.u32 v3, v9  }
0x13a: {  	v13 =	vor.u32 v4, v12;
	_ =	sdelay $0x3  }
0x13b: {  	[tilespmem:v11+s24+$0x0] =	vst.idx.msk $0xffff, v10  }
0x13c: {  	v13 =	vld.idx.msk [tilespmem:v13+s4+$0x0], $0xffff  }
0x13d: {  	v14 =	vor.u32 v5, v9  }
.Ltmp6:
0x13e: {  	v10 =	vor.u32 v6, v12;
	(pc) =	sbr.rel @p3 .LBB2_16-.Ltmp6, $2  }
0x13f: {  	_ =	sdelay $0x2  }
0x140: {  	v11 =	vadd.s32 s2, v0;
	s2 =	sadd.s32 $0x1, s2;
	[tilespmem:v14+s24+$0x0] =	vst.idx.msk $0xffff, v13  }
0x141: {  	_ =	sdelay $0x2  }
0x142: {  	v11 =	vand.u32 $0xF, v11  }
0x143: {  	v10 =	vld.idx.msk [tilespmem:v10+s4+$0x0], $0xffff;
	v9 =	vor.u32 v7, v9;
	v12 =	vshll.u32 v11, $0x7  }
0x144: {  	v13 =	vor.u32 v0, v12;
	_ =	sdelay $0x3  }
0x145: {  	v8 =	vor.u32 v8, v11;
	[tilespmem:v9+s24+$0x0] =	vst.idx.msk $0xffff, v10  }
0x146: {  	v58 =	vor.u32 v1, v8;
	v9 =	vld.idx.msk [tilespmem:v13+s4+$0x0], $0xffff  }
0x147: {  	v59 =	vor.u32 v2, v12;
	_ =	sdelay $0x3  }
0x148: {  	[tilespmem:v58+s24+$0x0] =	vst.idx.msk $0xffff, v9  }
0x149: {  	v60 =	vor.u32 v3, v8;
	v9 =	vld.idx.msk [tilespmem:v59+s4+$0x0], $0xffff  }
0x14a: {  	v61 =	vor.u32 v4, v12;
	_ =	sdelay $0x3  }
0x14b: {  	[tilespmem:v60+s24+$0x0] =	vst.idx.msk $0xffff, v9  }
0x14c: {  	v62 =	vor.u32 v5, v8;
	v9 =	vld.idx.msk [tilespmem:v61+s4+$0x0], $0xffff  }
0x14d: {  	v63 =	vor.u32 v6, v12;
	_ =	sdelay $0x3  }
0x14e: {  	s3 =	sadd.s32 $0x1, s3;
	[tilespmem:v62+s24+$0x0] =	vst.idx.msk $0xffff, v9  }
0x14f: {  	p3 =	sne.s32 s3, $0x8;
	v8 =	vor.u32 v7, v8;
	v9 =	vld.idx.msk [tilespmem:v63+s4+$0x0], $0xffff  }
.Ltmp7:
0x150: {  	_ = 	snop;
	(pc) =	sbr.rel @p3 .LBB2_15-.Ltmp7, $2  }
0x151: {  	_ =	sdelay $0x2  }
0x152: {  	[tilespmem:v8+s24+$0x0] =	vst.idx.msk $0xffff, v9  }
0x153: {  	s2 =	sadd.s32 $0x180, s23  }
0x154: {  	[hbm4b:s2+s25] =	stream.strided.scatter [tilespmem:s24], [sflag:$0x10], $0x2000, s9, s25, $0x38;
	[tilespmem:$0x18400] =	vst v63  }
0x155: {  	_ =	swait.ge [sflag:s26], $0x80  }
0x156: {  	s2 =	sadd.s32 $0xC, s22;
	[sflag:s26] =	ssyncset.done $0x0  }
0x157: {  	s4 =	simm.s32 $0x380;
	p3 =	sge.u32 s2, s8;
	[sflag:s26] =	ssyncadd.s32 $0xFFFFFF80  }
0x158: {  	[tilespmem:s31], [sflag:$0xC] =	stream.indirect.gather [hbm4b:s6+s17], $0x80, s4, s17, $0xb8;
	[tilespmem:$0x18400] =	vst v63  }
0x159: {  	s3 =	sshll.u32 @!p3 s2, $0x7;
	s4 =	sshll.u32 @!p3 s2, $0xA  }
0x15a: {  	s3 =	sand.u32 @!p3 $0x7FFF8000, s3;
	s2 =	sshll.u32 @!p3 s2, $0x2;
	s4 =	sand.u32 @!p3 $0x7000, s4  }
0x15b: {  	s2 =	sand.u32 @!p3 $0x380, s2;
	s3 =	sor.u32 @!p3 s4, s3  }
0x15c: {  	_ =	swait.ge [sflag:s0], $0x4000;
	s2 =	sor.u32 @!p3 s2, s3  }
0x15d: {  	[sflag:s0] =	ssyncset.done $0x0;
	s4 =	simm.s32 @!p3 $0x200;
	s2 =	sshrl.u32 @!p3 s2, $0x3  }
0x15e: {  	[sflag:s0] =	ssyncadd.s32 $0xFFFFC000;
	s3 =	simm.s32 @!p3 $0x0;
	s2 =	sadd.s32 @!p3 s1, s2  }
0x15f: {  	[tilespmem:s4], [sflag:$0x5] =	stream.linear.gather @!p3 [hbm4b:s2+s3], $0x80, $0x38;
	[tilespmem:$0x18400] =	vst v63  }
0x160: {  	_ =	swait.ge [sflag:s29], $0x2000  }
0x161: {  	[sflag:s29] =	ssyncset.done $0x0  }
0x162: {  	s28 =	simm.s32 $0x0;
	s3 =	simm.s32 $0x0;
	[sflag:s29] =	ssyncadd.s32 $0xFFFFE000  }
.LBB2_19:
0x163: {  	v8 =	vadd.s32 s28, v0  }
0x164: {  	v9 =	vand.u32 $0xF, v8  }
0x165: {  	s2 =	sshll.u32 s3, $0x4;
	v10 =	vshll.u32 v9, $0x7  }
0x166: {  	v8 =	vmov s2;
	v11 =	vor.u32 v0, v10  }
0x167: {  	v8 =	vand.u32 $0x70, v8  }
0x168: {  	s4 =	sshll.u32 s3, $0xB;
	v8 =	vbroadcast v8, $0x0  }
0x169: {  	s2 =	sand.u32 $0x3FFFF800, s4  }
0x16a: {  	s4 =	sor.u32 $0x400, s2;
	v9 =	vor.u32 v8, v9  }
0x16b: {  	v12 =	vor.u32 v1, v9;
	v11 =	vld.idx.msk [tilespmem:v11+s4+$0x0], $0xffff  }
0x16c: {  	v13 =	vor.u32 v2, v10;
	_ =	sdelay $0x3  }
0x16d: {  	[tilespmem:v12+s18+$0x0] =	vst.idx.msk $0xffff, v11  }
0x16e: {  	v61 =	vor.u32 v3, v9;
	v11 =	vld.idx.msk [tilespmem:v13+s4+$0x0], $0xffff  }
0x16f: {  	v62 =	vor.u32 v4, v10;
	_ =	sdelay $0x3  }
0x170: {  	[tilespmem:v61+s18+$0x0] =	vst.idx.msk $0xffff, v11  }
0x171: {  	v63 =	vor.u32 v5, v9;
	v12 =	vld.idx.msk [tilespmem:v62+s4+$0x0], $0xffff  }
0x172: {  	v10 =	vor.u32 v6, v10;
	_ =	sdelay $0x2  }
0x173: {  	s2 =	simm.s32 $0x1  }
0x174: {  	v11 =	vadd.s32 s2, v0;
	s2 =	simm.s32 $0x2;
	[tilespmem:v63+s18+$0x0] =	vst.idx.msk $0xffff, v12  }
.LBB2_20:
0x175: {  	p3 =	sne.s32 s2, $0xF;
	v11 =	vand.u32 $0xF, v11;
	v10 =	vld.idx.msk [tilespmem:v10+s4+$0x0], $0xffff  }
0x176: {  	v9 =	vor.u32 v7, v9;
	v12 =	vshll.u32 v11, $0x7  }
0x177: {  	v13 =	vor.u32 v0, v12;
	_ =	sdelay $0x3  }
0x178: {  	[tilespmem:v9+s18+$0x0] =	vst.idx.msk $0xffff, v10  }
0x179: {  	v9 =	vor.u32 v8, v11;
	v10 =	vld.idx.msk [tilespmem:v13+s4+$0x0], $0xffff  }
0x17a: {  	v11 =	vor.u32 v1, v9  }
0x17b: {  	v13 =	vor.u32 v2, v12;
	_ =	sdelay $0x3  }
0x17c: {  	[tilespmem:v11+s18+$0x0] =	vst.idx.msk $0xffff, v10  }
0x17d: {  	v10 =	vld.idx.msk [tilespmem:v13+s4+$0x0], $0xffff  }
0x17e: {  	v11 =	vor.u32 v3, v9  }
0x17f: {  	v13 =	vor.u32 v4, v12;
	_ =	sdelay $0x3  }
0x180: {  	[tilespmem:v11+s18+$0x0] =	vst.idx.msk $0xffff, v10  }
0x181: {  	v13 =	vld.idx.msk [tilespmem:v13+s4+$0x0], $0xffff  }
0x182: {  	v14 =	vor.u32 v5, v9  }
.Ltmp8:
0x183: {  	v10 =	vor.u32 v6, v12;
	(pc) =	sbr.rel @p3 .LBB2_20-.Ltmp8, $2  }
0x184: {  	_ =	sdelay $0x2  }
0x185: {  	v11 =	vadd.s32 s2, v0;
	s2 =	sadd.s32 $0x1, s2;
	[tilespmem:v14+s18+$0x0] =	vst.idx.msk $0xffff, v13  }
0x186: {  	_ =	sdelay $0x2  }
0x187: {  	v11 =	vand.u32 $0xF, v11  }
0x188: {  	v10 =	vld.idx.msk [tilespmem:v10+s4+$0x0], $0xffff;
	v9 =	vor.u32 v7, v9;
	v12 =	vshll.u32 v11, $0x7  }
0x189: {  	v13 =	vor.u32 v0, v12;
	_ =	sdelay $0x3  }
0x18a: {  	v8 =	vor.u32 v8, v11;
	[tilespmem:v9+s18+$0x0] =	vst.idx.msk $0xffff, v10  }
0x18b: {  	v58 =	vor.u32 v1, v8;
	v9 =	vld.idx.msk [tilespmem:v13+s4+$0x0], $0xffff  }
0x18c: {  	v59 =	vor.u32 v2, v12;
	_ =	sdelay $0x3  }
0x18d: {  	[tilespmem:v58+s18+$0x0] =	vst.idx.msk $0xffff, v9  }
0x18e: {  	v60 =	vor.u32 v3, v8;
	v9 =	vld.idx.msk [tilespmem:v59+s4+$0x0], $0xffff  }
0x18f: {  	v61 =	vor.u32 v4, v12;
	_ =	sdelay $0x3  }
0x190: {  	[tilespmem:v60+s18+$0x0] =	vst.idx.msk $0xffff, v9  }
0x191: {  	v62 =	vor.u32 v5, v8;
	v9 =	vld.idx.msk [tilespmem:v61+s4+$0x0], $0xffff  }
0x192: {  	v63 =	vor.u32 v6, v12;
	_ =	sdelay $0x3  }
0x193: {  	s3 =	sadd.s32 $0x1, s3;
	[tilespmem:v62+s18+$0x0] =	vst.idx.msk $0xffff, v9  }
0x194: {  	p3 =	sne.s32 s3, $0x8;
	v8 =	vor.u32 v7, v8;
	v9 =	vld.idx.msk [tilespmem:v63+s4+$0x0], $0xffff  }
.Ltmp9:
0x195: {  	_ = 	snop;
	(pc) =	sbr.rel @p3 .LBB2_19-.Ltmp9, $2  }
0x196: {  	_ =	sdelay $0x2  }
0x197: {  	[tilespmem:v8+s18+$0x0] =	vst.idx.msk $0xffff, v9  }
0x198: {  	s2 =	sadd.s32 $0x200, s23  }
0x199: {  	[hbm4b:s2+s25] =	stream.strided.scatter [tilespmem:s18], [sflag:$0xD], $0x2000, s9, s25, $0x38;
	[tilespmem:$0x18400] =	vst v63  }
0x19a: {  	s2 =	simm.s32 @!p0 $0x1  }
0x19b: {  	_ =	swait.ge @!p0 [sflag:s2], $0x80  }
0x19c: {  	s3 =	simm.s32 @!p0 $0x0;
	[sflag:s2] =	ssyncset.done @!p0 $0x0  }
0x19d: {  	s4 =	simm.s32 @!p0 $0x400;
	[sflag:s2] =	ssyncadd.s32 @!p0 $0xFFFFFF80;
	s2 =	simm.s32 @!p0 $0x80  }
0x19e: {  	[tilespmem:s4], [sflag:$0x9] =	stream.indirect.gather @!p0 [hbm4b:s6+s2], $0x80, s3, s2, $0xb8;
	[tilespmem:$0x18400] =	vst v63  }
0x19f: {  	s2 =	sadd.s32 $0xD, s22  }
0x1a0: {  	p0 =	sge.u32 s2, s8  }
0x1a1: {  	s3 =	sshll.u32 @!p0 s2, $0x7;
	s4 =	sshll.u32 @!p0 s2, $0xA  }
0x1a2: {  	s2 =	sshll.u32 @!p0 s2, $0x2;
	s3 =	sand.u32 @!p0 $0x7FFF8000, s3;
	s4 =	sand.u32 @!p0 $0x7400, s4  }
0x1a3: {  	_ =	swait.ge [sflag:s11], $0x4000;
	s2 =	sand.u32 @!p0 $0x380, s2;
	s3 =	sor.u32 @!p0 s4, s3  }
0x1a4: {  	[sflag:s11] =	ssyncset.done $0x0;
	s2 =	sor.u32 @!p0 s2, s3  }
0x1a5: {  	[sflag:s11] =	ssyncadd.s32 $0xFFFFC000;
	s2 =	sshrl.u32 @!p0 s2, $0x3  }
0x1a6: {  	s4 =	simm.s32 @!p0 $0x280;
	s3 =	simm.s32 @!p0 $0x0;
	s2 =	sadd.s32 @!p0 s1, s2  }
0x1a7: {  	[tilespmem:s4], [sflag:$0x6] =	stream.linear.gather @!p0 [hbm4b:s2+s3], $0x80, $0x38;
	[tilespmem:$0x18400] =	vst v63  }
0x1a8: {  	_ =	swait.ge [sflag:s5], $0x2000  }
0x1a9: {  	[sflag:s5] =	ssyncset.done $0x0  }
0x1aa: {  	s28 =	simm.s32 $0x0;
	s3 =	simm.s32 $0x0;
	[sflag:s5] =	ssyncadd.s32 $0xFFFFE000  }
.LBB2_23:
0x1ab: {  	v8 =	vadd.s32 s28, v0  }
0x1ac: {  	v9 =	vand.u32 $0xF, v8  }
0x1ad: {  	s2 =	sshll.u32 s3, $0x4;
	v10 =	vshll.u32 v9, $0x7  }
0x1ae: {  	v8 =	vmov s2;
	v11 =	vor.u32 v0, v10  }
0x1af: {  	v8 =	vand.u32 $0x70, v8  }
0x1b0: {  	s4 =	sshll.u32 s3, $0xB;
	v8 =	vbroadcast v8, $0x0  }
0x1b1: {  	s2 =	sand.u32 $0x3FFFF800, s4  }
0x1b2: {  	s4 =	sadd.s32 $0x4400, s2;
	v9 =	vor.u32 v8, v9  }
0x1b3: {  	v12 =	vor.u32 v1, v9;
	v11 =	vld.idx.msk [tilespmem:v11+s4+$0x0], $0xffff  }
0x1b4: {  	v13 =	vor.u32 v2, v10;
	_ =	sdelay $0x3  }
0x1b5: {  	[tilespmem:v12+s12+$0x0] =	vst.idx.msk $0xffff, v11  }
0x1b6: {  	v61 =	vor.u32 v3, v9;
	v11 =	vld.idx.msk [tilespmem:v13+s4+$0x0], $0xffff  }
0x1b7: {  	v62 =	vor.u32 v4, v10;
	_ =	sdelay $0x3  }
0x1b8: {  	[tilespmem:v61+s12+$0x0] =	vst.idx.msk $0xffff, v11  }
0x1b9: {  	v63 =	vor.u32 v5, v9;
	v12 =	vld.idx.msk [tilespmem:v62+s4+$0x0], $0xffff  }
0x1ba: {  	v10 =	vor.u32 v6, v10;
	_ =	sdelay $0x2  }
0x1bb: {  	s2 =	simm.s32 $0x1  }
0x1bc: {  	v11 =	vadd.s32 s2, v0;
	s2 =	simm.s32 $0x2;
	[tilespmem:v63+s12+$0x0] =	vst.idx.msk $0xffff, v12  }
.LBB2_24:
0x1bd: {  	p0 =	sne.s32 s2, $0xF;
	v11 =	vand.u32 $0xF, v11;
	v10 =	vld.idx.msk [tilespmem:v10+s4+$0x0], $0xffff  }
0x1be: {  	v9 =	vor.u32 v7, v9;
	v12 =	vshll.u32 v11, $0x7  }
0x1bf: {  	v13 =	vor.u32 v0, v12;
	_ =	sdelay $0x3  }
0x1c0: {  	[tilespmem:v9+s12+$0x0] =	vst.idx.msk $0xffff, v10  }
0x1c1: {  	v9 =	vor.u32 v8, v11;
	v10 =	vld.idx.msk [tilespmem:v13+s4+$0x0], $0xffff  }
0x1c2: {  	v11 =	vor.u32 v1, v9  }
0x1c3: {  	v13 =	vor.u32 v2, v12;
	_ =	sdelay $0x3  }
0x1c4: {  	[tilespmem:v11+s12+$0x0] =	vst.idx.msk $0xffff, v10  }
0x1c5: {  	v10 =	vld.idx.msk [tilespmem:v13+s4+$0x0], $0xffff  }
0x1c6: {  	v11 =	vor.u32 v3, v9  }
0x1c7: {  	v13 =	vor.u32 v4, v12;
	_ =	sdelay $0x3  }
0x1c8: {  	[tilespmem:v11+s12+$0x0] =	vst.idx.msk $0xffff, v10  }
0x1c9: {  	v13 =	vld.idx.msk [tilespmem:v13+s4+$0x0], $0xffff  }
0x1ca: {  	v14 =	vor.u32 v5, v9  }
.Ltmp10:
0x1cb: {  	v10 =	vor.u32 v6, v12;
	(pc) =	sbr.rel @p0 .LBB2_24-.Ltmp10, $2  }
0x1cc: {  	_ =	sdelay $0x2  }
0x1cd: {  	v11 =	vadd.s32 s2, v0;
	s2 =	sadd.s32 $0x1, s2;
	[tilespmem:v14+s12+$0x0] =	vst.idx.msk $0xffff, v13  }
0x1ce: {  	_ =	sdelay $0x2  }
0x1cf: {  	v11 =	vand.u32 $0xF, v11  }
0x1d0: {  	v10 =	vld.idx.msk [tilespmem:v10+s4+$0x0], $0xffff;
	v9 =	vor.u32 v7, v9;
	v12 =	vshll.u32 v11, $0x7  }
0x1d1: {  	v13 =	vor.u32 v0, v12;
	_ =	sdelay $0x3  }
0x1d2: {  	v8 =	vor.u32 v8, v11;
	[tilespmem:v9+s12+$0x0] =	vst.idx.msk $0xffff, v10  }
0x1d3: {  	v58 =	vor.u32 v1, v8;
	v9 =	vld.idx.msk [tilespmem:v13+s4+$0x0], $0xffff  }
0x1d4: {  	v59 =	vor.u32 v2, v12;
	_ =	sdelay $0x3  }
0x1d5: {  	[tilespmem:v58+s12+$0x0] =	vst.idx.msk $0xffff, v9  }
0x1d6: {  	v60 =	vor.u32 v3, v8;
	v9 =	vld.idx.msk [tilespmem:v59+s4+$0x0], $0xffff  }
0x1d7: {  	v61 =	vor.u32 v4, v12;
	_ =	sdelay $0x3  }
0x1d8: {  	[tilespmem:v60+s12+$0x0] =	vst.idx.msk $0xffff, v9  }
0x1d9: {  	v62 =	vor.u32 v5, v8;
	v9 =	vld.idx.msk [tilespmem:v61+s4+$0x0], $0xffff  }
0x1da: {  	v63 =	vor.u32 v6, v12;
	_ =	sdelay $0x3  }
0x1db: {  	s3 =	sadd.s32 $0x1, s3;
	[tilespmem:v62+s12+$0x0] =	vst.idx.msk $0xffff, v9  }
0x1dc: {  	p0 =	sne.s32 s3, $0x8;
	v8 =	vor.u32 v7, v8;
	v9 =	vld.idx.msk [tilespmem:v63+s4+$0x0], $0xffff  }
.Ltmp11:
0x1dd: {  	_ = 	snop;
	(pc) =	sbr.rel @p0 .LBB2_23-.Ltmp11, $2  }
0x1de: {  	_ =	sdelay $0x2  }
0x1df: {  	[tilespmem:v8+s12+$0x0] =	vst.idx.msk $0xffff, v9  }
0x1e0: {  	s2 =	sadd.s32 $0x280, s23  }
0x1e1: {  	[hbm4b:s2+s25] =	stream.strided.scatter [tilespmem:s12], [sflag:$0xE], $0x2000, s9, s25, $0x38;
	[tilespmem:$0x18400] =	vst v63  }
0x1e2: {  	s2 =	simm.s32 @!p2 $0x2  }
0x1e3: {  	_ =	swait.ge @!p2 [sflag:s2], $0x80  }
0x1e4: {  	[sflag:s2] =	ssyncset.done @!p2 $0x0  }
0x1e5: {  	s3 =	simm.s32 @!p2 $0x4400;
	[sflag:s2] =	ssyncadd.s32 @!p2 $0xFFFFFF80;
	s2 =	simm.s32 @!p2 $0x80  }
0x1e6: {  	[tilespmem:s3], [sflag:$0xA] =	stream.indirect.gather @!p2 [hbm4b:s6+s2], $0x80, s2, s2, $0xb8;
	[tilespmem:$0x18400] =	vst v63  }
0x1e7: {  	s2 =	sadd.s32 $0xE, s22  }
0x1e8: {  	p0 =	sge.u32 s2, s8  }
0x1e9: {  	s3 =	sshll.u32 @!p0 s2, $0x7;
	s4 =	sshll.u32 @!p0 s2, $0xA  }
0x1ea: {  	s2 =	sshll.u32 @!p0 s2, $0x2;
	s3 =	sand.u32 @!p0 $0x7FFF8000, s3;
	s4 =	sand.u32 @!p0 $0x7800, s4  }
0x1eb: {  	_ =	swait.ge [sflag:s14], $0x4000;
	s2 =	sand.u32 @!p0 $0x380, s2;
	s3 =	sor.u32 @!p0 s4, s3  }
0x1ec: {  	[sflag:s14] =	ssyncset.done $0x0;
	s2 =	sor.u32 @!p0 s2, s3  }
0x1ed: {  	[sflag:s14] =	ssyncadd.s32 $0xFFFFC000;
	s2 =	sshrl.u32 @!p0 s2, $0x3  }
0x1ee: {  	s4 =	simm.s32 @!p0 $0x300;
	s3 =	simm.s32 @!p0 $0x0;
	s2 =	sadd.s32 @!p0 s1, s2  }
0x1ef: {  	[tilespmem:s4], [sflag:$0x7] =	stream.linear.gather @!p0 [hbm4b:s2+s3], $0x80, $0x38;
	[tilespmem:$0x18400] =	vst v63  }
0x1f0: {  	_ =	swait.ge [sflag:s19], $0x2000  }
0x1f1: {  	[sflag:s19] =	ssyncset.done $0x0  }
0x1f2: {  	s28 =	simm.s32 $0x0;
	s3 =	simm.s32 $0x0;
	[sflag:s19] =	ssyncadd.s32 $0xFFFFE000  }
.LBB2_27:
0x1f3: {  	v8 =	vadd.s32 s28, v0  }
0x1f4: {  	v9 =	vand.u32 $0xF, v8  }
0x1f5: {  	s2 =	sshll.u32 s3, $0x4;
	v10 =	vshll.u32 v9, $0x7  }
0x1f6: {  	v8 =	vmov s2;
	v11 =	vor.u32 v0, v10  }
0x1f7: {  	v8 =	vand.u32 $0x70, v8  }
0x1f8: {  	s4 =	sshll.u32 s3, $0xB;
	v8 =	vbroadcast v8, $0x0  }
0x1f9: {  	s2 =	sand.u32 $0x3FFFF800, s4  }
0x1fa: {  	s4 =	sadd.s32 $0x8400, s2;
	v9 =	vor.u32 v8, v9  }
0x1fb: {  	v12 =	vor.u32 v1, v9;
	v11 =	vld.idx.msk [tilespmem:v11+s4+$0x0], $0xffff  }
0x1fc: {  	v13 =	vor.u32 v2, v10;
	_ =	sdelay $0x3  }
0x1fd: {  	[tilespmem:v12+s15+$0x0] =	vst.idx.msk $0xffff, v11  }
0x1fe: {  	v61 =	vor.u32 v3, v9;
	v11 =	vld.idx.msk [tilespmem:v13+s4+$0x0], $0xffff  }
0x1ff: {  	v62 =	vor.u32 v4, v10;
	_ =	sdelay $0x3  }
0x200: {  	[tilespmem:v61+s15+$0x0] =	vst.idx.msk $0xffff, v11  }
0x201: {  	v63 =	vor.u32 v5, v9;
	v12 =	vld.idx.msk [tilespmem:v62+s4+$0x0], $0xffff  }
0x202: {  	v10 =	vor.u32 v6, v10;
	_ =	sdelay $0x2  }
0x203: {  	s2 =	simm.s32 $0x1  }
0x204: {  	v11 =	vadd.s32 s2, v0;
	s2 =	simm.s32 $0x2;
	[tilespmem:v63+s15+$0x0] =	vst.idx.msk $0xffff, v12  }
.LBB2_28:
0x205: {  	p0 =	sne.s32 s2, $0xF;
	v11 =	vand.u32 $0xF, v11;
	v10 =	vld.idx.msk [tilespmem:v10+s4+$0x0], $0xffff  }
0x206: {  	v9 =	vor.u32 v7, v9;
	v12 =	vshll.u32 v11, $0x7  }
0x207: {  	v13 =	vor.u32 v0, v12;
	_ =	sdelay $0x3  }
0x208: {  	[tilespmem:v9+s15+$0x0] =	vst.idx.msk $0xffff, v10  }
0x209: {  	v9 =	vor.u32 v8, v11;
	v10 =	vld.idx.msk [tilespmem:v13+s4+$0x0], $0xffff  }
0x20a: {  	v11 =	vor.u32 v1, v9  }
0x20b: {  	v13 =	vor.u32 v2, v12;
	_ =	sdelay $0x3  }
0x20c: {  	[tilespmem:v11+s15+$0x0] =	vst.idx.msk $0xffff, v10  }
0x20d: {  	v10 =	vld.idx.msk [tilespmem:v13+s4+$0x0], $0xffff  }
0x20e: {  	v11 =	vor.u32 v3, v9  }
0x20f: {  	v13 =	vor.u32 v4, v12;
	_ =	sdelay $0x3  }
0x210: {  	[tilespmem:v11+s15+$0x0] =	vst.idx.msk $0xffff, v10  }
0x211: {  	v13 =	vld.idx.msk [tilespmem:v13+s4+$0x0], $0xffff  }
0x212: {  	v14 =	vor.u32 v5, v9  }
.Ltmp12:
0x213: {  	v10 =	vor.u32 v6, v12;
	(pc) =	sbr.rel @p0 .LBB2_28-.Ltmp12, $2  }
0x214: {  	_ =	sdelay $0x2  }
0x215: {  	v11 =	vadd.s32 s2, v0;
	s2 =	sadd.s32 $0x1, s2;
	[tilespmem:v14+s15+$0x0] =	vst.idx.msk $0xffff, v13  }
0x216: {  	_ =	sdelay $0x2  }
0x217: {  	v11 =	vand.u32 $0xF, v11  }
0x218: {  	v10 =	vld.idx.msk [tilespmem:v10+s4+$0x0], $0xffff;
	v9 =	vor.u32 v7, v9;
	v12 =	vshll.u32 v11, $0x7  }
0x219: {  	v13 =	vor.u32 v0, v12;
	_ =	sdelay $0x3  }
0x21a: {  	v8 =	vor.u32 v8, v11;
	[tilespmem:v9+s15+$0x0] =	vst.idx.msk $0xffff, v10  }
0x21b: {  	v58 =	vor.u32 v1, v8;
	v9 =	vld.idx.msk [tilespmem:v13+s4+$0x0], $0xffff  }
0x21c: {  	v59 =	vor.u32 v2, v12;
	_ =	sdelay $0x3  }
0x21d: {  	[tilespmem:v58+s15+$0x0] =	vst.idx.msk $0xffff, v9  }
0x21e: {  	v60 =	vor.u32 v3, v8;
	v9 =	vld.idx.msk [tilespmem:v59+s4+$0x0], $0xffff  }
0x21f: {  	v61 =	vor.u32 v4, v12;
	_ =	sdelay $0x3  }
0x220: {  	[tilespmem:v60+s15+$0x0] =	vst.idx.msk $0xffff, v9  }
0x221: {  	v62 =	vor.u32 v5, v8;
	v9 =	vld.idx.msk [tilespmem:v61+s4+$0x0], $0xffff  }
0x222: {  	v63 =	vor.u32 v6, v12;
	_ =	sdelay $0x3  }
0x223: {  	s3 =	sadd.s32 $0x1, s3;
	[tilespmem:v62+s15+$0x0] =	vst.idx.msk $0xffff, v9  }
0x224: {  	p0 =	sne.s32 s3, $0x8;
	v8 =	vor.u32 v7, v8;
	v9 =	vld.idx.msk [tilespmem:v63+s4+$0x0], $0xffff  }
.Ltmp13:
0x225: {  	_ = 	snop;
	(pc) =	sbr.rel @p0 .LBB2_27-.Ltmp13, $2  }
0x226: {  	_ =	sdelay $0x2  }
0x227: {  	[tilespmem:v8+s15+$0x0] =	vst.idx.msk $0xffff, v9  }
0x228: {  	s2 =	sadd.s32 $0x300, s23  }
0x229: {  	[hbm4b:s2+s25] =	stream.strided.scatter [tilespmem:s15], [sflag:$0xF], $0x2000, s9, s25, $0x38;
	[tilespmem:$0x18400] =	vst v63  }
0x22a: {  	s2 =	simm.s32 @!p1 $0x3  }
0x22b: {  	_ =	swait.ge @!p1 [sflag:s2], $0x80  }
0x22c: {  	s3 =	simm.s32 @!p1 $0x100;
	[sflag:s2] =	ssyncset.done @!p1 $0x0  }
0x22d: {  	s4 =	simm.s32 @!p1 $0x8400;
	[sflag:s2] =	ssyncadd.s32 @!p1 $0xFFFFFF80;
	s2 =	simm.s32 @!p1 $0x80  }
0x22e: {  	[tilespmem:s4], [sflag:$0xB] =	stream.indirect.gather @!p1 [hbm4b:s6+s2], $0x80, s3, s2, $0xb8;
	[tilespmem:$0x18400] =	vst v63  }
0x22f: {  	s2 =	sadd.s32 $0xF, s22  }
0x230: {  	p0 =	sge.u32 s2, s8  }
0x231: {  	s3 =	sshll.u32 @!p0 s2, $0x7;
	s4 =	sshll.u32 @!p0 s2, $0xA  }
0x232: {  	s2 =	sshll.u32 @!p0 s2, $0x2;
	s3 =	sand.u32 @!p0 $0x7FFF8000, s3;
	s4 =	sand.u32 @!p0 $0x7C00, s4  }
0x233: {  	_ =	swait.ge [sflag:s7], $0x4000;
	s2 =	sand.u32 @!p0 $0x380, s2;
	s3 =	sor.u32 @!p0 s4, s3  }
0x234: {  	[sflag:s7] =	ssyncset.done $0x0;
	s2 =	sor.u32 @!p0 s2, s3  }
0x235: {  	[sflag:s7] =	ssyncadd.s32 $0xFFFFC000;
	s2 =	sshrl.u32 @!p0 s2, $0x3  }
0x236: {  	s4 =	simm.s32 @!p0 $0x380;
	s3 =	simm.s32 @!p0 $0x0;
	s2 =	sadd.s32 @!p0 s1, s2  }
0x237: {  	[tilespmem:s4], [sflag:$0x8] =	stream.linear.gather @!p0 [hbm4b:s2+s3], $0x80, $0x38;
	[tilespmem:$0x18400] =	vst v63  }
0x238: {  	_ =	swait.ge [sflag:s20], $0x2000  }
0x239: {  	[sflag:s20] =	ssyncset.done $0x0  }
0x23a: {  	s22 =	simm.s32 $0x0;
	s3 =	simm.s32 $0x0;
	[sflag:s20] =	ssyncadd.s32 $0xFFFFE000  }
.LBB2_31:
0x23b: {  	v8 =	vadd.s32 s22, v0  }
0x23c: {  	v9 =	vand.u32 $0xF, v8  }
0x23d: {  	s2 =	sshll.u32 s3, $0x4;
	v10 =	vshll.u32 v9, $0x7  }
0x23e: {  	v8 =	vmov s2;
	v11 =	vor.u32 v0, v10  }
0x23f: {  	v8 =	vand.u32 $0x70, v8  }
0x240: {  	s4 =	sshll.u32 s3, $0xB;
	v8 =	vbroadcast v8, $0x0  }
0x241: {  	s2 =	sand.u32 $0x3FFFF800, s4  }
0x242: {  	s4 =	sadd.s32 $0xC400, s2;
	v9 =	vor.u32 v8, v9  }
0x243: {  	v12 =	vor.u32 v1, v9;
	v11 =	vld.idx.msk [tilespmem:v11+s4+$0x0], $0xffff  }
0x244: {  	v13 =	vor.u32 v2, v10;
	_ =	sdelay $0x3  }
0x245: {  	[tilespmem:v12+s24+$0x0] =	vst.idx.msk $0xffff, v11  }
0x246: {  	v61 =	vor.u32 v3, v9;
	v11 =	vld.idx.msk [tilespmem:v13+s4+$0x0], $0xffff  }
0x247: {  	v62 =	vor.u32 v4, v10;
	_ =	sdelay $0x3  }
0x248: {  	[tilespmem:v61+s24+$0x0] =	vst.idx.msk $0xffff, v11  }
0x249: {  	v63 =	vor.u32 v5, v9;
	v12 =	vld.idx.msk [tilespmem:v62+s4+$0x0], $0xffff  }
0x24a: {  	v10 =	vor.u32 v6, v10;
	_ =	sdelay $0x2  }
0x24b: {  	s28 =	simm.s32 $0x1  }
0x24c: {  	s2 =	simm.s32 $0x2;
	v11 =	vadd.s32 s28, v0;
	[tilespmem:v63+s24+$0x0] =	vst.idx.msk $0xffff, v12  }
.LBB2_32:
0x24d: {  	p0 =	sne.s32 s2, $0xF;
	v11 =	vand.u32 $0xF, v11;
	v10 =	vld.idx.msk [tilespmem:v10+s4+$0x0], $0xffff  }
0x24e: {  	v9 =	vor.u32 v7, v9;
	v12 =	vshll.u32 v11, $0x7  }
0x24f: {  	v13 =	vor.u32 v0, v12;
	_ =	sdelay $0x3  }
0x250: {  	[tilespmem:v9+s24+$0x0] =	vst.idx.msk $0xffff, v10  }
0x251: {  	v9 =	vor.u32 v8, v11;
	v10 =	vld.idx.msk [tilespmem:v13+s4+$0x0], $0xffff  }
0x252: {  	v11 =	vor.u32 v1, v9  }
0x253: {  	v13 =	vor.u32 v2, v12;
	_ =	sdelay $0x3  }
0x254: {  	[tilespmem:v11+s24+$0x0] =	vst.idx.msk $0xffff, v10  }
0x255: {  	v10 =	vld.idx.msk [tilespmem:v13+s4+$0x0], $0xffff  }
0x256: {  	v11 =	vor.u32 v3, v9  }
0x257: {  	v13 =	vor.u32 v4, v12;
	_ =	sdelay $0x3  }
0x258: {  	[tilespmem:v11+s24+$0x0] =	vst.idx.msk $0xffff, v10  }
0x259: {  	v13 =	vld.idx.msk [tilespmem:v13+s4+$0x0], $0xffff  }
0x25a: {  	v14 =	vor.u32 v5, v9  }
.Ltmp14:
0x25b: {  	v10 =	vor.u32 v6, v12;
	(pc) =	sbr.rel @p0 .LBB2_32-.Ltmp14, $2  }
0x25c: {  	_ =	sdelay $0x2  }
0x25d: {  	v11 =	vadd.s32 s2, v0;
	s2 =	sadd.s32 $0x1, s2;
	[tilespmem:v14+s24+$0x0] =	vst.idx.msk $0xffff, v13  }
0x25e: {  	_ =	sdelay $0x2  }
0x25f: {  	v11 =	vand.u32 $0xF, v11  }
0x260: {  	v10 =	vld.idx.msk [tilespmem:v10+s4+$0x0], $0xffff;
	v9 =	vor.u32 v7, v9;
	v12 =	vshll.u32 v11, $0x7  }
0x261: {  	v13 =	vor.u32 v0, v12;
	_ =	sdelay $0x3  }
0x262: {  	v8 =	vor.u32 v8, v11;
	[tilespmem:v9+s24+$0x0] =	vst.idx.msk $0xffff, v10  }
0x263: {  	v58 =	vor.u32 v1, v8;
	v9 =	vld.idx.msk [tilespmem:v13+s4+$0x0], $0xffff  }
0x264: {  	v59 =	vor.u32 v2, v12;
	_ =	sdelay $0x3  }
0x265: {  	[tilespmem:v58+s24+$0x0] =	vst.idx.msk $0xffff, v9  }
0x266: {  	v60 =	vor.u32 v3, v8;
	v9 =	vld.idx.msk [tilespmem:v59+s4+$0x0], $0xffff  }
0x267: {  	v61 =	vor.u32 v4, v12;
	_ =	sdelay $0x3  }
0x268: {  	[tilespmem:v60+s24+$0x0] =	vst.idx.msk $0xffff, v9  }
0x269: {  	v62 =	vor.u32 v5, v8;
	v9 =	vld.idx.msk [tilespmem:v61+s4+$0x0], $0xffff  }
0x26a: {  	v63 =	vor.u32 v6, v12;
	_ =	sdelay $0x3  }
0x26b: {  	s3 =	sadd.s32 $0x1, s3;
	[tilespmem:v62+s24+$0x0] =	vst.idx.msk $0xffff, v9  }
0x26c: {  	p0 =	sne.s32 s3, $0x8;
	v8 =	vor.u32 v7, v8;
	v9 =	vld.idx.msk [tilespmem:v63+s4+$0x0], $0xffff  }
.Ltmp15:
0x26d: {  	_ = 	snop;
	(pc) =	sbr.rel @p0 .LBB2_31-.Ltmp15, $2  }
0x26e: {  	_ =	sdelay $0x2  }
0x26f: {  	[tilespmem:v8+s24+$0x0] =	vst.idx.msk $0xffff, v9  }
0x270: {  	s21 =	sadd.s32 $0x1, s21  }
0x271: {  	p0 =	sne.s32 s21, $0x19  }
.Ltmp16:
0x272: {  	_ = 	snop;
	(pc) =	sbr.rel @p0 .LBB2_2-.Ltmp16, $3  }
0x273: {  	_ =	sdelay $0x1  }
0x274: {  	s2 =	sadd.s32 $0x380, s23  }
0x275: {  	[hbm4b:s2+s25] =	stream.strided.scatter [tilespmem:s24], [sflag:$0x10], $0x2000, s9, s25, $0x38;
	[tilespmem:$0x18400] =	vst v63  }
0x276: {  	_ =	swait.ge [sflag:s29], $0x2000  }
0x277: {  	[sflag:s29] =	ssyncset.done $0x0  }
0x278: {  	[sflag:s29] =	ssyncadd.s32 $0xFFFFE000  }
0x279: {  	_ =	swait.ge [sflag:s5], $0x2000  }
0x27a: {  	[sflag:s5] =	ssyncset.done $0x0  }
0x27b: {  	[sflag:s5] =	ssyncadd.s32 $0xFFFFE000  }
0x27c: {  	_ =	swait.ge [sflag:s19], $0x2000  }
0x27d: {  	[sflag:s19] =	ssyncset.done $0x0  }
0x27e: {  	[sflag:s19] =	ssyncadd.s32 $0xFFFFE000  }
0x27f: {  	_ =	swait.ge [sflag:s20], $0x2000  }
0x280: {  	s3 =	rddreg [dreg:$0xe]  }
0x281: {  	s2 =	rddreg [dreg:$0xd];
	s3 =	sadd.s32 $0x1, s3  }
0x282: {  	p0 =	sne.s32 s3, s2  }
.Ltmp17:
0x283: {  	_ = 	snop;
	(pc) =	sbr.rel @p0 .LBB2_1-.Ltmp17, $3  }
0x284: {  	_ =	sdelay $0x1  }
0x285: {  	[sflag:s20] =	ssyncset.done $0x0  }
0x286: {  	[sflag:s20] =	ssyncadd.s32 $0xFFFFE000  }
0x287: {  	_ =	sfence.sel $0x180000  }
0x288: {  	[bflag:$0x0] =	sbarrier.arrive $0xFFFF  }
0x289: {  	_ =	strace $0x90000047  }
0x28a: {  	s0 =	stileid.u32;
	[bflag:$0x2] =	sbarrier.arrive $0xFFFF  }
0x28b: {  	p0 =	sne.s32 s0, $0x0;
	s0 =	rddreg [dreg:$0x3]  }
0x28c: {  	s0 =	sadd.s32 @!p0 $0x100000, s0  }
0x28d: {  	[sflag:s0] =	ssyncadd.tile.s32 @!p0 $0x1;
	_ =	shalt  }
.Lfunc_end2:
_tile_overlayer_lowered:
.L_overlay_start_2:
0x28e: {  	(tag) =	ssettag $0x2  }
0x28f: {  	s0 =	rddreg [dreg:$0x0];
	s2 =	stileid.u32  }
0x290: {  	s1 =	rddreg [dreg:$0x1];
	p0 =	sne.s32 s2, $0x0  }
0x291: {  	s3 =	rddreg [dreg:$0x2];
	[bflag:$0x3] =	sbarrier.arrive $0xFFFF;
	s2 =	simm.s32 @!p0 $0x1C11  }
0x292: {  	[timem:s3], [sflag:s2] =	dma.local @!p0 [hbm:s0], s1  }
0x293: {  	s0 =	simm.s32 @!p0 $0x11  }
0x294: {  	_ =	swait.ge @!p0 [sflag:s0], s1  }
0x295: {  	s1 =	ssub.s32 @!p0 $0x0, s1;
	[sflag:s0] =	ssyncset.done @!p0 $0x0  }
0x296: {  	[sflag:s0] =	ssyncadd.s32 @!p0 s1  }
0x297: {  	[bflag:$0x3] =	sbarrier.arrive $0xFFFF  }
0x298: {  	_ =	shalt  }

</sc_bundles>
